<compile_context>
chip_gen: v7x
topology: tpu7x:2x2x1
jax: 0.10.2.dev20260603
libtpu: 0.0.44.dev20260713+nightly
codegen_flags: <defaults>
</compile_context>

<pallas_src>
import functools

import jax
import jax.numpy as jnp
from jax import lax
from jax.experimental import pallas as pl
from jax.experimental.pallas import tpu as pltpu
from jax.experimental.pallas import tpu_sc as plsc

F32 = jnp.float32
NC, NS, CH, TRASH = 2, 16, 128, 128


def _pad_to(x, m):
    return (x + m - 1) // m * m


def _dims(n_u, n_v):
    half = _pad_to((n_u + 1) // 2, 8)
    own = _pad_to(half, 8 * NS)
    n_vp = _pad_to(n_v, 8 * NS)
    return half, own, n_vp


def _make_pre(n_u, n_v):
    def pre_body(fu, fv, su, sv, w0, wsu, bsu, wsv, bsv,
                 msg_u, msg_v, shu, shv):
        msg_u[0:n_u, :] = jnp.dot(fu[...], w0[...],
                                  preferred_element_type=F32)
        msg_v[0:n_v, :] = jnp.dot(fv[...], w0[...],
                                  preferred_element_type=F32)
        dn = (((1,), (1,)), ((), ()))
        shu[...] = jnp.maximum(
            lax.dot_general(su[...], wsu[...], dn,
                            preferred_element_type=F32) + bsu[...], 0.0)
        shv[...] = jnp.maximum(
            lax.dot_general(sv[...], wsv[...], dn,
                            preferred_element_type=F32) + bsv[...], 0.0)
    return pre_body


def _make_sc_agg(n_u, n_v, e, h):
    half, own, n_vp = _dims(n_u, n_v)
    acc_r = own + TRASH
    ept = e // NS
    nfull = ept // CH
    tail = ept - nfull * CH
    assert tail % 16 == 0 and ept % 8 == 0
    rz = acc_r // NS
    r_own = own // NS
    r_v = n_vp // NS
    ZB = 8
    assert rz % ZB == 0 and r_v % ZB == 0 and TRASH % ZB == 0

    mesh = plsc.VectorSubcoreMesh(core_axis_name="c", subcore_axis_name="s")

    NBUF = 4
    scratch = (
        [pltpu.VMEM((CH,), jnp.int32) for _ in range(NBUF)]
        + [pltpu.VMEM((CH,), jnp.int32) for _ in range(NBUF)]
        + [pltpu.VMEM((CH,), jnp.int32) for _ in range(NBUF)]
        + [pltpu.VMEM((CH, h), F32) for _ in range(NBUF)]
        + [pltpu.VMEM((ZB, h), F32)]
        + [pltpu.VMEM_SHARED((acc_r, h), F32),
           pltpu.VMEM_SHARED((n_vp, h), F32)]
        + [pltpu.SemaphoreType.DMA for _ in range(4 * NBUF + 1)]
    )
    if tail:
        scratch += [
            pltpu.VMEM((tail,), jnp.int32),
            pltpu.VMEM((tail, h), F32),
        ]

    @functools.partial(
        pl.kernel,
        out_type=[jax.ShapeDtypeStruct((NC * own, h), F32),
                  jax.ShapeDtypeStruct((NC * n_vp, h), F32)],
        mesh=mesh,
        scratch_types=scratch,
    )
    def sc_agg(msgu_hbm, msgv_hbm, src_hbm, dst_hbm, out_u, out_v,
               *refs):
        ics = refs[0:NBUF]
        icd = refs[NBUF:2 * NBUF]
        im = refs[2 * NBUF:3 * NBUF]
        rows = refs[3 * NBUF:4 * NBUF]
        zbuf, sp_big, sp_small = refs[4 * NBUF:3 + 4 * NBUF]
        sems = refs[3 + 4 * NBUF:4 + 8 * NBUF]
        isem, dsem = sems[0:NBUF], sems[NBUF:2 * NBUF]
        gs, ss = sems[2 * NBUF:3 * NBUF], sems[3 * NBUF:4 * NBUF]
        sem1 = sems[4 * NBUF]
        tail_bufs = refs[4 + 8 * NBUF:]

        c = lax.axis_index("c")
        s = lax.axis_index("s")
        lo = c * half
        base = s * ept
        lane = lax.iota(jnp.int32, 16)
        ngrp = nfull // NBUF

        def zrow(r, carry):
            for k in range(h // 16):
                zbuf[r, pl.ds(k * 16, 16)] = jnp.zeros((16,), F32)
            return carry
        lax.fori_loop(0, ZB, zrow, 0)

        def zero_spmem(ref, r0, n):
            def zcp(t, carry):
                pltpu.sync_copy(zbuf, ref.at[pl.ds(r0 + t * ZB, ZB)])
                return carry
            lax.fori_loop(0, n // ZB, zcp, 0)

        def remap(dref, mref, n, salt):
            for k in range(n // 16):
                dv = dref[pl.ds(k * 16, 16)]
                ok = (dv >= lo) & (dv < lo + half)
                alt = own + jnp.bitwise_and(salt + k, 7) * 16 + lane
                mref[pl.ds(k * 16, 16)] = jnp.where(ok, dv - lo, alt)

        pltpu.sync_copy(msgv_hbm.at[pl.ds(s * r_v, r_v)],
                        sp_small.at[pl.ds(s * r_v, r_v)])
        zero_spmem(sp_big, s * rz, rz)
        plsc.subcore_barrier()

        def grp_u(g, carry):
            jb = g * NBUF
            di = []
            for q in range(NBUF):
                off = base + (jb + q) * CH
                di.append((
                    pltpu.async_copy(src_hbm.at[pl.ds(off, CH)],
                                     ics[q], isem[q]),
                    pltpu.async_copy(dst_hbm.at[pl.ds(off, CH)],
                                     icd[q], dsem[q])))
            gd = []
            for q in range(NBUF):
                di[q][0].wait()
                di[q][1].wait()
                remap(icd[q], im[q], CH, jb + q)
                gd.append(pltpu.async_copy(
                    sp_small.at[ics[q]], rows[q], gs[q]))
            sd = []
            for q in range(NBUF):
                gd[q].wait()
                sd.append(pltpu.async_copy(
                    rows[q], sp_big.at[im[q]], ss[q], add=True))
            for q in range(NBUF):
                sd[q].wait()
            return carry
        lax.fori_loop(0, ngrp, grp_u, 0)
        for j in range(ngrp * NBUF, nfull):
            off = base + j * CH
            pltpu.sync_copy(src_hbm.at[pl.ds(off, CH)], ics[0])
            pltpu.sync_copy(dst_hbm.at[pl.ds(off, CH)], icd[0])
            remap(icd[0], im[0], CH, j)
            pltpu.async_copy(sp_small.at[ics[0]], rows[0], gs[0]).wait()
            pltpu.sync_copy(rows[0], sp_big.at[im[0]], add=True)
        if tail:
            tidx, trows = tail_bufs
            toff = base + nfull * CH
            pltpu.sync_copy(src_hbm.at[pl.ds(toff, tail)], tidx)
            pltpu.async_copy(sp_small.at[tidx], trows, sem1).wait()
            pltpu.sync_copy(dst_hbm.at[pl.ds(toff, tail)], tidx)
            remap(tidx, tidx, tail, nfull)
            pltpu.sync_copy(trows, sp_big.at[tidx], add=True)

        plsc.subcore_barrier()
        pltpu.sync_copy(sp_big.at[pl.ds(s * r_own, r_own)],
                        out_u.at[pl.ds(c * own + s * r_own, r_own)])
        plsc.subcore_barrier()

        pltpu.sync_copy(msgu_hbm.at[pl.ds(lo + s * r_own, r_own)],
                        sp_big.at[pl.ds(s * r_own, r_own)])

        @pl.when(s == 0)
        def _zero_trash():
            zero_spmem(sp_big, own, TRASH)

        zero_spmem(sp_small, s * r_v, r_v)
        plsc.subcore_barrier()

        def grp_v(g, carry):
            jb = g * NBUF
            di = []
            for q in range(NBUF):
                off = base + (jb + q) * CH
                di.append((
                    pltpu.async_copy(src_hbm.at[pl.ds(off, CH)],
                                     ics[q], isem[q]),
                    pltpu.async_copy(dst_hbm.at[pl.ds(off, CH)],
                                     icd[q], dsem[q])))
            gd = []
            for q in range(NBUF):
                di[q][0].wait()
                di[q][1].wait()
                remap(icd[q], im[q], CH, jb + q)
                gd.append(pltpu.async_copy(
                    sp_big.at[im[q]], rows[q], gs[q]))
            sd = []
            for q in range(NBUF):
                gd[q].wait()
                sd.append(pltpu.async_copy(
                    rows[q], sp_small.at[ics[q]], ss[q], add=True))
            for q in range(NBUF):
                sd[q].wait()
            return carry
        lax.fori_loop(0, ngrp, grp_v, 0)
        for j in range(ngrp * NBUF, nfull):
            off = base + j * CH
            pltpu.sync_copy(src_hbm.at[pl.ds(off, CH)], ics[0])
            pltpu.sync_copy(dst_hbm.at[pl.ds(off, CH)], icd[0])
            remap(icd[0], im[0], CH, j)
            pltpu.async_copy(sp_big.at[im[0]], rows[0], gs[0]).wait()
            pltpu.sync_copy(rows[0], sp_small.at[ics[0]], add=True)
        if tail:
            tidx, trows = tail_bufs
            toff = base + nfull * CH
            pltpu.sync_copy(dst_hbm.at[pl.ds(toff, tail)], tidx)
            remap(tidx, tidx, tail, nfull)
            pltpu.async_copy(sp_big.at[tidx], trows, sem1).wait()
            pltpu.sync_copy(src_hbm.at[pl.ds(toff, tail)], tidx)
            pltpu.sync_copy(trows, sp_small.at[tidx], add=True)
        plsc.subcore_barrier()
        pltpu.sync_copy(sp_small.at[pl.ds(s * r_v, r_v)],
                        out_v.at[pl.ds(c * n_vp + s * r_v, r_v)])

    return sc_agg


def _make_post(n_u, n_v, h):
    half, own, n_vp = _dims(n_u, n_v)

    def post_body(aggu, aggv, shu, shv, wcu, wcv, q0, amat, ev):
        dn = (((1,), (1,)), ((), ()))
        hid_u = jnp.concatenate(
            [aggu[0:half, :], aggu[own:own + (n_u - half), :]], axis=0)
        hu = jnp.maximum(hid_u, 0.0)
        hv = jnp.maximum(aggv[0:n_v, :] + aggv[n_vp:n_vp + n_v, :], 0.0)
        wcu1, wcu2 = wcu[:, 0:h], wcu[:, h:]
        wcv1, wcv2 = wcv[:, 0:h], wcv[:, h:]
        eu = jnp.maximum(
            lax.dot_general(hu, wcu1, dn, preferred_element_type=F32)
            + lax.dot_general(shu[...], wcu2, dn,
                              preferred_element_type=F32), 0.0)
        ev[...] = jnp.maximum(
            lax.dot_general(hv, wcv1, dn, preferred_element_type=F32)
            + lax.dot_general(shv[...], wcv2, dn,
                              preferred_element_type=F32), 0.0)
        amat[...] = jnp.dot(eu, q0[...], preferred_element_type=F32)
    return post_body


def _score_body(ev, amat, out):
    dn = (((1,), (1,)), ((), ()))
    out[...] = lax.dot_general(ev[...], amat[...], dn,
                               preferred_element_type=F32)


def kernel(feature_u, feature_v, side_feature_u, side_feature_v,
           W, W_su, b_su, W_sv, b_sv, W_cat_u, W_cat_v, Q,
           edge_u_dst, edge_u_src):
    n_u, d = feature_u.shape
    n_v = feature_v.shape[0]
    h = W.shape[2]
    sh = W_su.shape[0]
    out_dim = W_cat_u.shape[0]
    e = edge_u_dst.shape[0]
    half, own, n_vp = _dims(n_u, n_v)

    w0 = W[0]
    q0 = Q[0]
    bsu = b_su.reshape(1, sh)
    bsv = b_sv.reshape(1, sh)

    msg_u, msg_v, shu, shv = pl.pallas_call(
        _make_pre(n_u, n_v),
        out_shape=[
            jax.ShapeDtypeStruct((half + own, h), F32),
            jax.ShapeDtypeStruct((n_vp, h), F32),
            jax.ShapeDtypeStruct((n_u, sh), F32),
            jax.ShapeDtypeStruct((n_v, sh), F32),
        ],
    )(feature_u, feature_v, side_feature_u, side_feature_v,
      w0, W_su, bsu, W_sv, bsv)

    aggu, aggv = _make_sc_agg(n_u, n_v, e, h)(
        msg_u, msg_v, edge_u_src, edge_u_dst)

    amat, ev = pl.pallas_call(
        _make_post(n_u, n_v, h),
        out_shape=[
            jax.ShapeDtypeStruct((n_u, out_dim), F32),
            jax.ShapeDtypeStruct((n_v, out_dim), F32),
        ],
    )(aggu, aggv, shu, shv, W_cat_u, W_cat_v, q0)

    bm = 1024
    score_t = pl.pallas_call(
        _score_body,
        grid=((n_u + bm - 1) // bm,),
        in_specs=[
            pl.BlockSpec((n_v, out_dim), lambda i: (0, 0)),
            pl.BlockSpec((bm, out_dim), lambda i: (i, 0)),
        ],
        out_specs=pl.BlockSpec((n_v, bm), lambda i: (0, i)),
        out_shape=jax.ShapeDtypeStruct((n_v, n_u), F32),
    )(ev, amat)

    return score_t.T[None]

# --- scband reference (transcript-rebuilt; emitter-appended) ---
"""Pipeline reference for scband-gcmc-45449343926370 (READ-ONLY COPY).

The authoritative reference and input builder live on the scoring server;
editing this copy changes nothing except your own understanding.
"""

import jax, jax.numpy as jnp
import numpy as np

N_U = 10000
N_V = 2000
E = 320000
D = 128      # feature_dim
H = 64       # hidden_dim
SD = 32      # side feature dim (u and v)
SH = 64      # side_hidden_dim
OUT = 64     # out_dim
R = 1        # rate_num (must be 1: forward concatenates rate blocks along dim 0 then cats with side features along dim 1)


def setup_inputs(seed: int = 0) -> dict:
    key = jax.random.key(seed)
    ks = jax.random.split(key, 14)
    feature_u = jax.random.normal(ks[0], (N_U, D), dtype=jnp.float32)
    feature_v = jax.random.normal(ks[1], (N_V, D), dtype=jnp.float32)
    side_feature_u = jax.random.normal(ks[2], (N_U, SD), dtype=jnp.float32)
    side_feature_v = jax.random.normal(ks[3], (N_V, SD), dtype=jnp.float32)
    # sparse rating adjacency as COO edge list: M_u[dst_u, src_v] = 1, M_v = M_u^T
    edge_u_dst = jax.random.randint(ks[4], (E,), 0, N_U, dtype=jnp.int32)
    edge_u_src = jax.random.randint(ks[5], (E,), 0, N_V, dtype=jnp.int32)
    # learned parameters
    W = jax.random.normal(ks[6], (R, D, H), dtype=jnp.float32) * 0.05
    W_su = jax.random.normal(ks[7], (SH, SD), dtype=jnp.float32) * 0.1
    b_su = jnp.zeros((SH,), dtype=jnp.float32)
    W_sv = jax.random.normal(ks[8], (SH, SD), dtype=jnp.float32) * 0.1
    b_sv = jnp.zeros((SH,), dtype=jnp.float32)
    W_cat_u = jax.random.normal(ks[9], (OUT, H + SH), dtype=jnp.float32) * 0.1
    W_cat_v = jax.random.normal(ks[10], (OUT, H + SH), dtype=jnp.float32) * 0.1
    Q = jax.random.normal(ks[11], (R, OUT, OUT), dtype=jnp.float32) * 0.05
    return {
        'feature_u': feature_u, 'feature_v': feature_v,
        'side_feature_u': side_feature_u, 'side_feature_v': side_feature_v,
        'W': W, 'W_su': W_su, 'b_su': b_su, 'W_sv': W_sv, 'b_sv': b_sv,
        'W_cat_u': W_cat_u, 'W_cat_v': W_cat_v, 'Q': Q,
        'edge_u_dst': edge_u_dst, 'edge_u_src': edge_u_src,
    }


def reference(feature_u, feature_v, side_feature_u, side_feature_v,
              W, W_su, b_su, W_sv, b_sv, W_cat_u, W_cat_v, Q,
              edge_u_dst, edge_u_src):
    relu = jax.nn.relu
    hidden_feature_u = []
    hidden_feature_v = []
    for i in range(R):
        Wr = W[i]
        # hidden_u = relu(M_u @ (feature_v @ Wr))  -- sparse mm via gather + segment_sum
        msg_v = feature_v @ Wr                      # [N_V, H]
        hidden_u = relu(jax.ops.segment_sum(msg_v[edge_u_src], edge_u_dst, num_segments=N_U))
        # hidden_v = relu(M_v @ (feature_u @ Wr)), M_v = M_u^T
        msg_u = feature_u @ Wr                      # [N_U, H]
        hidden_v = relu(jax.ops.segment_sum(msg_u[edge_u_dst], edge_u_src, num_segments=N_V))
        hidden_feature_u.append(hidden_u)
        hidden_feature_v.append(hidden_v)
    hidden_u_all = jnp.concatenate(hidden_feature_u, axis=0)
    hidden_v_all = jnp.concatenate(hidden_feature_v, axis=0)
    side_hidden_u = relu(side_feature_u @ W_su.T + b_su)
    side_hidden_v = relu(side_feature_v @ W_sv.T + b_sv)
    cat_u = jnp.concatenate([hidden_u_all, side_hidden_u], axis=1)
    cat_v = jnp.concatenate([hidden_v_all, side_hidden_v], axis=1)
    embed_u = relu(cat_u @ W_cat_u.T)
    embed_v = relu(cat_v @ W_cat_v.T)
    score = []
    for i in range(R):
        Qr = Q[i]
        score.append((embed_u @ Qr) @ embed_v.T)
    return jnp.stack(score)

if __name__ == "__main__":
    import jax
    _d = setup_inputs()
    print(jax.jit(kernel)(*tuple(_d.values())))

</pallas_src>

<mosaic_0001>
#map = affine_map<(d0, d1) -> (0, 0)>
#map1 = affine_map<(d0, d1) -> (0)>
module attributes {stable_mosaic.version = 14 : i64} {
  func.func @sc_agg(%arg0: i32, %arg1: i32, %arg2: memref<10120x64xf32, #tpu.memory_space<hbm>>, %arg3: memref<2048x64xf32, #tpu.memory_space<hbm>>, %arg4: memref<320000xi32, #tpu.memory_space<hbm>>, %arg5: memref<320000xi32, #tpu.memory_space<hbm>>, %arg6: memref<10240x64xf32, #tpu.memory_space<hbm>>, %arg7: memref<4096x64xf32, #tpu.memory_space<hbm>>, %arg8: memref<128xi32, #tpu.memory_space<vmem>>, %arg9: memref<128xi32, #tpu.memory_space<vmem>>, %arg10: memref<128xi32, #tpu.memory_space<vmem>>, %arg11: memref<128xi32, #tpu.memory_space<vmem>>, %arg12: memref<128xi32, #tpu.memory_space<vmem>>, %arg13: memref<128xi32, #tpu.memory_space<vmem>>, %arg14: memref<128xi32, #tpu.memory_space<vmem>>, %arg15: memref<128xi32, #tpu.memory_space<vmem>>, %arg16: memref<128xi32, #tpu.memory_space<vmem>>, %arg17: memref<128xi32, #tpu.memory_space<vmem>>, %arg18: memref<128xi32, #tpu.memory_space<vmem>>, %arg19: memref<128xi32, #tpu.memory_space<vmem>>, %arg20: memref<128x64xf32, #tpu.memory_space<vmem>>, %arg21: memref<128x64xf32, #tpu.memory_space<vmem>>, %arg22: memref<128x64xf32, #tpu.memory_space<vmem>>, %arg23: memref<128x64xf32, #tpu.memory_space<vmem>>, %arg24: memref<8x64xf32, #tpu.memory_space<vmem>>, %arg25: memref<5248x64xf32, #tpu.memory_space<vmem_shared>>, %arg26: memref<2048x64xf32, #tpu.memory_space<vmem_shared>>, %arg27: memref<!tpu.dma_semaphore, #tpu.memory_space<semaphore_mem>>, %arg28: memref<!tpu.dma_semaphore, #tpu.memory_space<semaphore_mem>>, %arg29: memref<!tpu.dma_semaphore, #tpu.memory_space<semaphore_mem>>, %arg30: memref<!tpu.dma_semaphore, #tpu.memory_space<semaphore_mem>>, %arg31: memref<!tpu.dma_semaphore, #tpu.memory_space<semaphore_mem>>, %arg32: memref<!tpu.dma_semaphore, #tpu.memory_space<semaphore_mem>>, %arg33: memref<!tpu.dma_semaphore, #tpu.memory_space<semaphore_mem>>, %arg34: memref<!tpu.dma_semaphore, #tpu.memory_space<semaphore_mem>>, %arg35: memref<!tpu.dma_semaphore, #tpu.memory_space<semaphore_mem>>, %arg36: memref<!tpu.dma_semaphore, #tpu.memory_space<semaphore_mem>>, %arg37: memref<!tpu.dma_semaphore, #tpu.memory_space<semaphore_mem>>, %arg38: memref<!tpu.dma_semaphore, #tpu.memory_space<semaphore_mem>>, %arg39: memref<!tpu.dma_semaphore, #tpu.memory_space<semaphore_mem>>, %arg40: memref<!tpu.dma_semaphore, #tpu.memory_space<semaphore_mem>>, %arg41: memref<!tpu.dma_semaphore, #tpu.memory_space<semaphore_mem>>, %arg42: memref<!tpu.dma_semaphore, #tpu.memory_space<semaphore_mem>>, %arg43: memref<!tpu.dma_semaphore, #tpu.memory_space<semaphore_mem>>, %arg44: memref<32xi32, #tpu.memory_space<vmem>>, %arg45: memref<32x64xf32, #tpu.memory_space<vmem>>) attributes {dimension_semantics = [#tpu.dimension_semantics<core_parallel>, #tpu.dimension_semantics<subcore_parallel>], iteration_bounds = array<i64: 2, 16>, scalar_prefetch = 0 : i64, scratch_operands = 38 : i64, tpu.core_type = #tpu.core_type<sc_vector_subcore>, window_params = [{transform_indices = #map}, {transform_indices = #map}, {transform_indices = #map1}, {transform_indices = #map1}, {transform_indices = #map}, {transform_indices = #map}]} {
    %mul3A = arith.constant 5000 : i32
    %mul3A_0 = arith.muli %arg0, %mul3A : i32
    %mul3A_1 = arith.constant 20000 : i32
    %mul3A_2 = arith.muli %arg1, %mul3A_1 : i32
    %iota3A = tpu.iota {dimensions = array<i32: 0>} : vector<16xi32>
    %scan3A = arith.constant 0 : i32
    %scan3A_3 = arith.constant 0 : i32
    %scan3A_4 = arith.constant 8 : i32
    %scan3A_5 = arith.addi %scan3A_3, %scan3A_4 : i32
    %scan3A_6 = arith.constant 1 : i32
    scf.for %scan3A_175 = %scan3A_3 to %scan3A_5 step %scan3A_6  : i32 {
      %broadcast_in_dim3A = arith.constant 0.000000e+00 : f32
      %broadcast_in_dim3A_176 = vector.broadcast %broadcast_in_dim3A : f32 to vector<16xf32>
      %swap3A_177 = arith.index_cast %scan3A_175 : i32 to index
      %swap3A_178 = arith.constant 0 : index
      %swap3A_179 = tpu.vector_load %arg24[%swap3A_177, %swap3A_178] {strides = array<i32>} : memref<8x64xf32, #tpu.memory_space<vmem>>, vector<1x16xf32>,
      %swap3A_180 = vector.shape_cast %swap3A_179 : vector<1x16xf32> to vector<16xf32>
      %swap3A_181 = vector.shape_cast %broadcast_in_dim3A_176 : vector<16xf32> to vector<1x16xf32>
      tpu.vector_store %arg24[%swap3A_177, %swap3A_178], %swap3A_181 {strides = array<i32>} : memref<8x64xf32, #tpu.memory_space<vmem>>, vector<1x16xf32>,
      %broadcast_in_dim3A_182 = arith.constant 0.000000e+00 : f32
      %broadcast_in_dim3A_183 = vector.broadcast %broadcast_in_dim3A_182 : f32 to vector<16xf32>
      %swap3A_184 = arith.index_cast %scan3A_175 : i32 to index
      %swap3A_185 = arith.constant 16 : index
      %swap3A_186 = tpu.vector_load %arg24[%swap3A_184, %swap3A_185] {strides = array<i32>} : memref<8x64xf32, #tpu.memory_space<vmem>>, vector<1x16xf32>,
      %swap3A_187 = vector.shape_cast %swap3A_186 : vector<1x16xf32> to vector<16xf32>
      %swap3A_188 = vector.shape_cast %broadcast_in_dim3A_183 : vector<16xf32> to vector<1x16xf32>
      tpu.vector_store %arg24[%swap3A_184, %swap3A_185], %swap3A_188 {strides = array<i32>} : memref<8x64xf32, #tpu.memory_space<vmem>>, vector<1x16xf32>,
      %broadcast_in_dim3A_189 = arith.constant 0.000000e+00 : f32
      %broadcast_in_dim3A_190 = vector.broadcast %broadcast_in_dim3A_189 : f32 to vector<16xf32>
      %swap3A_191 = arith.index_cast %scan3A_175 : i32 to index
      %swap3A_192 = arith.constant 32 : index
      %swap3A_193 = tpu.vector_load %arg24[%swap3A_191, %swap3A_192] {strides = array<i32>} : memref<8x64xf32, #tpu.memory_space<vmem>>, vector<1x16xf32>,
      %swap3A_194 = vector.shape_cast %swap3A_193 : vector<1x16xf32> to vector<16xf32>
      %swap3A_195 = vector.shape_cast %broadcast_in_dim3A_190 : vector<16xf32> to vector<1x16xf32>
      tpu.vector_store %arg24[%swap3A_191, %swap3A_192], %swap3A_195 {strides = array<i32>} : memref<8x64xf32, #tpu.memory_space<vmem>>, vector<1x16xf32>,
      %broadcast_in_dim3A_196 = arith.constant 0.000000e+00 : f32
      %broadcast_in_dim3A_197 = vector.broadcast %broadcast_in_dim3A_196 : f32 to vector<16xf32>
      %swap3A_198 = arith.index_cast %scan3A_175 : i32 to index
      %swap3A_199 = arith.constant 48 : index
      %swap3A_200 = tpu.vector_load %arg24[%swap3A_198, %swap3A_199] {strides = array<i32>} : memref<8x64xf32, #tpu.memory_space<vmem>>, vector<1x16xf32>,
      %swap3A_201 = vector.shape_cast %swap3A_200 : vector<1x16xf32> to vector<16xf32>
      %swap3A_202 = vector.shape_cast %broadcast_in_dim3A_197 : vector<16xf32> to vector<1x16xf32>
      tpu.vector_store %arg24[%swap3A_198, %swap3A_199], %swap3A_202 {strides = array<i32>} : memref<8x64xf32, #tpu.memory_space<vmem>>, vector<1x16xf32>,
    }
    %scan3A_7 = arith.constant 8 : i32
    %mul3A_8 = arith.constant 128 : i32
    %mul3A_9 = arith.muli %arg1, %mul3A_8 : i32
    %mul3A_10 = arith.constant 128 : i32
    %mul3A_11 = arith.muli %arg1, %mul3A_10 : i32
    "tpu.region"() ({
      %run_scoped3A = tpu.sem_alloc : memref<!tpu.dma_semaphore, #tpu.memory_space<semaphore_mem>>
      %dma_start3A_175 = arith.constant 0 : i32
      %dma_start3A_176 = tpu.memref_slice %arg26[%mul3A_11, %dma_start3A_175] : memref<2048x64xf32, #tpu.memory_space<vmem_shared>> -> memref<128x64xf32, #tpu.memory_space<vmem_shared>>
      %dma_start3A_177 = arith.constant 0 : i32
      %dma_start3A_178 = tpu.memref_slice %arg3[%mul3A_9, %dma_start3A_177] : memref<2048x64xf32, #tpu.memory_space<hbm>> -> memref<128x64xf32, #tpu.memory_space<hbm>>
      tpu.enqueue_dma source(%dma_start3A_178 : memref<128x64xf32, #tpu.memory_space<hbm>>) target(%dma_start3A_176 : memref<128x64xf32, #tpu.memory_space<vmem_shared>>) target_semaphore(%run_scoped3A : memref<!tpu.dma_semaphore, #tpu.memory_space<semaphore_mem>>)
      %dma_wait3A_179 = arith.constant 0 : i32
      %dma_wait3A_180 = tpu.memref_slice %arg26[%mul3A_11, %dma_wait3A_179] : memref<2048x64xf32, #tpu.memory_space<vmem_shared>> -> memref<128x64xf32, #tpu.memory_space<vmem_shared>>
      %dma_wait3A_181 = arith.constant 0 : i32
      %dma_wait3A_182 = tpu.memref_slice %arg3[%mul3A_9, %dma_wait3A_181] : memref<2048x64xf32, #tpu.memory_space<hbm>> -> memref<128x64xf32, #tpu.memory_space<hbm>>
      tpu.wait_dma2 semaphore(%run_scoped3A : memref<!tpu.dma_semaphore, #tpu.memory_space<semaphore_mem>>) src(%dma_wait3A_182 : memref<128x64xf32, #tpu.memory_space<hbm>>) dst(%dma_wait3A_180 : memref<128x64xf32, #tpu.memory_space<vmem_shared>>)
      tpu.yield
    }) : () -> ()
    %mul3A_12 = arith.constant 328 : i32
    %mul3A_13 = arith.muli %arg1, %mul3A_12 : i32
    %scan3A_14 = arith.constant 0 : i32
    %scan3A_15 = arith.constant 0 : i32
    %scan3A_16 = arith.constant 41 : i32
    %scan3A_17 = arith.addi %scan3A_15, %scan3A_16 : i32
    %scan3A_18 = arith.constant 1 : i32
    scf.for %scan3A_175 = %scan3A_15 to %scan3A_17 step %scan3A_18  : i32 {
      %mul3A_176 = arith.constant 8 : i32
      %mul3A_177 = arith.muli %scan3A_175, %mul3A_176 : i32
      %add3A_178 = arith.addi %mul3A_13, %mul3A_177 : i32
      "tpu.region"() ({
        %run_scoped3A = tpu.sem_alloc : memref<!tpu.dma_semaphore, #tpu.memory_space<semaphore_mem>>
        %dma_start3A_179 = arith.constant 0 : i32
        %dma_start3A_180 = tpu.memref_slice %arg25[%add3A_178, %dma_start3A_179] : memref<5248x64xf32, #tpu.memory_space<vmem_shared>> -> memref<8x64xf32, #tpu.memory_space<vmem_shared>>
        %dma_start3A_181 = arith.constant 0 : i32
        %dma_start3A_182 = tpu.memref_slice %arg25[%add3A_178, %dma_start3A_181] : memref<5248x64xf32, #tpu.memory_space<vmem_shared>> -> memref<8x64xf32, #tpu.memory_space<vmem_shared>>
        tpu.enqueue_dma source(%arg24 : memref<8x64xf32, #tpu.memory_space<vmem>>) target(%dma_start3A_182 : memref<8x64xf32, #tpu.memory_space<vmem_shared>>) target_semaphore(%run_scoped3A : memref<!tpu.dma_semaphore, #tpu.memory_space<semaphore_mem>>)
        %dma_wait3A_183 = arith.constant 0 : i32
        %dma_wait3A_184 = tpu.memref_slice %arg25[%add3A_178, %dma_wait3A_183] : memref<5248x64xf32, #tpu.memory_space<vmem_shared>> -> memref<8x64xf32, #tpu.memory_space<vmem_shared>>
        %dma_wait3A_185 = arith.constant 0 : i32
        %dma_wait3A_186 = tpu.memref_slice %arg25[%add3A_178, %dma_wait3A_185] : memref<5248x64xf32, #tpu.memory_space<vmem_shared>> -> memref<8x64xf32, #tpu.memory_space<vmem_shared>>
        tpu.wait_dma2 semaphore(%run_scoped3A : memref<!tpu.dma_semaphore, #tpu.memory_space<semaphore_mem>>) src(%arg24 : memref<8x64xf32, #tpu.memory_space<vmem>>) dst(%dma_wait3A_186 : memref<8x64xf32, #tpu.memory_space<vmem_shared>>)
        tpu.yield
      }) : () -> ()
    }
    %scan3A_19 = arith.constant 41 : i32
    %barrier3A = arith.constant 0 : index
    tpu.barrier barrier_id(%barrier3A)
    %scan3A_20 = arith.constant 0 : i32
    %scan3A_21 = arith.constant 0 : i32
    %scan3A_22 = arith.constant 39 : i32
    %scan3A_23 = arith.addi %scan3A_21, %scan3A_22 : i32
    %scan3A_24 = arith.constant 1 : i32
    scf.for %scan3A_175 = %scan3A_21 to %scan3A_23 step %scan3A_24  : i32 {
      %mul3A_176 = arith.constant 4 : i32
      %mul3A_177 = arith.muli %scan3A_175, %mul3A_176 : i32
      %add3A_178 = arith.constant 0 : i32
      %add3A_179 = arith.addi %mul3A_177, %add3A_178 : i32
      %mul3A_180 = arith.constant 128 : i32
      %mul3A_181 = arith.muli %add3A_179, %mul3A_180 : i32
      %add3A_182 = arith.addi %mul3A_2, %mul3A_181 : i32
      %dma_start3A_183 = tpu.memref_slice %arg4[%add3A_182] : memref<320000xi32, #tpu.memory_space<hbm>> -> memref<128xi32, #tpu.memory_space<hbm>>
      %dma_start3A_184 = tpu.memref_slice %arg4[%add3A_182] : memref<320000xi32, #tpu.memory_space<hbm>> -> memref<128xi32, #tpu.memory_space<hbm>>
      tpu.enqueue_dma source(%dma_start3A_184 : memref<128xi32, #tpu.memory_space<hbm>>) target(%arg8 : memref<128xi32, #tpu.memory_space<vmem>>) target_semaphore(%arg27 : memref<!tpu.dma_semaphore, #tpu.memory_space<semaphore_mem>>)
      %dma_start3A_185 = tpu.memref_slice %arg5[%add3A_182] : memref<320000xi32, #tpu.memory_space<hbm>> -> memref<128xi32, #tpu.memory_space<hbm>>
      %dma_start3A_186 = tpu.memref_slice %arg5[%add3A_182] : memref<320000xi32, #tpu.memory_space<hbm>> -> memref<128xi32, #tpu.memory_space<hbm>>
      tpu.enqueue_dma source(%dma_start3A_186 : memref<128xi32, #tpu.memory_space<hbm>>) target(%arg12 : memref<128xi32, #tpu.memory_space<vmem>>) target_semaphore(%arg31 : memref<!tpu.dma_semaphore, #tpu.memory_space<semaphore_mem>>)
      %add3A_187 = arith.constant 1 : i32
      %add3A_188 = arith.addi %mul3A_177, %add3A_187 : i32
      %mul3A_189 = arith.constant 128 : i32
      %mul3A_190 = arith.muli %add3A_188, %mul3A_189 : i32
      %add3A_191 = arith.addi %mul3A_2, %mul3A_190 : i32
      %dma_start3A_192 = tpu.memref_slice %arg4[%add3A_191] : memref<320000xi32, #tpu.memory_space<hbm>> -> memref<128xi32, #tpu.memory_space<hbm>>
      %dma_start3A_193 = tpu.memref_slice %arg4[%add3A_191] : memref<320000xi32, #tpu.memory_space<hbm>> -> memref<128xi32, #tpu.memory_space<hbm>>
      tpu.enqueue_dma source(%dma_start3A_193 : memref<128xi32, #tpu.memory_space<hbm>>) target(%arg9 : memref<128xi32, #tpu.memory_space<vmem>>) target_semaphore(%arg28 : memref<!tpu.dma_semaphore, #tpu.memory_space<semaphore_mem>>)
      %dma_start3A_194 = tpu.memref_slice %arg5[%add3A_191] : memref<320000xi32, #tpu.memory_space<hbm>> -> memref<128xi32, #tpu.memory_space<hbm>>
      %dma_start3A_195 = tpu.memref_slice %arg5[%add3A_191] : memref<320000xi32, #tpu.memory_space<hbm>> -> memref<128xi32, #tpu.memory_space<hbm>>
      tpu.enqueue_dma source(%dma_start3A_195 : memref<128xi32, #tpu.memory_space<hbm>>) target(%arg13 : memref<128xi32, #tpu.memory_space<vmem>>) target_semaphore(%arg32 : memref<!tpu.dma_semaphore, #tpu.memory_space<semaphore_mem>>)
      %add3A_196 = arith.constant 2 : i32
      %add3A_197 = arith.addi %mul3A_177, %add3A_196 : i32
      %mul3A_198 = arith.constant 128 : i32
      %mul3A_199 = arith.muli %add3A_197, %mul3A_198 : i32
      %add3A_200 = arith.addi %mul3A_2, %mul3A_199 : i32
      %dma_start3A_201 = tpu.memref_slice %arg4[%add3A_200] : memref<320000xi32, #tpu.memory_space<hbm>> -> memref<128xi32, #tpu.memory_space<hbm>>
      %dma_start3A_202 = tpu.memref_slice %arg4[%add3A_200] : memref<320000xi32, #tpu.memory_space<hbm>> -> memref<128xi32, #tpu.memory_space<hbm>>
      tpu.enqueue_dma source(%dma_start3A_202 : memref<128xi32, #tpu.memory_space<hbm>>) target(%arg10 : memref<128xi32, #tpu.memory_space<vmem>>) target_semaphore(%arg29 : memref<!tpu.dma_semaphore, #tpu.memory_space<semaphore_mem>>)
      %dma_start3A_203 = tpu.memref_slice %arg5[%add3A_200] : memref<320000xi32, #tpu.memory_space<hbm>> -> memref<128xi32, #tpu.memory_space<hbm>>
      %dma_start3A_204 = tpu.memref_slice %arg5[%add3A_200] : memref<320000xi32, #tpu.memory_space<hbm>> -> memref<128xi32, #tpu.memory_space<hbm>>
      tpu.enqueue_dma source(%dma_start3A_204 : memref<128xi32, #tpu.memory_space<hbm>>) target(%arg14 : memref<128xi32, #tpu.memory_space<vmem>>) target_semaphore(%arg33 : memref<!tpu.dma_semaphore, #tpu.memory_space<semaphore_mem>>)
      %add3A_205 = arith.constant 3 : i32
      %add3A_206 = arith.addi %mul3A_177, %add3A_205 : i32
      %mul3A_207 = arith.constant 128 : i32
      %mul3A_208 = arith.muli %add3A_206, %mul3A_207 : i32
      %add3A_209 = arith.addi %mul3A_2, %mul3A_208 : i32
      %dma_start3A_210 = tpu.memref_slice %arg4[%add3A_209] : memref<320000xi32, #tpu.memory_space<hbm>> -> memref<128xi32, #tpu.memory_space<hbm>>
      %dma_start3A_211 = tpu.memref_slice %arg4[%add3A_209] : memref<320000xi32, #tpu.memory_space<hbm>> -> memref<128xi32, #tpu.memory_space<hbm>>
      tpu.enqueue_dma source(%dma_start3A_211 : memref<128xi32, #tpu.memory_space<hbm>>) target(%arg11 : memref<128xi32, #tpu.memory_space<vmem>>) target_semaphore(%arg30 : memref<!tpu.dma_semaphore, #tpu.memory_space<semaphore_mem>>)
      %dma_start3A_212 = tpu.memref_slice %arg5[%add3A_209] : memref<320000xi32, #tpu.memory_space<hbm>> -> memref<128xi32, #tpu.memory_space<hbm>>
      %dma_start3A_213 = tpu.memref_slice %arg5[%add3A_209] : memref<320000xi32, #tpu.memory_space<hbm>> -> memref<128xi32, #tpu.memory_space<hbm>>
      tpu.enqueue_dma source(%dma_start3A_213 : memref<128xi32, #tpu.memory_space<hbm>>) target(%arg15 : memref<128xi32, #tpu.memory_space<vmem>>) target_semaphore(%arg34 : memref<!tpu.dma_semaphore, #tpu.memory_space<semaphore_mem>>)
      %dma_wait3A_214 = tpu.memref_slice %arg4[%add3A_182] : memref<320000xi32, #tpu.memory_space<hbm>> -> memref<128xi32, #tpu.memory_space<hbm>>
      %dma_wait3A_215 = tpu.memref_slice %arg4[%add3A_182] : memref<320000xi32, #tpu.memory_space<hbm>> -> memref<128xi32, #tpu.memory_space<hbm>>
      tpu.wait_dma2 semaphore(%arg27 : memref<!tpu.dma_semaphore, #tpu.memory_space<semaphore_mem>>) src(%dma_wait3A_215 : memref<128xi32, #tpu.memory_space<hbm>>) dst(%arg8 : memref<128xi32, #tpu.memory_space<vmem>>)
      %dma_wait3A_216 = tpu.memref_slice %arg5[%add3A_182] : memref<320000xi32, #tpu.memory_space<hbm>> -> memref<128xi32, #tpu.memory_space<hbm>>
      %dma_wait3A_217 = tpu.memref_slice %arg5[%add3A_182] : memref<320000xi32, #tpu.memory_space<hbm>> -> memref<128xi32, #tpu.memory_space<hbm>>
      tpu.wait_dma2 semaphore(%arg31 : memref<!tpu.dma_semaphore, #tpu.memory_space<semaphore_mem>>) src(%dma_wait3A_217 : memref<128xi32, #tpu.memory_space<hbm>>) dst(%arg12 : memref<128xi32, #tpu.memory_space<vmem>>)
      %add3A_218 = arith.constant 0 : i32
      %add3A_219 = arith.addi %mul3A_177, %add3A_218 : i32
      %get3A_220 = arith.constant 0 : index
      %get3A_221 = tpu.vector_load %arg12[%get3A_220] {strides = array<i32>} : memref<128xi32, #tpu.memory_space<vmem>>, vector<16xi32>,
      %get3A_222 = vector.shape_cast %get3A_221 : vector<16xi32> to vector<16xi32>
      %ge3A_223 = vector.broadcast %mul3A_0 : i32 to vector<16xi32>
      %ge3A_224 = arith.cmpi sge, %get3A_222, %ge3A_223 : vector<16xi32>
      %add3A_225 = arith.constant 5000 : i32
      %add3A_226 = arith.addi %mul3A_0, %add3A_225 : i32
      %lt3A_227 = vector.broadcast %add3A_226 : i32 to vector<16xi32>
      %lt3A_228 = arith.cmpi slt, %get3A_222, %lt3A_227 : vector<16xi32>
      %and3A_229 = arith.andi %ge3A_224, %lt3A_228 : vector<16xi1>
      %add3A_230 = arith.constant 0 : i32
      %add3A_231 = arith.addi %add3A_219, %add3A_230 : i32
      %and3A_232 = arith.constant 7 : i32
      %and3A_233 = arith.andi %add3A_231, %and3A_232 : i32
      %mul3A_234 = arith.constant 16 : i32
      %mul3A_235 = arith.muli %and3A_233, %mul3A_234 : i32
      %add3A_236 = arith.constant 5120 : i32
      %add3A_237 = arith.addi %add3A_236, %mul3A_235 : i32
      %add3A_238 = vector.broadcast %add3A_237 : i32 to vector<16xi32>
      %add3A_239 = arith.addi %add3A_238, %iota3A : vector<16xi32>
      %sub3A_240 = vector.broadcast %mul3A_0 : i32 to vector<16xi32>
      %sub3A_241 = arith.subi %get3A_222, %sub3A_240 : vector<16xi32>
      %select_n3A_242 = arith.select %and3A_229, %sub3A_241, %add3A_239 : vector<16xi1>, vector<16xi32>
      %swap3A_243 = arith.constant 0 : index
      %swap3A_244 = tpu.vector_load %arg16[%swap3A_243] {strides = array<i32>} : memref<128xi32, #tpu.memory_space<vmem>>, vector<16xi32>,
      %swap3A_245 = vector.shape_cast %swap3A_244 : vector<16xi32> to vector<16xi32>
      %swap3A_246 = vector.shape_cast %select_n3A_242 : vector<16xi32> to vector<16xi32>
      tpu.vector_store %arg16[%swap3A_243], %swap3A_246 {strides = array<i32>} : memref<128xi32, #tpu.memory_space<vmem>>, vector<16xi32>,
      %get3A_247 = arith.constant 16 : index
      %get3A_248 = tpu.vector_load %arg12[%get3A_247] {strides = array<i32>} : memref<128xi32, #tpu.memory_space<vmem>>, vector<16xi32>,
      %get3A_249 = vector.shape_cast %get3A_248 : vector<16xi32> to vector<16xi32>
      %ge3A_250 = vector.broadcast %mul3A_0 : i32 to vector<16xi32>
      %ge3A_251 = arith.cmpi sge, %get3A_249, %ge3A_250 : vector<16xi32>
      %add3A_252 = arith.constant 5000 : i32
      %add3A_253 = arith.addi %mul3A_0, %add3A_252 : i32
      %lt3A_254 = vector.broadcast %add3A_253 : i32 to vector<16xi32>
      %lt3A_255 = arith.cmpi slt, %get3A_249, %lt3A_254 : vector<16xi32>
      %and3A_256 = arith.andi %ge3A_251, %lt3A_255 : vector<16xi1>
      %add3A_257 = arith.constant 1 : i32
      %add3A_258 = arith.addi %add3A_219, %add3A_257 : i32
      %and3A_259 = arith.constant 7 : i32
      %and3A_260 = arith.andi %add3A_258, %and3A_259 : i32
      %mul3A_261 = arith.constant 16 : i32
      %mul3A_262 = arith.muli %and3A_260, %mul3A_261 : i32
      %add3A_263 = arith.constant 5120 : i32
      %add3A_264 = arith.addi %add3A_263, %mul3A_262 : i32
      %add3A_265 = vector.broadcast %add3A_264 : i32 to vector<16xi32>
      %add3A_266 = arith.addi %add3A_265, %iota3A : vector<16xi32>
      %sub3A_267 = vector.broadcast %mul3A_0 : i32 to vector<16xi32>
      %sub3A_268 = arith.subi %get3A_249, %sub3A_267 : vector<16xi32>
      %select_n3A_269 = arith.select %and3A_256, %sub3A_268, %add3A_266 : vector<16xi1>, vector<16xi32>
      %swap3A_270 = arith.constant 16 : index
      %swap3A_271 = tpu.vector_load %arg16[%swap3A_270] {strides = array<i32>} : memref<128xi32, #tpu.memory_space<vmem>>, vector<16xi32>,
      %swap3A_272 = vector.shape_cast %swap3A_271 : vector<16xi32> to vector<16xi32>
      %swap3A_273 = vector.shape_cast %select_n3A_269 : vector<16xi32> to vector<16xi32>
      tpu.vector_store %arg16[%swap3A_270], %swap3A_273 {strides = array<i32>} : memref<128xi32, #tpu.memory_space<vmem>>, vector<16xi32>,
      %get3A_274 = arith.constant 32 : index
      %get3A_275 = tpu.vector_load %arg12[%get3A_274] {strides = array<i32>} : memref<128xi32, #tpu.memory_space<vmem>>, vector<16xi32>,
      %get3A_276 = vector.shape_cast %get3A_275 : vector<16xi32> to vector<16xi32>
      %ge3A_277 = vector.broadcast %mul3A_0 : i32 to vector<16xi32>
      %ge3A_278 = arith.cmpi sge, %get3A_276, %ge3A_277 : vector<16xi32>
      %add3A_279 = arith.constant 5000 : i32
      %add3A_280 = arith.addi %mul3A_0, %add3A_279 : i32
      %lt3A_281 = vector.broadcast %add3A_280 : i32 to vector<16xi32>
      %lt3A_282 = arith.cmpi slt, %get3A_276, %lt3A_281 : vector<16xi32>
      %and3A_283 = arith.andi %ge3A_278, %lt3A_282 : vector<16xi1>
      %add3A_284 = arith.constant 2 : i32
      %add3A_285 = arith.addi %add3A_219, %add3A_284 : i32
      %and3A_286 = arith.constant 7 : i32
      %and3A_287 = arith.andi %add3A_285, %and3A_286 : i32
      %mul3A_288 = arith.constant 16 : i32
      %mul3A_289 = arith.muli %and3A_287, %mul3A_288 : i32
      %add3A_290 = arith.constant 5120 : i32
      %add3A_291 = arith.addi %add3A_290, %mul3A_289 : i32
      %add3A_292 = vector.broadcast %add3A_291 : i32 to vector<16xi32>
      %add3A_293 = arith.addi %add3A_292, %iota3A : vector<16xi32>
      %sub3A_294 = vector.broadcast %mul3A_0 : i32 to vector<16xi32>
      %sub3A_295 = arith.subi %get3A_276, %sub3A_294 : vector<16xi32>
      %select_n3A_296 = arith.select %and3A_283, %sub3A_295, %add3A_293 : vector<16xi1>, vector<16xi32>
      %swap3A_297 = arith.constant 32 : index
      %swap3A_298 = tpu.vector_load %arg16[%swap3A_297] {strides = array<i32>} : memref<128xi32, #tpu.memory_space<vmem>>, vector<16xi32>,
      %swap3A_299 = vector.shape_cast %swap3A_298 : vector<16xi32> to vector<16xi32>
      %swap3A_300 = vector.shape_cast %select_n3A_296 : vector<16xi32> to vector<16xi32>
      tpu.vector_store %arg16[%swap3A_297], %swap3A_300 {strides = array<i32>} : memref<128xi32, #tpu.memory_space<vmem>>, vector<16xi32>,
      %get3A_301 = arith.constant 48 : index
      %get3A_302 = tpu.vector_load %arg12[%get3A_301] {strides = array<i32>} : memref<128xi32, #tpu.memory_space<vmem>>, vector<16xi32>,
      %get3A_303 = vector.shape_cast %get3A_302 : vector<16xi32> to vector<16xi32>
      %ge3A_304 = vector.broadcast %mul3A_0 : i32 to vector<16xi32>
      %ge3A_305 = arith.cmpi sge, %get3A_303, %ge3A_304 : vector<16xi32>
      %add3A_306 = arith.constant 5000 : i32
      %add3A_307 = arith.addi %mul3A_0, %add3A_306 : i32
      %lt3A_308 = vector.broadcast %add3A_307 : i32 to vector<16xi32>
      %lt3A_309 = arith.cmpi slt, %get3A_303, %lt3A_308 : vector<16xi32>
      %and3A_310 = arith.andi %ge3A_305, %lt3A_309 : vector<16xi1>
      %add3A_311 = arith.constant 3 : i32
      %add3A_312 = arith.addi %add3A_219, %add3A_311 : i32
      %and3A_313 = arith.constant 7 : i32
      %and3A_314 = arith.andi %add3A_312, %and3A_313 : i32
      %mul3A_315 = arith.constant 16 : i32
      %mul3A_316 = arith.muli %and3A_314, %mul3A_315 : i32
      %add3A_317 = arith.constant 5120 : i32
      %add3A_318 = arith.addi %add3A_317, %mul3A_316 : i32
      %add3A_319 = vector.broadcast %add3A_318 : i32 to vector<16xi32>
      %add3A_320 = arith.addi %add3A_319, %iota3A : vector<16xi32>
      %sub3A_321 = vector.broadcast %mul3A_0 : i32 to vector<16xi32>
      %sub3A_322 = arith.subi %get3A_303, %sub3A_321 : vector<16xi32>
      %select_n3A_323 = arith.select %and3A_310, %sub3A_322, %add3A_320 : vector<16xi1>, vector<16xi32>
      %swap3A_324 = arith.constant 48 : index
      %swap3A_325 = tpu.vector_load %arg16[%swap3A_324] {strides = array<i32>} : memref<128xi32, #tpu.memory_space<vmem>>, vector<16xi32>,
      %swap3A_326 = vector.shape_cast %swap3A_325 : vector<16xi32> to vector<16xi32>
      %swap3A_327 = vector.shape_cast %select_n3A_323 : vector<16xi32> to vector<16xi32>
      tpu.vector_store %arg16[%swap3A_324], %swap3A_327 {strides = array<i32>} : memref<128xi32, #tpu.memory_space<vmem>>, vector<16xi32>,
      %get3A_328 = arith.constant 64 : index
      %get3A_329 = tpu.vector_load %arg12[%get3A_328] {strides = array<i32>} : memref<128xi32, #tpu.memory_space<vmem>>, vector<16xi32>,
      %get3A_330 = vector.shape_cast %get3A_329 : vector<16xi32> to vector<16xi32>
      %ge3A_331 = vector.broadcast %mul3A_0 : i32 to vector<16xi32>
      %ge3A_332 = arith.cmpi sge, %get3A_330, %ge3A_331 : vector<16xi32>
      %add3A_333 = arith.constant 5000 : i32
      %add3A_334 = arith.addi %mul3A_0, %add3A_333 : i32
      %lt3A_335 = vector.broadcast %add3A_334 : i32 to vector<16xi32>
      %lt3A_336 = arith.cmpi slt, %get3A_330, %lt3A_335 : vector<16xi32>
      %and3A_337 = arith.andi %ge3A_332, %lt3A_336 : vector<16xi1>
      %add3A_338 = arith.constant 4 : i32
      %add3A_339 = arith.addi %add3A_219, %add3A_338 : i32
      %and3A_340 = arith.constant 7 : i32
      %and3A_341 = arith.andi %add3A_339, %and3A_340 : i32
      %mul3A_342 = arith.constant 16 : i32
      %mul3A_343 = arith.muli %and3A_341, %mul3A_342 : i32
      %add3A_344 = arith.constant 5120 : i32
      %add3A_345 = arith.addi %add3A_344, %mul3A_343 : i32
      %add3A_346 = vector.broadcast %add3A_345 : i32 to vector<16xi32>
      %add3A_347 = arith.addi %add3A_346, %iota3A : vector<16xi32>
      %sub3A_348 = vector.broadcast %mul3A_0 : i32 to vector<16xi32>
      %sub3A_349 = arith.subi %get3A_330, %sub3A_348 : vector<16xi32>
      %select_n3A_350 = arith.select %and3A_337, %sub3A_349, %add3A_347 : vector<16xi1>, vector<16xi32>
      %swap3A_351 = arith.constant 64 : index
      %swap3A_352 = tpu.vector_load %arg16[%swap3A_351] {strides = array<i32>} : memref<128xi32, #tpu.memory_space<vmem>>, vector<16xi32>,
      %swap3A_353 = vector.shape_cast %swap3A_352 : vector<16xi32> to vector<16xi32>
      %swap3A_354 = vector.shape_cast %select_n3A_350 : vector<16xi32> to vector<16xi32>
      tpu.vector_store %arg16[%swap3A_351], %swap3A_354 {strides = array<i32>} : memref<128xi32, #tpu.memory_space<vmem>>, vector<16xi32>,
      %get3A_355 = arith.constant 80 : index
      %get3A_356 = tpu.vector_load %arg12[%get3A_355] {strides = array<i32>} : memref<128xi32, #tpu.memory_space<vmem>>, vector<16xi32>,
      %get3A_357 = vector.shape_cast %get3A_356 : vector<16xi32> to vector<16xi32>
      %ge3A_358 = vector.broadcast %mul3A_0 : i32 to vector<16xi32>
      %ge3A_359 = arith.cmpi sge, %get3A_357, %ge3A_358 : vector<16xi32>
      %add3A_360 = arith.constant 5000 : i32
      %add3A_361 = arith.addi %mul3A_0, %add3A_360 : i32
      %lt3A_362 = vector.broadcast %add3A_361 : i32 to vector<16xi32>
      %lt3A_363 = arith.cmpi slt, %get3A_357, %lt3A_362 : vector<16xi32>
      %and3A_364 = arith.andi %ge3A_359, %lt3A_363 : vector<16xi1>
      %add3A_365 = arith.constant 5 : i32
      %add3A_366 = arith.addi %add3A_219, %add3A_365 : i32
      %and3A_367 = arith.constant 7 : i32
      %and3A_368 = arith.andi %add3A_366, %and3A_367 : i32
      %mul3A_369 = arith.constant 16 : i32
      %mul3A_370 = arith.muli %and3A_368, %mul3A_369 : i32
      %add3A_371 = arith.constant 5120 : i32
      %add3A_372 = arith.addi %add3A_371, %mul3A_370 : i32
      %add3A_373 = vector.broadcast %add3A_372 : i32 to vector<16xi32>
      %add3A_374 = arith.addi %add3A_373, %iota3A : vector<16xi32>
      %sub3A_375 = vector.broadcast %mul3A_0 : i32 to vector<16xi32>
      %sub3A_376 = arith.subi %get3A_357, %sub3A_375 : vector<16xi32>
      %select_n3A_377 = arith.select %and3A_364, %sub3A_376, %add3A_374 : vector<16xi1>, vector<16xi32>
      %swap3A_378 = arith.constant 80 : index
      %swap3A_379 = tpu.vector_load %arg16[%swap3A_378] {strides = array<i32>} : memref<128xi32, #tpu.memory_space<vmem>>, vector<16xi32>,
      %swap3A_380 = vector.shape_cast %swap3A_379 : vector<16xi32> to vector<16xi32>
      %swap3A_381 = vector.shape_cast %select_n3A_377 : vector<16xi32> to vector<16xi32>
      tpu.vector_store %arg16[%swap3A_378], %swap3A_381 {strides = array<i32>} : memref<128xi32, #tpu.memory_space<vmem>>, vector<16xi32>,
      %get3A_382 = arith.constant 96 : index
      %get3A_383 = tpu.vector_load %arg12[%get3A_382] {strides = array<i32>} : memref<128xi32, #tpu.memory_space<vmem>>, vector<16xi32>,
      %get3A_384 = vector.shape_cast %get3A_383 : vector<16xi32> to vector<16xi32>
      %ge3A_385 = vector.broadcast %mul3A_0 : i32 to vector<16xi32>
      %ge3A_386 = arith.cmpi sge, %get3A_384, %ge3A_385 : vector<16xi32>
      %add3A_387 = arith.constant 5000 : i32
      %add3A_388 = arith.addi %mul3A_0, %add3A_387 : i32
      %lt3A_389 = vector.broadcast %add3A_388 : i32 to vector<16xi32>
      %lt3A_390 = arith.cmpi slt, %get3A_384, %lt3A_389 : vector<16xi32>
      %and3A_391 = arith.andi %ge3A_386, %lt3A_390 : vector<16xi1>
      %add3A_392 = arith.constant 6 : i32
      %add3A_393 = arith.addi %add3A_219, %add3A_392 : i32
      %and3A_394 = arith.constant 7 : i32
      %and3A_395 = arith.andi %add3A_393, %and3A_394 : i32
      %mul3A_396 = arith.constant 16 : i32
      %mul3A_397 = arith.muli %and3A_395, %mul3A_396 : i32
      %add3A_398 = arith.constant 5120 : i32
      %add3A_399 = arith.addi %add3A_398, %mul3A_397 : i32
      %add3A_400 = vector.broadcast %add3A_399 : i32 to vector<16xi32>
      %add3A_401 = arith.addi %add3A_400, %iota3A : vector<16xi32>
      %sub3A_402 = vector.broadcast %mul3A_0 : i32 to vector<16xi32>
      %sub3A_403 = arith.subi %get3A_384, %sub3A_402 : vector<16xi32>
      %select_n3A_404 = arith.select %and3A_391, %sub3A_403, %add3A_401 : vector<16xi1>, vector<16xi32>
      %swap3A_405 = arith.constant 96 : index
      %swap3A_406 = tpu.vector_load %arg16[%swap3A_405] {strides = array<i32>} : memref<128xi32, #tpu.memory_space<vmem>>, vector<16xi32>,
      %swap3A_407 = vector.shape_cast %swap3A_406 : vector<16xi32> to vector<16xi32>
      %swap3A_408 = vector.shape_cast %select_n3A_404 : vector<16xi32> to vector<16xi32>
      tpu.vector_store %arg16[%swap3A_405], %swap3A_408 {strides = array<i32>} : memref<128xi32, #tpu.memory_space<vmem>>, vector<16xi32>,
      %get3A_409 = arith.constant 112 : index
      %get3A_410 = tpu.vector_load %arg12[%get3A_409] {strides = array<i32>} : memref<128xi32, #tpu.memory_space<vmem>>, vector<16xi32>,
      %get3A_411 = vector.shape_cast %get3A_410 : vector<16xi32> to vector<16xi32>
      %ge3A_412 = vector.broadcast %mul3A_0 : i32 to vector<16xi32>
      %ge3A_413 = arith.cmpi sge, %get3A_411, %ge3A_412 : vector<16xi32>
      %add3A_414 = arith.constant 5000 : i32
      %add3A_415 = arith.addi %mul3A_0, %add3A_414 : i32
      %lt3A_416 = vector.broadcast %add3A_415 : i32 to vector<16xi32>
      %lt3A_417 = arith.cmpi slt, %get3A_411, %lt3A_416 : vector<16xi32>
      %and3A_418 = arith.andi %ge3A_413, %lt3A_417 : vector<16xi1>
      %add3A_419 = arith.constant 7 : i32
      %add3A_420 = arith.addi %add3A_219, %add3A_419 : i32
      %and3A_421 = arith.constant 7 : i32
      %and3A_422 = arith.andi %add3A_420, %and3A_421 : i32
      %mul3A_423 = arith.constant 16 : i32
      %mul3A_424 = arith.muli %and3A_422, %mul3A_423 : i32
      %add3A_425 = arith.constant 5120 : i32
      %add3A_426 = arith.addi %add3A_425, %mul3A_424 : i32
      %add3A_427 = vector.broadcast %add3A_426 : i32 to vector<16xi32>
      %add3A_428 = arith.addi %add3A_427, %iota3A : vector<16xi32>
      %sub3A_429 = vector.broadcast %mul3A_0 : i32 to vector<16xi32>
      %sub3A_430 = arith.subi %get3A_411, %sub3A_429 : vector<16xi32>
      %select_n3A_431 = arith.select %and3A_418, %sub3A_430, %add3A_428 : vector<16xi1>, vector<16xi32>
      %swap3A_432 = arith.constant 112 : index
      %swap3A_433 = tpu.vector_load %arg16[%swap3A_432] {strides = array<i32>} : memref<128xi32, #tpu.memory_space<vmem>>, vector<16xi32>,
      %swap3A_434 = vector.shape_cast %swap3A_433 : vector<16xi32> to vector<16xi32>
      %swap3A_435 = vector.shape_cast %select_n3A_431 : vector<16xi32> to vector<16xi32>
      tpu.vector_store %arg16[%swap3A_432], %swap3A_435 {strides = array<i32>} : memref<128xi32, #tpu.memory_space<vmem>>, vector<16xi32>,
      %dma_start3A_436 = arith.constant 0 : i32
      %dma_start3A_437 = arith.constant 0 : i32
      %dma_start3A_438 = tpu.memref_slice %arg26[%dma_start3A_436, %dma_start3A_437] : memref<2048x64xf32, #tpu.memory_space<vmem_shared>> -> memref<2048x64xf32, #tpu.memory_space<vmem_shared>>
      tpu.enqueue_indirect_dma source(%dma_start3A_438 : memref<2048x64xf32, #tpu.memory_space<vmem_shared>>) target(%arg20 : memref<128x64xf32, #tpu.memory_space<vmem>>) offsets(%arg8 : memref<128xi32, #tpu.memory_space<vmem>>) semaphore(%arg35 : memref<!tpu.dma_semaphore, #tpu.memory_space<semaphore_mem>>)
      %dma_wait3A_439 = tpu.memref_slice %arg4[%add3A_191] : memref<320000xi32, #tpu.memory_space<hbm>> -> memref<128xi32, #tpu.memory_space<hbm>>
      %dma_wait3A_440 = tpu.memref_slice %arg4[%add3A_191] : memref<320000xi32, #tpu.memory_space<hbm>> -> memref<128xi32, #tpu.memory_space<hbm>>
      tpu.wait_dma2 semaphore(%arg28 : memref<!tpu.dma_semaphore, #tpu.memory_space<semaphore_mem>>) src(%dma_wait3A_440 : memref<128xi32, #tpu.memory_space<hbm>>) dst(%arg9 : memref<128xi32, #tpu.memory_space<vmem>>)
      %dma_wait3A_441 = tpu.memref_slice %arg5[%add3A_191] : memref<320000xi32, #tpu.memory_space<hbm>> -> memref<128xi32, #tpu.memory_space<hbm>>
      %dma_wait3A_442 = tpu.memref_slice %arg5[%add3A_191] : memref<320000xi32, #tpu.memory_space<hbm>> -> memref<128xi32, #tpu.memory_space<hbm>>
      tpu.wait_dma2 semaphore(%arg32 : memref<!tpu.dma_semaphore, #tpu.memory_space<semaphore_mem>>) src(%dma_wait3A_442 : memref<128xi32, #tpu.memory_space<hbm>>) dst(%arg13 : memref<128xi32, #tpu.memory_space<vmem>>)
      %add3A_443 = arith.constant 1 : i32
      %add3A_444 = arith.addi %mul3A_177, %add3A_443 : i32
      %get3A_445 = arith.constant 0 : index
      %get3A_446 = tpu.vector_load %arg13[%get3A_445] {strides = array<i32>} : memref<128xi32, #tpu.memory_space<vmem>>, vector<16xi32>,
      %get3A_447 = vector.shape_cast %get3A_446 : vector<16xi32> to vector<16xi32>
      %ge3A_448 = vector.broadcast %mul3A_0 : i32 to vector<16xi32>
      %ge3A_449 = arith.cmpi sge, %get3A_447, %ge3A_448 : vector<16xi32>
      %add3A_450 = arith.constant 5000 : i32
      %add3A_451 = arith.addi %mul3A_0, %add3A_450 : i32
      %lt3A_452 = vector.broadcast %add3A_451 : i32 to vector<16xi32>
      %lt3A_453 = arith.cmpi slt, %get3A_447, %lt3A_452 : vector<16xi32>
      %and3A_454 = arith.andi %ge3A_449, %lt3A_453 : vector<16xi1>
      %add3A_455 = arith.constant 0 : i32
      %add3A_456 = arith.addi %add3A_444, %add3A_455 : i32
      %and3A_457 = arith.constant 7 : i32
      %and3A_458 = arith.andi %add3A_456, %and3A_457 : i32
      %mul3A_459 = arith.constant 16 : i32
      %mul3A_460 = arith.muli %and3A_458, %mul3A_459 : i32
      %add3A_461 = arith.constant 5120 : i32
      %add3A_462 = arith.addi %add3A_461, %mul3A_460 : i32
      %add3A_463 = vector.broadcast %add3A_462 : i32 to vector<16xi32>
      %add3A_464 = arith.addi %add3A_463, %iota3A : vector<16xi32>
      %sub3A_465 = vector.broadcast %mul3A_0 : i32 to vector<16xi32>
      %sub3A_466 = arith.subi %get3A_447, %sub3A_465 : vector<16xi32>
      %select_n3A_467 = arith.select %and3A_454, %sub3A_466, %add3A_464 : vector<16xi1>, vector<16xi32>
      %swap3A_468 = arith.constant 0 : index
      %swap3A_469 = tpu.vector_load %arg17[%swap3A_468] {strides = array<i32>} : memref<128xi32, #tpu.memory_space<vmem>>, vector<16xi32>,
      %swap3A_470 = vector.shape_cast %swap3A_469 : vector<16xi32> to vector<16xi32>
      %swap3A_471 = vector.shape_cast %select_n3A_467 : vector<16xi32> to vector<16xi32>
      tpu.vector_store %arg17[%swap3A_468], %swap3A_471 {strides = array<i32>} : memref<128xi32, #tpu.memory_space<vmem>>, vector<16xi32>,
      %get3A_472 = arith.constant 16 : index
      %get3A_473 = tpu.vector_load %arg13[%get3A_472] {strides = array<i32>} : memref<128xi32, #tpu.memory_space<vmem>>, vector<16xi32>,
      %get3A_474 = vector.shape_cast %get3A_473 : vector<16xi32> to vector<16xi32>
      %ge3A_475 = vector.broadcast %mul3A_0 : i32 to vector<16xi32>
      %ge3A_476 = arith.cmpi sge, %get3A_474, %ge3A_475 : vector<16xi32>
      %add3A_477 = arith.constant 5000 : i32
      %add3A_478 = arith.addi %mul3A_0, %add3A_477 : i32
      %lt3A_479 = vector.broadcast %add3A_478 : i32 to vector<16xi32>
      %lt3A_480 = arith.cmpi slt, %get3A_474, %lt3A_479 : vector<16xi32>
      %and3A_481 = arith.andi %ge3A_476, %lt3A_480 : vector<16xi1>
      %add3A_482 = arith.constant 1 : i32
      %add3A_483 = arith.addi %add3A_444, %add3A_482 : i32
      %and3A_484 = arith.constant 7 : i32
      %and3A_485 = arith.andi %add3A_483, %and3A_484 : i32
      %mul3A_486 = arith.constant 16 : i32
      %mul3A_487 = arith.muli %and3A_485, %mul3A_486 : i32
      %add3A_488 = arith.constant 5120 : i32
      %add3A_489 = arith.addi %add3A_488, %mul3A_487 : i32
      %add3A_490 = vector.broadcast %add3A_489 : i32 to vector<16xi32>
      %add3A_491 = arith.addi %add3A_490, %iota3A : vector<16xi32>
      %sub3A_492 = vector.broadcast %mul3A_0 : i32 to vector<16xi32>
      %sub3A_493 = arith.subi %get3A_474, %sub3A_492 : vector<16xi32>
      %select_n3A_494 = arith.select %and3A_481, %sub3A_493, %add3A_491 : vector<16xi1>, vector<16xi32>
      %swap3A_495 = arith.constant 16 : index
      %swap3A_496 = tpu.vector_load %arg17[%swap3A_495] {strides = array<i32>} : memref<128xi32, #tpu.memory_space<vmem>>, vector<16xi32>,
      %swap3A_497 = vector.shape_cast %swap3A_496 : vector<16xi32> to vector<16xi32>
      %swap3A_498 = vector.shape_cast %select_n3A_494 : vector<16xi32> to vector<16xi32>
      tpu.vector_store %arg17[%swap3A_495], %swap3A_498 {strides = array<i32>} : memref<128xi32, #tpu.memory_space<vmem>>, vector<16xi32>,
      %get3A_499 = arith.constant 32 : index
      %get3A_500 = tpu.vector_load %arg13[%get3A_499] {strides = array<i32>} : memref<128xi32, #tpu.memory_space<vmem>>, vector<16xi32>,
      %get3A_501 = vector.shape_cast %get3A_500 : vector<16xi32> to vector<16xi32>
      %ge3A_502 = vector.broadcast %mul3A_0 : i32 to vector<16xi32>
      %ge3A_503 = arith.cmpi sge, %get3A_501, %ge3A_502 : vector<16xi32>
      %add3A_504 = arith.constant 5000 : i32
      %add3A_505 = arith.addi %mul3A_0, %add3A_504 : i32
      %lt3A_506 = vector.broadcast %add3A_505 : i32 to vector<16xi32>
      %lt3A_507 = arith.cmpi slt, %get3A_501, %lt3A_506 : vector<16xi32>
      %and3A_508 = arith.andi %ge3A_503, %lt3A_507 : vector<16xi1>
      %add3A_509 = arith.constant 2 : i32
      %add3A_510 = arith.addi %add3A_444, %add3A_509 : i32
      %and3A_511 = arith.constant 7 : i32
      %and3A_512 = arith.andi %add3A_510, %and3A_511 : i32
      %mul3A_513 = arith.constant 16 : i32
      %mul3A_514 = arith.muli %and3A_512, %mul3A_513 : i32
      %add3A_515 = arith.constant 5120 : i32
      %add3A_516 = arith.addi %add3A_515, %mul3A_514 : i32
      %add3A_517 = vector.broadcast %add3A_516 : i32 to vector<16xi32>
      %add3A_518 = arith.addi %add3A_517, %iota3A : vector<16xi32>
      %sub3A_519 = vector.broadcast %mul3A_0 : i32 to vector<16xi32>
      %sub3A_520 = arith.subi %get3A_501, %sub3A_519 : vector<16xi32>
      %select_n3A_521 = arith.select %and3A_508, %sub3A_520, %add3A_518 : vector<16xi1>, vector<16xi32>
      %swap3A_522 = arith.constant 32 : index
      %swap3A_523 = tpu.vector_load %arg17[%swap3A_522] {strides = array<i32>} : memref<128xi32, #tpu.memory_space<vmem>>, vector<16xi32>,
      %swap3A_524 = vector.shape_cast %swap3A_523 : vector<16xi32> to vector<16xi32>
      %swap3A_525 = vector.shape_cast %select_n3A_521 : vector<16xi32> to vector<16xi32>
      tpu.vector_store %arg17[%swap3A_522], %swap3A_525 {strides = array<i32>} : memref<128xi32, #tpu.memory_space<vmem>>, vector<16xi32>,
      %get3A_526 = arith.constant 48 : index
      %get3A_527 = tpu.vector_load %arg13[%get3A_526] {strides = array<i32>} : memref<128xi32, #tpu.memory_space<vmem>>, vector<16xi32>,
      %get3A_528 = vector.shape_cast %get3A_527 : vector<16xi32> to vector<16xi32>
      %ge3A_529 = vector.broadcast %mul3A_0 : i32 to vector<16xi32>
      %ge3A_530 = arith.cmpi sge, %get3A_528, %ge3A_529 : vector<16xi32>
      %add3A_531 = arith.constant 5000 : i32
      %add3A_532 = arith.addi %mul3A_0, %add3A_531 : i32
      %lt3A_533 = vector.broadcast %add3A_532 : i32 to vector<16xi32>
      %lt3A_534 = arith.cmpi slt, %get3A_528, %lt3A_533 : vector<16xi32>
      %and3A_535 = arith.andi %ge3A_530, %lt3A_534 : vector<16xi1>
      %add3A_536 = arith.constant 3 : i32
      %add3A_537 = arith.addi %add3A_444, %add3A_536 : i32
      %and3A_538 = arith.constant 7 : i32
      %and3A_539 = arith.andi %add3A_537, %and3A_538 : i32
      %mul3A_540 = arith.constant 16 : i32
      %mul3A_541 = arith.muli %and3A_539, %mul3A_540 : i32
      %add3A_542 = arith.constant 5120 : i32
      %add3A_543 = arith.addi %add3A_542, %mul3A_541 : i32
      %add3A_544 = vector.broadcast %add3A_543 : i32 to vector<16xi32>
      %add3A_545 = arith.addi %add3A_544, %iota3A : vector<16xi32>
      %sub3A_546 = vector.broadcast %mul3A_0 : i32 to vector<16xi32>
      %sub3A_547 = arith.subi %get3A_528, %sub3A_546 : vector<16xi32>
      %select_n3A_548 = arith.select %and3A_535, %sub3A_547, %add3A_545 : vector<16xi1>, vector<16xi32>
      %swap3A_549 = arith.constant 48 : index
      %swap3A_550 = tpu.vector_load %arg17[%swap3A_549] {strides = array<i32>} : memref<128xi32, #tpu.memory_space<vmem>>, vector<16xi32>,
      %swap3A_551 = vector.shape_cast %swap3A_550 : vector<16xi32> to vector<16xi32>
      %swap3A_552 = vector.shape_cast %select_n3A_548 : vector<16xi32> to vector<16xi32>
      tpu.vector_store %arg17[%swap3A_549], %swap3A_552 {strides = array<i32>} : memref<128xi32, #tpu.memory_space<vmem>>, vector<16xi32>,
      %get3A_553 = arith.constant 64 : index
      %get3A_554 = tpu.vector_load %arg13[%get3A_553] {strides = array<i32>} : memref<128xi32, #tpu.memory_space<vmem>>, vector<16xi32>,
      %get3A_555 = vector.shape_cast %get3A_554 : vector<16xi32> to vector<16xi32>
      %ge3A_556 = vector.broadcast %mul3A_0 : i32 to vector<16xi32>
      %ge3A_557 = arith.cmpi sge, %get3A_555, %ge3A_556 : vector<16xi32>
      %add3A_558 = arith.constant 5000 : i32
      %add3A_559 = arith.addi %mul3A_0, %add3A_558 : i32
      %lt3A_560 = vector.broadcast %add3A_559 : i32 to vector<16xi32>
      %lt3A_561 = arith.cmpi slt, %get3A_555, %lt3A_560 : vector<16xi32>
      %and3A_562 = arith.andi %ge3A_557, %lt3A_561 : vector<16xi1>
      %add3A_563 = arith.constant 4 : i32
      %add3A_564 = arith.addi %add3A_444, %add3A_563 : i32
      %and3A_565 = arith.constant 7 : i32
      %and3A_566 = arith.andi %add3A_564, %and3A_565 : i32
      %mul3A_567 = arith.constant 16 : i32
      %mul3A_568 = arith.muli %and3A_566, %mul3A_567 : i32
      %add3A_569 = arith.constant 5120 : i32
      %add3A_570 = arith.addi %add3A_569, %mul3A_568 : i32
      %add3A_571 = vector.broadcast %add3A_570 : i32 to vector<16xi32>
      %add3A_572 = arith.addi %add3A_571, %iota3A : vector<16xi32>
      %sub3A_573 = vector.broadcast %mul3A_0 : i32 to vector<16xi32>
      %sub3A_574 = arith.subi %get3A_555, %sub3A_573 : vector<16xi32>
      %select_n3A_575 = arith.select %and3A_562, %sub3A_574, %add3A_572 : vector<16xi1>, vector<16xi32>
      %swap3A_576 = arith.constant 64 : index
      %swap3A_577 = tpu.vector_load %arg17[%swap3A_576] {strides = array<i32>} : memref<128xi32, #tpu.memory_space<vmem>>, vector<16xi32>,
      %swap3A_578 = vector.shape_cast %swap3A_577 : vector<16xi32> to vector<16xi32>
      %swap3A_579 = vector.shape_cast %select_n3A_575 : vector<16xi32> to vector<16xi32>
      tpu.vector_store %arg17[%swap3A_576], %swap3A_579 {strides = array<i32>} : memref<128xi32, #tpu.memory_space<vmem>>, vector<16xi32>,
      %get3A_580 = arith.constant 80 : index
      %get3A_581 = tpu.vector_load %arg13[%get3A_580] {strides = array<i32>} : memref<128xi32, #tpu.memory_space<vmem>>, vector<16xi32>,
      %get3A_582 = vector.shape_cast %get3A_581 : vector<16xi32> to vector<16xi32>
      %ge3A_583 = vector.broadcast %mul3A_0 : i32 to vector<16xi32>
      %ge3A_584 = arith.cmpi sge, %get3A_582, %ge3A_583 : vector<16xi32>
      %add3A_585 = arith.constant 5000 : i32
      %add3A_586 = arith.addi %mul3A_0, %add3A_585 : i32
      %lt3A_587 = vector.broadcast %add3A_586 : i32 to vector<16xi32>
      %lt3A_588 = arith.cmpi slt, %get3A_582, %lt3A_587 : vector<16xi32>
      %and3A_589 = arith.andi %ge3A_584, %lt3A_588 : vector<16xi1>
      %add3A_590 = arith.constant 5 : i32
      %add3A_591 = arith.addi %add3A_444, %add3A_590 : i32
      %and3A_592 = arith.constant 7 : i32
      %and3A_593 = arith.andi %add3A_591, %and3A_592 : i32
      %mul3A_594 = arith.constant 16 : i32
      %mul3A_595 = arith.muli %and3A_593, %mul3A_594 : i32
      %add3A_596 = arith.constant 5120 : i32
      %add3A_597 = arith.addi %add3A_596, %mul3A_595 : i32
      %add3A_598 = vector.broadcast %add3A_597 : i32 to vector<16xi32>
      %add3A_599 = arith.addi %add3A_598, %iota3A : vector<16xi32>
      %sub3A_600 = vector.broadcast %mul3A_0 : i32 to vector<16xi32>
      %sub3A_601 = arith.subi %get3A_582, %sub3A_600 : vector<16xi32>
      %select_n3A_602 = arith.select %and3A_589, %sub3A_601, %add3A_599 : vector<16xi1>, vector<16xi32>
      %swap3A_603 = arith.constant 80 : index
      %swap3A_604 = tpu.vector_load %arg17[%swap3A_603] {strides = array<i32>} : memref<128xi32, #tpu.memory_space<vmem>>, vector<16xi32>,
      %swap3A_605 = vector.shape_cast %swap3A_604 : vector<16xi32> to vector<16xi32>
      %swap3A_606 = vector.shape_cast %select_n3A_602 : vector<16xi32> to vector<16xi32>
      tpu.vector_store %arg17[%swap3A_603], %swap3A_606 {strides = array<i32>} : memref<128xi32, #tpu.memory_space<vmem>>, vector<16xi32>,
      %get3A_607 = arith.constant 96 : index
      %get3A_608 = tpu.vector_load %arg13[%get3A_607] {strides = array<i32>} : memref<128xi32, #tpu.memory_space<vmem>>, vector<16xi32>,
      %get3A_609 = vector.shape_cast %get3A_608 : vector<16xi32> to vector<16xi32>
      %ge3A_610 = vector.broadcast %mul3A_0 : i32 to vector<16xi32>
      %ge3A_611 = arith.cmpi sge, %get3A_609, %ge3A_610 : vector<16xi32>
      %add3A_612 = arith.constant 5000 : i32
      %add3A_613 = arith.addi %mul3A_0, %add3A_612 : i32
      %lt3A_614 = vector.broadcast %add3A_613 : i32 to vector<16xi32>
      %lt3A_615 = arith.cmpi slt, %get3A_609, %lt3A_614 : vector<16xi32>
      %and3A_616 = arith.andi %ge3A_611, %lt3A_615 : vector<16xi1>
      %add3A_617 = arith.constant 6 : i32
      %add3A_618 = arith.addi %add3A_444, %add3A_617 : i32
      %and3A_619 = arith.constant 7 : i32
      %and3A_620 = arith.andi %add3A_618, %and3A_619 : i32
      %mul3A_621 = arith.constant 16 : i32
      %mul3A_622 = arith.muli %and3A_620, %mul3A_621 : i32
      %add3A_623 = arith.constant 5120 : i32
      %add3A_624 = arith.addi %add3A_623, %mul3A_622 : i32
      %add3A_625 = vector.broadcast %add3A_624 : i32 to vector<16xi32>
      %add3A_626 = arith.addi %add3A_625, %iota3A : vector<16xi32>
      %sub3A_627 = vector.broadcast %mul3A_0 : i32 to vector<16xi32>
      %sub3A_628 = arith.subi %get3A_609, %sub3A_627 : vector<16xi32>
      %select_n3A_629 = arith.select %and3A_616, %sub3A_628, %add3A_626 : vector<16xi1>, vector<16xi32>
      %swap3A_630 = arith.constant 96 : index
      %swap3A_631 = tpu.vector_load %arg17[%swap3A_630] {strides = array<i32>} : memref<128xi32, #tpu.memory_space<vmem>>, vector<16xi32>,
      %swap3A_632 = vector.shape_cast %swap3A_631 : vector<16xi32> to vector<16xi32>
      %swap3A_633 = vector.shape_cast %select_n3A_629 : vector<16xi32> to vector<16xi32>
      tpu.vector_store %arg17[%swap3A_630], %swap3A_633 {strides = array<i32>} : memref<128xi32, #tpu.memory_space<vmem>>, vector<16xi32>,
      %get3A_634 = arith.constant 112 : index
      %get3A_635 = tpu.vector_load %arg13[%get3A_634] {strides = array<i32>} : memref<128xi32, #tpu.memory_space<vmem>>, vector<16xi32>,
      %get3A_636 = vector.shape_cast %get3A_635 : vector<16xi32> to vector<16xi32>
      %ge3A_637 = vector.broadcast %mul3A_0 : i32 to vector<16xi32>
      %ge3A_638 = arith.cmpi sge, %get3A_636, %ge3A_637 : vector<16xi32>
      %add3A_639 = arith.constant 5000 : i32
      %add3A_640 = arith.addi %mul3A_0, %add3A_639 : i32
      %lt3A_641 = vector.broadcast %add3A_640 : i32 to vector<16xi32>
      %lt3A_642 = arith.cmpi slt, %get3A_636, %lt3A_641 : vector<16xi32>
      %and3A_643 = arith.andi %ge3A_638, %lt3A_642 : vector<16xi1>
      %add3A_644 = arith.constant 7 : i32
      %add3A_645 = arith.addi %add3A_444, %add3A_644 : i32
      %and3A_646 = arith.constant 7 : i32
      %and3A_647 = arith.andi %add3A_645, %and3A_646 : i32
      %mul3A_648 = arith.constant 16 : i32
      %mul3A_649 = arith.muli %and3A_647, %mul3A_648 : i32
      %add3A_650 = arith.constant 5120 : i32
      %add3A_651 = arith.addi %add3A_650, %mul3A_649 : i32
      %add3A_652 = vector.broadcast %add3A_651 : i32 to vector<16xi32>
      %add3A_653 = arith.addi %add3A_652, %iota3A : vector<16xi32>
      %sub3A_654 = vector.broadcast %mul3A_0 : i32 to vector<16xi32>
      %sub3A_655 = arith.subi %get3A_636, %sub3A_654 : vector<16xi32>
      %select_n3A_656 = arith.select %and3A_643, %sub3A_655, %add3A_653 : vector<16xi1>, vector<16xi32>
      %swap3A_657 = arith.constant 112 : index
      %swap3A_658 = tpu.vector_load %arg17[%swap3A_657] {strides = array<i32>} : memref<128xi32, #tpu.memory_space<vmem>>, vector<16xi32>,
      %swap3A_659 = vector.shape_cast %swap3A_658 : vector<16xi32> to vector<16xi32>
      %swap3A_660 = vector.shape_cast %select_n3A_656 : vector<16xi32> to vector<16xi32>
      tpu.vector_store %arg17[%swap3A_657], %swap3A_660 {strides = array<i32>} : memref<128xi32, #tpu.memory_space<vmem>>, vector<16xi32>,
      %dma_start3A_661 = arith.constant 0 : i32
      %dma_start3A_662 = arith.constant 0 : i32
      %dma_start3A_663 = tpu.memref_slice %arg26[%dma_start3A_661, %dma_start3A_662] : memref<2048x64xf32, #tpu.memory_space<vmem_shared>> -> memref<2048x64xf32, #tpu.memory_space<vmem_shared>>
      tpu.enqueue_indirect_dma source(%dma_start3A_663 : memref<2048x64xf32, #tpu.memory_space<vmem_shared>>) target(%arg21 : memref<128x64xf32, #tpu.memory_space<vmem>>) offsets(%arg9 : memref<128xi32, #tpu.memory_space<vmem>>) semaphore(%arg36 : memref<!tpu.dma_semaphore, #tpu.memory_space<semaphore_mem>>)
      %dma_wait3A_664 = tpu.memref_slice %arg4[%add3A_200] : memref<320000xi32, #tpu.memory_space<hbm>> -> memref<128xi32, #tpu.memory_space<hbm>>
      %dma_wait3A_665 = tpu.memref_slice %arg4[%add3A_200] : memref<320000xi32, #tpu.memory_space<hbm>> -> memref<128xi32, #tpu.memory_space<hbm>>
      tpu.wait_dma2 semaphore(%arg29 : memref<!tpu.dma_semaphore, #tpu.memory_space<semaphore_mem>>) src(%dma_wait3A_665 : memref<128xi32, #tpu.memory_space<hbm>>) dst(%arg10 : memref<128xi32, #tpu.memory_space<vmem>>)
      %dma_wait3A_666 = tpu.memref_slice %arg5[%add3A_200] : memref<320000xi32, #tpu.memory_space<hbm>> -> memref<128xi32, #tpu.memory_space<hbm>>
      %dma_wait3A_667 = tpu.memref_slice %arg5[%add3A_200] : memref<320000xi32, #tpu.memory_space<hbm>> -> memref<128xi32, #tpu.memory_space<hbm>>
      tpu.wait_dma2 semaphore(%arg33 : memref<!tpu.dma_semaphore, #tpu.memory_space<semaphore_mem>>) src(%dma_wait3A_667 : memref<128xi32, #tpu.memory_space<hbm>>) dst(%arg14 : memref<128xi32, #tpu.memory_space<vmem>>)
      %add3A_668 = arith.constant 2 : i32
      %add3A_669 = arith.addi %mul3A_177, %add3A_668 : i32
      %get3A_670 = arith.constant 0 : index
      %get3A_671 = tpu.vector_load %arg14[%get3A_670] {strides = array<i32>} : memref<128xi32, #tpu.memory_space<vmem>>, vector<16xi32>,
      %get3A_672 = vector.shape_cast %get3A_671 : vector<16xi32> to vector<16xi32>
      %ge3A_673 = vector.broadcast %mul3A_0 : i32 to vector<16xi32>
      %ge3A_674 = arith.cmpi sge, %get3A_672, %ge3A_673 : vector<16xi32>
      %add3A_675 = arith.constant 5000 : i32
      %add3A_676 = arith.addi %mul3A_0, %add3A_675 : i32
      %lt3A_677 = vector.broadcast %add3A_676 : i32 to vector<16xi32>
      %lt3A_678 = arith.cmpi slt, %get3A_672, %lt3A_677 : vector<16xi32>
      %and3A_679 = arith.andi %ge3A_674, %lt3A_678 : vector<16xi1>
      %add3A_680 = arith.constant 0 : i32
      %add3A_681 = arith.addi %add3A_669, %add3A_680 : i32
      %and3A_682 = arith.constant 7 : i32
      %and3A_683 = arith.andi %add3A_681, %and3A_682 : i32
      %mul3A_684 = arith.constant 16 : i32
      %mul3A_685 = arith.muli %and3A_683, %mul3A_684 : i32
      %add3A_686 = arith.constant 5120 : i32
      %add3A_687 = arith.addi %add3A_686, %mul3A_685 : i32
      %add3A_688 = vector.broadcast %add3A_687 : i32 to vector<16xi32>
      %add3A_689 = arith.addi %add3A_688, %iota3A : vector<16xi32>
      %sub3A_690 = vector.broadcast %mul3A_0 : i32 to vector<16xi32>
      %sub3A_691 = arith.subi %get3A_672, %sub3A_690 : vector<16xi32>
      %select_n3A_692 = arith.select %and3A_679, %sub3A_691, %add3A_689 : vector<16xi1>, vector<16xi32>
      %swap3A_693 = arith.constant 0 : index
      %swap3A_694 = tpu.vector_load %arg18[%swap3A_693] {strides = array<i32>} : memref<128xi32, #tpu.memory_space<vmem>>, vector<16xi32>,
      %swap3A_695 = vector.shape_cast %swap3A_694 : vector<16xi32> to vector<16xi32>
      %swap3A_696 = vector.shape_cast %select_n3A_692 : vector<16xi32> to vector<16xi32>
      tpu.vector_store %arg18[%swap3A_693], %swap3A_696 {strides = array<i32>} : memref<128xi32, #tpu.memory_space<vmem>>, vector<16xi32>,
      %get3A_697 = arith.constant 16 : index
      %get3A_698 = tpu.vector_load %arg14[%get3A_697] {strides = array<i32>} : memref<128xi32, #tpu.memory_space<vmem>>, vector<16xi32>,
      %get3A_699 = vector.shape_cast %get3A_698 : vector<16xi32> to vector<16xi32>
      %ge3A_700 = vector.broadcast %mul3A_0 : i32 to vector<16xi32>
      %ge3A_701 = arith.cmpi sge, %get3A_699, %ge3A_700 : vector<16xi32>
      %add3A_702 = arith.constant 5000 : i32
      %add3A_703 = arith.addi %mul3A_0, %add3A_702 : i32
      %lt3A_704 = vector.broadcast %add3A_703 : i32 to vector<16xi32>
      %lt3A_705 = arith.cmpi slt, %get3A_699, %lt3A_704 : vector<16xi32>
      %and3A_706 = arith.andi %ge3A_701, %lt3A_705 : vector<16xi1>
      %add3A_707 = arith.constant 1 : i32
      %add3A_708 = arith.addi %add3A_669, %add3A_707 : i32
      %and3A_709 = arith.constant 7 : i32
      %and3A_710 = arith.andi %add3A_708, %and3A_709 : i32
      %mul3A_711 = arith.constant 16 : i32
      %mul3A_712 = arith.muli %and3A_710, %mul3A_711 : i32
      %add3A_713 = arith.constant 5120 : i32
      %add3A_714 = arith.addi %add3A_713, %mul3A_712 : i32
      %add3A_715 = vector.broadcast %add3A_714 : i32 to vector<16xi32>
      %add3A_716 = arith.addi %add3A_715, %iota3A : vector<16xi32>
      %sub3A_717 = vector.broadcast %mul3A_0 : i32 to vector<16xi32>
      %sub3A_718 = arith.subi %get3A_699, %sub3A_717 : vector<16xi32>
      %select_n3A_719 = arith.select %and3A_706, %sub3A_718, %add3A_716 : vector<16xi1>, vector<16xi32>
      %swap3A_720 = arith.constant 16 : index
      %swap3A_721 = tpu.vector_load %arg18[%swap3A_720] {strides = array<i32>} : memref<128xi32, #tpu.memory_space<vmem>>, vector<16xi32>,
      %swap3A_722 = vector.shape_cast %swap3A_721 : vector<16xi32> to vector<16xi32>
      %swap3A_723 = vector.shape_cast %select_n3A_719 : vector<16xi32> to vector<16xi32>
      tpu.vector_store %arg18[%swap3A_720], %swap3A_723 {strides = array<i32>} : memref<128xi32, #tpu.memory_space<vmem>>, vector<16xi32>,
      %get3A_724 = arith.constant 32 : index
      %get3A_725 = tpu.vector_load %arg14[%get3A_724] {strides = array<i32>} : memref<128xi32, #tpu.memory_space<vmem>>, vector<16xi32>,
      %get3A_726 = vector.shape_cast %get3A_725 : vector<16xi32> to vector<16xi32>
      %ge3A_727 = vector.broadcast %mul3A_0 : i32 to vector<16xi32>
      %ge3A_728 = arith.cmpi sge, %get3A_726, %ge3A_727 : vector<16xi32>
      %add3A_729 = arith.constant 5000 : i32
      %add3A_730 = arith.addi %mul3A_0, %add3A_729 : i32
      %lt3A_731 = vector.broadcast %add3A_730 : i32 to vector<16xi32>
      %lt3A_732 = arith.cmpi slt, %get3A_726, %lt3A_731 : vector<16xi32>
      %and3A_733 = arith.andi %ge3A_728, %lt3A_732 : vector<16xi1>
      %add3A_734 = arith.constant 2 : i32
      %add3A_735 = arith.addi %add3A_669, %add3A_734 : i32
      %and3A_736 = arith.constant 7 : i32
      %and3A_737 = arith.andi %add3A_735, %and3A_736 : i32
      %mul3A_738 = arith.constant 16 : i32
      %mul3A_739 = arith.muli %and3A_737, %mul3A_738 : i32
      %add3A_740 = arith.constant 5120 : i32
      %add3A_741 = arith.addi %add3A_740, %mul3A_739 : i32
      %add3A_742 = vector.broadcast %add3A_741 : i32 to vector<16xi32>
      %add3A_743 = arith.addi %add3A_742, %iota3A : vector<16xi32>
      %sub3A_744 = vector.broadcast %mul3A_0 : i32 to vector<16xi32>
      %sub3A_745 = arith.subi %get3A_726, %sub3A_744 : vector<16xi32>
      %select_n3A_746 = arith.select %and3A_733, %sub3A_745, %add3A_743 : vector<16xi1>, vector<16xi32>
      %swap3A_747 = arith.constant 32 : index
      %swap3A_748 = tpu.vector_load %arg18[%swap3A_747] {strides = array<i32>} : memref<128xi32, #tpu.memory_space<vmem>>, vector<16xi32>,
      %swap3A_749 = vector.shape_cast %swap3A_748 : vector<16xi32> to vector<16xi32>
      %swap3A_750 = vector.shape_cast %select_n3A_746 : vector<16xi32> to vector<16xi32>
      tpu.vector_store %arg18[%swap3A_747], %swap3A_750 {strides = array<i32>} : memref<128xi32, #tpu.memory_space<vmem>>, vector<16xi32>,
      %get3A_751 = arith.constant 48 : index
      %get3A_752 = tpu.vector_load %arg14[%get3A_751] {strides = array<i32>} : memref<128xi32, #tpu.memory_space<vmem>>, vector<16xi32>,
      %get3A_753 = vector.shape_cast %get3A_752 : vector<16xi32> to vector<16xi32>
      %ge3A_754 = vector.broadcast %mul3A_0 : i32 to vector<16xi32>
      %ge3A_755 = arith.cmpi sge, %get3A_753, %ge3A_754 : vector<16xi32>
      %add3A_756 = arith.constant 5000 : i32
      %add3A_757 = arith.addi %mul3A_0, %add3A_756 : i32
      %lt3A_758 = vector.broadcast %add3A_757 : i32 to vector<16xi32>
      %lt3A_759 = arith.cmpi slt, %get3A_753, %lt3A_758 : vector<16xi32>
      %and3A_760 = arith.andi %ge3A_755, %lt3A_759 : vector<16xi1>
      %add3A_761 = arith.constant 3 : i32
      %add3A_762 = arith.addi %add3A_669, %add3A_761 : i32
      %and3A_763 = arith.constant 7 : i32
      %and3A_764 = arith.andi %add3A_762, %and3A_763 : i32
      %mul3A_765 = arith.constant 16 : i32
      %mul3A_766 = arith.muli %and3A_764, %mul3A_765 : i32
      %add3A_767 = arith.constant 5120 : i32
      %add3A_768 = arith.addi %add3A_767, %mul3A_766 : i32
      %add3A_769 = vector.broadcast %add3A_768 : i32 to vector<16xi32>
      %add3A_770 = arith.addi %add3A_769, %iota3A : vector<16xi32>
      %sub3A_771 = vector.broadcast %mul3A_0 : i32 to vector<16xi32>
      %sub3A_772 = arith.subi %get3A_753, %sub3A_771 : vector<16xi32>
      %select_n3A_773 = arith.select %and3A_760, %sub3A_772, %add3A_770 : vector<16xi1>, vector<16xi32>
      %swap3A_774 = arith.constant 48 : index
      %swap3A_775 = tpu.vector_load %arg18[%swap3A_774] {strides = array<i32>} : memref<128xi32, #tpu.memory_space<vmem>>, vector<16xi32>,
      %swap3A_776 = vector.shape_cast %swap3A_775 : vector<16xi32> to vector<16xi32>
      %swap3A_777 = vector.shape_cast %select_n3A_773 : vector<16xi32> to vector<16xi32>
      tpu.vector_store %arg18[%swap3A_774], %swap3A_777 {strides = array<i32>} : memref<128xi32, #tpu.memory_space<vmem>>, vector<16xi32>,
      %get3A_778 = arith.constant 64 : index
      %get3A_779 = tpu.vector_load %arg14[%get3A_778] {strides = array<i32>} : memref<128xi32, #tpu.memory_space<vmem>>, vector<16xi32>,
      %get3A_780 = vector.shape_cast %get3A_779 : vector<16xi32> to vector<16xi32>
      %ge3A_781 = vector.broadcast %mul3A_0 : i32 to vector<16xi32>
      %ge3A_782 = arith.cmpi sge, %get3A_780, %ge3A_781 : vector<16xi32>
      %add3A_783 = arith.constant 5000 : i32
      %add3A_784 = arith.addi %mul3A_0, %add3A_783 : i32
      %lt3A_785 = vector.broadcast %add3A_784 : i32 to vector<16xi32>
      %lt3A_786 = arith.cmpi slt, %get3A_780, %lt3A_785 : vector<16xi32>
      %and3A_787 = arith.andi %ge3A_782, %lt3A_786 : vector<16xi1>
      %add3A_788 = arith.constant 4 : i32
      %add3A_789 = arith.addi %add3A_669, %add3A_788 : i32
      %and3A_790 = arith.constant 7 : i32
      %and3A_791 = arith.andi %add3A_789, %and3A_790 : i32
      %mul3A_792 = arith.constant 16 : i32
      %mul3A_793 = arith.muli %and3A_791, %mul3A_792 : i32
      %add3A_794 = arith.constant 5120 : i32
      %add3A_795 = arith.addi %add3A_794, %mul3A_793 : i32
      %add3A_796 = vector.broadcast %add3A_795 : i32 to vector<16xi32>
      %add3A_797 = arith.addi %add3A_796, %iota3A : vector<16xi32>
      %sub3A_798 = vector.broadcast %mul3A_0 : i32 to vector<16xi32>
      %sub3A_799 = arith.subi %get3A_780, %sub3A_798 : vector<16xi32>
      %select_n3A_800 = arith.select %and3A_787, %sub3A_799, %add3A_797 : vector<16xi1>, vector<16xi32>
      %swap3A_801 = arith.constant 64 : index
      %swap3A_802 = tpu.vector_load %arg18[%swap3A_801] {strides = array<i32>} : memref<128xi32, #tpu.memory_space<vmem>>, vector<16xi32>,
      %swap3A_803 = vector.shape_cast %swap3A_802 : vector<16xi32> to vector<16xi32>
      %swap3A_804 = vector.shape_cast %select_n3A_800 : vector<16xi32> to vector<16xi32>
      tpu.vector_store %arg18[%swap3A_801], %swap3A_804 {strides = array<i32>} : memref<128xi32, #tpu.memory_space<vmem>>, vector<16xi32>,
      %get3A_805 = arith.constant 80 : index
      %get3A_806 = tpu.vector_load %arg14[%get3A_805] {strides = array<i32>} : memref<128xi32, #tpu.memory_space<vmem>>, vector<16xi32>,
      %get3A_807 = vector.shape_cast %get3A_806 : vector<16xi32> to vector<16xi32>
      %ge3A_808 = vector.broadcast %mul3A_0 : i32 to vector<16xi32>
      %ge3A_809 = arith.cmpi sge, %get3A_807, %ge3A_808 : vector<16xi32>
      %add3A_810 = arith.constant 5000 : i32
      %add3A_811 = arith.addi %mul3A_0, %add3A_810 : i32
      %lt3A_812 = vector.broadcast %add3A_811 : i32 to vector<16xi32>
      %lt3A_813 = arith.cmpi slt, %get3A_807, %lt3A_812 : vector<16xi32>
      %and3A_814 = arith.andi %ge3A_809, %lt3A_813 : vector<16xi1>
      %add3A_815 = arith.constant 5 : i32
      %add3A_816 = arith.addi %add3A_669, %add3A_815 : i32
      %and3A_817 = arith.constant 7 : i32
      %and3A_818 = arith.andi %add3A_816, %and3A_817 : i32
      %mul3A_819 = arith.constant 16 : i32
      %mul3A_820 = arith.muli %and3A_818, %mul3A_819 : i32
      %add3A_821 = arith.constant 5120 : i32
      %add3A_822 = arith.addi %add3A_821, %mul3A_820 : i32
      %add3A_823 = vector.broadcast %add3A_822 : i32 to vector<16xi32>
      %add3A_824 = arith.addi %add3A_823, %iota3A : vector<16xi32>
      %sub3A_825 = vector.broadcast %mul3A_0 : i32 to vector<16xi32>
      %sub3A_826 = arith.subi %get3A_807, %sub3A_825 : vector<16xi32>
      %select_n3A_827 = arith.select %and3A_814, %sub3A_826, %add3A_824 : vector<16xi1>, vector<16xi32>
      %swap3A_828 = arith.constant 80 : index
      %swap3A_829 = tpu.vector_load %arg18[%swap3A_828] {strides = array<i32>} : memref<128xi32, #tpu.memory_space<vmem>>, vector<16xi32>,
      %swap3A_830 = vector.shape_cast %swap3A_829 : vector<16xi32> to vector<16xi32>
      %swap3A_831 = vector.shape_cast %select_n3A_827 : vector<16xi32> to vector<16xi32>
      tpu.vector_store %arg18[%swap3A_828], %swap3A_831 {strides = array<i32>} : memref<128xi32, #tpu.memory_space<vmem>>, vector<16xi32>,
      %get3A_832 = arith.constant 96 : index
      %get3A_833 = tpu.vector_load %arg14[%get3A_832] {strides = array<i32>} : memref<128xi32, #tpu.memory_space<vmem>>, vector<16xi32>,
      %get3A_834 = vector.shape_cast %get3A_833 : vector<16xi32> to vector<16xi32>
      %ge3A_835 = vector.broadcast %mul3A_0 : i32 to vector<16xi32>
      %ge3A_836 = arith.cmpi sge, %get3A_834, %ge3A_835 : vector<16xi32>
      %add3A_837 = arith.constant 5000 : i32
      %add3A_838 = arith.addi %mul3A_0, %add3A_837 : i32
      %lt3A_839 = vector.broadcast %add3A_838 : i32 to vector<16xi32>
      %lt3A_840 = arith.cmpi slt, %get3A_834, %lt3A_839 : vector<16xi32>
      %and3A_841 = arith.andi %ge3A_836, %lt3A_840 : vector<16xi1>
      %add3A_842 = arith.constant 6 : i32
      %add3A_843 = arith.addi %add3A_669, %add3A_842 : i32
      %and3A_844 = arith.constant 7 : i32
      %and3A_845 = arith.andi %add3A_843, %and3A_844 : i32
      %mul3A_846 = arith.constant 16 : i32
      %mul3A_847 = arith.muli %and3A_845, %mul3A_846 : i32
      %add3A_848 = arith.constant 5120 : i32
      %add3A_849 = arith.addi %add3A_848, %mul3A_847 : i32
      %add3A_850 = vector.broadcast %add3A_849 : i32 to vector<16xi32>
      %add3A_851 = arith.addi %add3A_850, %iota3A : vector<16xi32>
      %sub3A_852 = vector.broadcast %mul3A_0 : i32 to vector<16xi32>
      %sub3A_853 = arith.subi %get3A_834, %sub3A_852 : vector<16xi32>
      %select_n3A_854 = arith.select %and3A_841, %sub3A_853, %add3A_851 : vector<16xi1>, vector<16xi32>
      %swap3A_855 = arith.constant 96 : index
      %swap3A_856 = tpu.vector_load %arg18[%swap3A_855] {strides = array<i32>} : memref<128xi32, #tpu.memory_space<vmem>>, vector<16xi32>,
      %swap3A_857 = vector.shape_cast %swap3A_856 : vector<16xi32> to vector<16xi32>
      %swap3A_858 = vector.shape_cast %select_n3A_854 : vector<16xi32> to vector<16xi32>
      tpu.vector_store %arg18[%swap3A_855], %swap3A_858 {strides = array<i32>} : memref<128xi32, #tpu.memory_space<vmem>>, vector<16xi32>,
      %get3A_859 = arith.constant 112 : index
      %get3A_860 = tpu.vector_load %arg14[%get3A_859] {strides = array<i32>} : memref<128xi32, #tpu.memory_space<vmem>>, vector<16xi32>,
      %get3A_861 = vector.shape_cast %get3A_860 : vector<16xi32> to vector<16xi32>
      %ge3A_862 = vector.broadcast %mul3A_0 : i32 to vector<16xi32>
      %ge3A_863 = arith.cmpi sge, %get3A_861, %ge3A_862 : vector<16xi32>
      %add3A_864 = arith.constant 5000 : i32
      %add3A_865 = arith.addi %mul3A_0, %add3A_864 : i32
      %lt3A_866 = vector.broadcast %add3A_865 : i32 to vector<16xi32>
      %lt3A_867 = arith.cmpi slt, %get3A_861, %lt3A_866 : vector<16xi32>
      %and3A_868 = arith.andi %ge3A_863, %lt3A_867 : vector<16xi1>
      %add3A_869 = arith.constant 7 : i32
      %add3A_870 = arith.addi %add3A_669, %add3A_869 : i32
      %and3A_871 = arith.constant 7 : i32
      %and3A_872 = arith.andi %add3A_870, %and3A_871 : i32
      %mul3A_873 = arith.constant 16 : i32
      %mul3A_874 = arith.muli %and3A_872, %mul3A_873 : i32
      %add3A_875 = arith.constant 5120 : i32
      %add3A_876 = arith.addi %add3A_875, %mul3A_874 : i32
      %add3A_877 = vector.broadcast %add3A_876 : i32 to vector<16xi32>
      %add3A_878 = arith.addi %add3A_877, %iota3A : vector<16xi32>
      %sub3A_879 = vector.broadcast %mul3A_0 : i32 to vector<16xi32>
      %sub3A_880 = arith.subi %get3A_861, %sub3A_879 : vector<16xi32>
      %select_n3A_881 = arith.select %and3A_868, %sub3A_880, %add3A_878 : vector<16xi1>, vector<16xi32>
      %swap3A_882 = arith.constant 112 : index
      %swap3A_883 = tpu.vector_load %arg18[%swap3A_882] {strides = array<i32>} : memref<128xi32, #tpu.memory_space<vmem>>, vector<16xi32>,
      %swap3A_884 = vector.shape_cast %swap3A_883 : vector<16xi32> to vector<16xi32>
      %swap3A_885 = vector.shape_cast %select_n3A_881 : vector<16xi32> to vector<16xi32>
      tpu.vector_store %arg18[%swap3A_882], %swap3A_885 {strides = array<i32>} : memref<128xi32, #tpu.memory_space<vmem>>, vector<16xi32>,
      %dma_start3A_886 = arith.constant 0 : i32
      %dma_start3A_887 = arith.constant 0 : i32
      %dma_start3A_888 = tpu.memref_slice %arg26[%dma_start3A_886, %dma_start3A_887] : memref<2048x64xf32, #tpu.memory_space<vmem_shared>> -> memref<2048x64xf32, #tpu.memory_space<vmem_shared>>
      tpu.enqueue_indirect_dma source(%dma_start3A_888 : memref<2048x64xf32, #tpu.memory_space<vmem_shared>>) target(%arg22 : memref<128x64xf32, #tpu.memory_space<vmem>>) offsets(%arg10 : memref<128xi32, #tpu.memory_space<vmem>>) semaphore(%arg37 : memref<!tpu.dma_semaphore, #tpu.memory_space<semaphore_mem>>)
      %dma_wait3A_889 = tpu.memref_slice %arg4[%add3A_209] : memref<320000xi32, #tpu.memory_space<hbm>> -> memref<128xi32, #tpu.memory_space<hbm>>
      %dma_wait3A_890 = tpu.memref_slice %arg4[%add3A_209] : memref<320000xi32, #tpu.memory_space<hbm>> -> memref<128xi32, #tpu.memory_space<hbm>>
      tpu.wait_dma2 semaphore(%arg30 : memref<!tpu.dma_semaphore, #tpu.memory_space<semaphore_mem>>) src(%dma_wait3A_890 : memref<128xi32, #tpu.memory_space<hbm>>) dst(%arg11 : memref<128xi32, #tpu.memory_space<vmem>>)
      %dma_wait3A_891 = tpu.memref_slice %arg5[%add3A_209] : memref<320000xi32, #tpu.memory_space<hbm>> -> memref<128xi32, #tpu.memory_space<hbm>>
      %dma_wait3A_892 = tpu.memref_slice %arg5[%add3A_209] : memref<320000xi32, #tpu.memory_space<hbm>> -> memref<128xi32, #tpu.memory_space<hbm>>
      tpu.wait_dma2 semaphore(%arg34 : memref<!tpu.dma_semaphore, #tpu.memory_space<semaphore_mem>>) src(%dma_wait3A_892 : memref<128xi32, #tpu.memory_space<hbm>>) dst(%arg15 : memref<128xi32, #tpu.memory_space<vmem>>)
      %add3A_893 = arith.constant 3 : i32
      %add3A_894 = arith.addi %mul3A_177, %add3A_893 : i32
      %get3A_895 = arith.constant 0 : index
      %get3A_896 = tpu.vector_load %arg15[%get3A_895] {strides = array<i32>} : memref<128xi32, #tpu.memory_space<vmem>>, vector<16xi32>,
      %get3A_897 = vector.shape_cast %get3A_896 : vector<16xi32> to vector<16xi32>
      %ge3A_898 = vector.broadcast %mul3A_0 : i32 to vector<16xi32>
      %ge3A_899 = arith.cmpi sge, %get3A_897, %ge3A_898 : vector<16xi32>
      %add3A_900 = arith.constant 5000 : i32
      %add3A_901 = arith.addi %mul3A_0, %add3A_900 : i32
      %lt3A_902 = vector.broadcast %add3A_901 : i32 to vector<16xi32>
      %lt3A_903 = arith.cmpi slt, %get3A_897, %lt3A_902 : vector<16xi32>
      %and3A_904 = arith.andi %ge3A_899, %lt3A_903 : vector<16xi1>
      %add3A_905 = arith.constant 0 : i32
      %add3A_906 = arith.addi %add3A_894, %add3A_905 : i32
      %and3A_907 = arith.constant 7 : i32
      %and3A_908 = arith.andi %add3A_906, %and3A_907 : i32
      %mul3A_909 = arith.constant 16 : i32
      %mul3A_910 = arith.muli %and3A_908, %mul3A_909 : i32
      %add3A_911 = arith.constant 5120 : i32
      %add3A_912 = arith.addi %add3A_911, %mul3A_910 : i32
      %add3A_913 = vector.broadcast %add3A_912 : i32 to vector<16xi32>
      %add3A_914 = arith.addi %add3A_913, %iota3A : vector<16xi32>
      %sub3A_915 = vector.broadcast %mul3A_0 : i32 to vector<16xi32>
      %sub3A_916 = arith.subi %get3A_897, %sub3A_915 : vector<16xi32>
      %select_n3A_917 = arith.select %and3A_904, %sub3A_916, %add3A_914 : vector<16xi1>, vector<16xi32>
      %swap3A_918 = arith.constant 0 : index
      %swap3A_919 = tpu.vector_load %arg19[%swap3A_918] {strides = array<i32>} : memref<128xi32, #tpu.memory_space<vmem>>, vector<16xi32>,
      %swap3A_920 = vector.shape_cast %swap3A_919 : vector<16xi32> to vector<16xi32>
      %swap3A_921 = vector.shape_cast %select_n3A_917 : vector<16xi32> to vector<16xi32>
      tpu.vector_store %arg19[%swap3A_918], %swap3A_921 {strides = array<i32>} : memref<128xi32, #tpu.memory_space<vmem>>, vector<16xi32>,
      %get3A_922 = arith.constant 16 : index
      %get3A_923 = tpu.vector_load %arg15[%get3A_922] {strides = array<i32>} : memref<128xi32, #tpu.memory_space<vmem>>, vector<16xi32>,
      %get3A_924 = vector.shape_cast %get3A_923 : vector<16xi32> to vector<16xi32>
      %ge3A_925 = vector.broadcast %mul3A_0 : i32 to vector<16xi32>
      %ge3A_926 = arith.cmpi sge, %get3A_924, %ge3A_925 : vector<16xi32>
      %add3A_927 = arith.constant 5000 : i32
      %add3A_928 = arith.addi %mul3A_0, %add3A_927 : i32
      %lt3A_929 = vector.broadcast %add3A_928 : i32 to vector<16xi32>
      %lt3A_930 = arith.cmpi slt, %get3A_924, %lt3A_929 : vector<16xi32>
      %and3A_931 = arith.andi %ge3A_926, %lt3A_930 : vector<16xi1>
      %add3A_932 = arith.constant 1 : i32
      %add3A_933 = arith.addi %add3A_894, %add3A_932 : i32
      %and3A_934 = arith.constant 7 : i32
      %and3A_935 = arith.andi %add3A_933, %and3A_934 : i32
      %mul3A_936 = arith.constant 16 : i32
      %mul3A_937 = arith.muli %and3A_935, %mul3A_936 : i32
      %add3A_938 = arith.constant 5120 : i32
      %add3A_939 = arith.addi %add3A_938, %mul3A_937 : i32
      %add3A_940 = vector.broadcast %add3A_939 : i32 to vector<16xi32>
      %add3A_941 = arith.addi %add3A_940, %iota3A : vector<16xi32>
      %sub3A_942 = vector.broadcast %mul3A_0 : i32 to vector<16xi32>
      %sub3A_943 = arith.subi %get3A_924, %sub3A_942 : vector<16xi32>
      %select_n3A_944 = arith.select %and3A_931, %sub3A_943, %add3A_941 : vector<16xi1>, vector<16xi32>
      %swap3A_945 = arith.constant 16 : index
      %swap3A_946 = tpu.vector_load %arg19[%swap3A_945] {strides = array<i32>} : memref<128xi32, #tpu.memory_space<vmem>>, vector<16xi32>,
      %swap3A_947 = vector.shape_cast %swap3A_946 : vector<16xi32> to vector<16xi32>
      %swap3A_948 = vector.shape_cast %select_n3A_944 : vector<16xi32> to vector<16xi32>
      tpu.vector_store %arg19[%swap3A_945], %swap3A_948 {strides = array<i32>} : memref<128xi32, #tpu.memory_space<vmem>>, vector<16xi32>,
      %get3A_949 = arith.constant 32 : index
      %get3A_950 = tpu.vector_load %arg15[%get3A_949] {strides = array<i32>} : memref<128xi32, #tpu.memory_space<vmem>>, vector<16xi32>,
      %get3A_951 = vector.shape_cast %get3A_950 : vector<16xi32> to vector<16xi32>
      %ge3A_952 = vector.broadcast %mul3A_0 : i32 to vector<16xi32>
      %ge3A_953 = arith.cmpi sge, %get3A_951, %ge3A_952 : vector<16xi32>
      %add3A_954 = arith.constant 5000 : i32
      %add3A_955 = arith.addi %mul3A_0, %add3A_954 : i32
      %lt3A_956 = vector.broadcast %add3A_955 : i32 to vector<16xi32>
      %lt3A_957 = arith.cmpi slt, %get3A_951, %lt3A_956 : vector<16xi32>
      %and3A_958 = arith.andi %ge3A_953, %lt3A_957 : vector<16xi1>
      %add3A_959 = arith.constant 2 : i32
      %add3A_960 = arith.addi %add3A_894, %add3A_959 : i32
      %and3A_961 = arith.constant 7 : i32
      %and3A_962 = arith.andi %add3A_960, %and3A_961 : i32
      %mul3A_963 = arith.constant 16 : i32
      %mul3A_964 = arith.muli %and3A_962, %mul3A_963 : i32
      %add3A_965 = arith.constant 5120 : i32
      %add3A_966 = arith.addi %add3A_965, %mul3A_964 : i32
      %add3A_967 = vector.broadcast %add3A_966 : i32 to vector<16xi32>
      %add3A_968 = arith.addi %add3A_967, %iota3A : vector<16xi32>
      %sub3A_969 = vector.broadcast %mul3A_0 : i32 to vector<16xi32>
      %sub3A_970 = arith.subi %get3A_951, %sub3A_969 : vector<16xi32>
      %select_n3A_971 = arith.select %and3A_958, %sub3A_970, %add3A_968 : vector<16xi1>, vector<16xi32>
      %swap3A_972 = arith.constant 32 : index
      %swap3A_973 = tpu.vector_load %arg19[%swap3A_972] {strides = array<i32>} : memref<128xi32, #tpu.memory_space<vmem>>, vector<16xi32>,
      %swap3A_974 = vector.shape_cast %swap3A_973 : vector<16xi32> to vector<16xi32>
      %swap3A_975 = vector.shape_cast %select_n3A_971 : vector<16xi32> to vector<16xi32>
      tpu.vector_store %arg19[%swap3A_972], %swap3A_975 {strides = array<i32>} : memref<128xi32, #tpu.memory_space<vmem>>, vector<16xi32>,
      %get3A_976 = arith.constant 48 : index
      %get3A_977 = tpu.vector_load %arg15[%get3A_976] {strides = array<i32>} : memref<128xi32, #tpu.memory_space<vmem>>, vector<16xi32>,
      %get3A_978 = vector.shape_cast %get3A_977 : vector<16xi32> to vector<16xi32>
      %ge3A_979 = vector.broadcast %mul3A_0 : i32 to vector<16xi32>
      %ge3A_980 = arith.cmpi sge, %get3A_978, %ge3A_979 : vector<16xi32>
      %add3A_981 = arith.constant 5000 : i32
      %add3A_982 = arith.addi %mul3A_0, %add3A_981 : i32
      %lt3A_983 = vector.broadcast %add3A_982 : i32 to vector<16xi32>
      %lt3A_984 = arith.cmpi slt, %get3A_978, %lt3A_983 : vector<16xi32>
      %and3A_985 = arith.andi %ge3A_980, %lt3A_984 : vector<16xi1>
      %add3A_986 = arith.constant 3 : i32
      %add3A_987 = arith.addi %add3A_894, %add3A_986 : i32
      %and3A_988 = arith.constant 7 : i32
      %and3A_989 = arith.andi %add3A_987, %and3A_988 : i32
      %mul3A_990 = arith.constant 16 : i32
      %mul3A_991 = arith.muli %and3A_989, %mul3A_990 : i32
      %add3A_992 = arith.constant 5120 : i32
      %add3A_993 = arith.addi %add3A_992, %mul3A_991 : i32
      %add3A_994 = vector.broadcast %add3A_993 : i32 to vector<16xi32>
      %add3A_995 = arith.addi %add3A_994, %iota3A : vector<16xi32>
      %sub3A_996 = vector.broadcast %mul3A_0 : i32 to vector<16xi32>
      %sub3A_997 = arith.subi %get3A_978, %sub3A_996 : vector<16xi32>
      %select_n3A_998 = arith.select %and3A_985, %sub3A_997, %add3A_995 : vector<16xi1>, vector<16xi32>
      %swap3A_999 = arith.constant 48 : index
      %swap3A_1000 = tpu.vector_load %arg19[%swap3A_999] {strides = array<i32>} : memref<128xi32, #tpu.memory_space<vmem>>, vector<16xi32>,
      %swap3A_1001 = vector.shape_cast %swap3A_1000 : vector<16xi32> to vector<16xi32>
      %swap3A_1002 = vector.shape_cast %select_n3A_998 : vector<16xi32> to vector<16xi32>
      tpu.vector_store %arg19[%swap3A_999], %swap3A_1002 {strides = array<i32>} : memref<128xi32, #tpu.memory_space<vmem>>, vector<16xi32>,
      %get3A_1003 = arith.constant 64 : index
      %get3A_1004 = tpu.vector_load %arg15[%get3A_1003] {strides = array<i32>} : memref<128xi32, #tpu.memory_space<vmem>>, vector<16xi32>,
      %get3A_1005 = vector.shape_cast %get3A_1004 : vector<16xi32> to vector<16xi32>
      %ge3A_1006 = vector.broadcast %mul3A_0 : i32 to vector<16xi32>
      %ge3A_1007 = arith.cmpi sge, %get3A_1005, %ge3A_1006 : vector<16xi32>
      %add3A_1008 = arith.constant 5000 : i32
      %add3A_1009 = arith.addi %mul3A_0, %add3A_1008 : i32
      %lt3A_1010 = vector.broadcast %add3A_1009 : i32 to vector<16xi32>
      %lt3A_1011 = arith.cmpi slt, %get3A_1005, %lt3A_1010 : vector<16xi32>
      %and3A_1012 = arith.andi %ge3A_1007, %lt3A_1011 : vector<16xi1>
      %add3A_1013 = arith.constant 4 : i32
      %add3A_1014 = arith.addi %add3A_894, %add3A_1013 : i32
      %and3A_1015 = arith.constant 7 : i32
      %and3A_1016 = arith.andi %add3A_1014, %and3A_1015 : i32
      %mul3A_1017 = arith.constant 16 : i32
      %mul3A_1018 = arith.muli %and3A_1016, %mul3A_1017 : i32
      %add3A_1019 = arith.constant 5120 : i32
      %add3A_1020 = arith.addi %add3A_1019, %mul3A_1018 : i32
      %add3A_1021 = vector.broadcast %add3A_1020 : i32 to vector<16xi32>
      %add3A_1022 = arith.addi %add3A_1021, %iota3A : vector<16xi32>
      %sub3A_1023 = vector.broadcast %mul3A_0 : i32 to vector<16xi32>
      %sub3A_1024 = arith.subi %get3A_1005, %sub3A_1023 : vector<16xi32>
      %select_n3A_1025 = arith.select %and3A_1012, %sub3A_1024, %add3A_1022 : vector<16xi1>, vector<16xi32>
      %swap3A_1026 = arith.constant 64 : index
      %swap3A_1027 = tpu.vector_load %arg19[%swap3A_1026] {strides = array<i32>} : memref<128xi32, #tpu.memory_space<vmem>>, vector<16xi32>,
      %swap3A_1028 = vector.shape_cast %swap3A_1027 : vector<16xi32> to vector<16xi32>
      %swap3A_1029 = vector.shape_cast %select_n3A_1025 : vector<16xi32> to vector<16xi32>
      tpu.vector_store %arg19[%swap3A_1026], %swap3A_1029 {strides = array<i32>} : memref<128xi32, #tpu.memory_space<vmem>>, vector<16xi32>,
      %get3A_1030 = arith.constant 80 : index
      %get3A_1031 = tpu.vector_load %arg15[%get3A_1030] {strides = array<i32>} : memref<128xi32, #tpu.memory_space<vmem>>, vector<16xi32>,
      %get3A_1032 = vector.shape_cast %get3A_1031 : vector<16xi32> to vector<16xi32>
      %ge3A_1033 = vector.broadcast %mul3A_0 : i32 to vector<16xi32>
      %ge3A_1034 = arith.cmpi sge, %get3A_1032, %ge3A_1033 : vector<16xi32>
      %add3A_1035 = arith.constant 5000 : i32
      %add3A_1036 = arith.addi %mul3A_0, %add3A_1035 : i32
      %lt3A_1037 = vector.broadcast %add3A_1036 : i32 to vector<16xi32>
      %lt3A_1038 = arith.cmpi slt, %get3A_1032, %lt3A_1037 : vector<16xi32>
      %and3A_1039 = arith.andi %ge3A_1034, %lt3A_1038 : vector<16xi1>
      %add3A_1040 = arith.constant 5 : i32
      %add3A_1041 = arith.addi %add3A_894, %add3A_1040 : i32
      %and3A_1042 = arith.constant 7 : i32
      %and3A_1043 = arith.andi %add3A_1041, %and3A_1042 : i32
      %mul3A_1044 = arith.constant 16 : i32
      %mul3A_1045 = arith.muli %and3A_1043, %mul3A_1044 : i32
      %add3A_1046 = arith.constant 5120 : i32
      %add3A_1047 = arith.addi %add3A_1046, %mul3A_1045 : i32
      %add3A_1048 = vector.broadcast %add3A_1047 : i32 to vector<16xi32>
      %add3A_1049 = arith.addi %add3A_1048, %iota3A : vector<16xi32>
      %sub3A_1050 = vector.broadcast %mul3A_0 : i32 to vector<16xi32>
      %sub3A_1051 = arith.subi %get3A_1032, %sub3A_1050 : vector<16xi32>
      %select_n3A_1052 = arith.select %and3A_1039, %sub3A_1051, %add3A_1049 : vector<16xi1>, vector<16xi32>
      %swap3A_1053 = arith.constant 80 : index
      %swap3A_1054 = tpu.vector_load %arg19[%swap3A_1053] {strides = array<i32>} : memref<128xi32, #tpu.memory_space<vmem>>, vector<16xi32>,
      %swap3A_1055 = vector.shape_cast %swap3A_1054 : vector<16xi32> to vector<16xi32>
      %swap3A_1056 = vector.shape_cast %select_n3A_1052 : vector<16xi32> to vector<16xi32>
      tpu.vector_store %arg19[%swap3A_1053], %swap3A_1056 {strides = array<i32>} : memref<128xi32, #tpu.memory_space<vmem>>, vector<16xi32>,
      %get3A_1057 = arith.constant 96 : index
      %get3A_1058 = tpu.vector_load %arg15[%get3A_1057] {strides = array<i32>} : memref<128xi32, #tpu.memory_space<vmem>>, vector<16xi32>,
      %get3A_1059 = vector.shape_cast %get3A_1058 : vector<16xi32> to vector<16xi32>
      %ge3A_1060 = vector.broadcast %mul3A_0 : i32 to vector<16xi32>
      %ge3A_1061 = arith.cmpi sge, %get3A_1059, %ge3A_1060 : vector<16xi32>
      %add3A_1062 = arith.constant 5000 : i32
      %add3A_1063 = arith.addi %mul3A_0, %add3A_1062 : i32
      %lt3A_1064 = vector.broadcast %add3A_1063 : i32 to vector<16xi32>
      %lt3A_1065 = arith.cmpi slt, %get3A_1059, %lt3A_1064 : vector<16xi32>
      %and3A_1066 = arith.andi %ge3A_1061, %lt3A_1065 : vector<16xi1>
      %add3A_1067 = arith.constant 6 : i32
      %add3A_1068 = arith.addi %add3A_894, %add3A_1067 : i32
      %and3A_1069 = arith.constant 7 : i32
      %and3A_1070 = arith.andi %add3A_1068, %and3A_1069 : i32
      %mul3A_1071 = arith.constant 16 : i32
      %mul3A_1072 = arith.muli %and3A_1070, %mul3A_1071 : i32
      %add3A_1073 = arith.constant 5120 : i32
      %add3A_1074 = arith.addi %add3A_1073, %mul3A_1072 : i32
      %add3A_1075 = vector.broadcast %add3A_1074 : i32 to vector<16xi32>
      %add3A_1076 = arith.addi %add3A_1075, %iota3A : vector<16xi32>
      %sub3A_1077 = vector.broadcast %mul3A_0 : i32 to vector<16xi32>
      %sub3A_1078 = arith.subi %get3A_1059, %sub3A_1077 : vector<16xi32>
      %select_n3A_1079 = arith.select %and3A_1066, %sub3A_1078, %add3A_1076 : vector<16xi1>, vector<16xi32>
      %swap3A_1080 = arith.constant 96 : index
      %swap3A_1081 = tpu.vector_load %arg19[%swap3A_1080] {strides = array<i32>} : memref<128xi32, #tpu.memory_space<vmem>>, vector<16xi32>,
      %swap3A_1082 = vector.shape_cast %swap3A_1081 : vector<16xi32> to vector<16xi32>
      %swap3A_1083 = vector.shape_cast %select_n3A_1079 : vector<16xi32> to vector<16xi32>
      tpu.vector_store %arg19[%swap3A_1080], %swap3A_1083 {strides = array<i32>} : memref<128xi32, #tpu.memory_space<vmem>>, vector<16xi32>,
      %get3A_1084 = arith.constant 112 : index
      %get3A_1085 = tpu.vector_load %arg15[%get3A_1084] {strides = array<i32>} : memref<128xi32, #tpu.memory_space<vmem>>, vector<16xi32>,
      %get3A_1086 = vector.shape_cast %get3A_1085 : vector<16xi32> to vector<16xi32>
      %ge3A_1087 = vector.broadcast %mul3A_0 : i32 to vector<16xi32>
      %ge3A_1088 = arith.cmpi sge, %get3A_1086, %ge3A_1087 : vector<16xi32>
      %add3A_1089 = arith.constant 5000 : i32
      %add3A_1090 = arith.addi %mul3A_0, %add3A_1089 : i32
      %lt3A_1091 = vector.broadcast %add3A_1090 : i32 to vector<16xi32>
      %lt3A_1092 = arith.cmpi slt, %get3A_1086, %lt3A_1091 : vector<16xi32>
      %and3A_1093 = arith.andi %ge3A_1088, %lt3A_1092 : vector<16xi1>
      %add3A_1094 = arith.constant 7 : i32
      %add3A_1095 = arith.addi %add3A_894, %add3A_1094 : i32
      %and3A_1096 = arith.constant 7 : i32
      %and3A_1097 = arith.andi %add3A_1095, %and3A_1096 : i32
      %mul3A_1098 = arith.constant 16 : i32
      %mul3A_1099 = arith.muli %and3A_1097, %mul3A_1098 : i32
      %add3A_1100 = arith.constant 5120 : i32
      %add3A_1101 = arith.addi %add3A_1100, %mul3A_1099 : i32
      %add3A_1102 = vector.broadcast %add3A_1101 : i32 to vector<16xi32>
      %add3A_1103 = arith.addi %add3A_1102, %iota3A : vector<16xi32>
      %sub3A_1104 = vector.broadcast %mul3A_0 : i32 to vector<16xi32>
      %sub3A_1105 = arith.subi %get3A_1086, %sub3A_1104 : vector<16xi32>
      %select_n3A_1106 = arith.select %and3A_1093, %sub3A_1105, %add3A_1103 : vector<16xi1>, vector<16xi32>
      %swap3A_1107 = arith.constant 112 : index
      %swap3A_1108 = tpu.vector_load %arg19[%swap3A_1107] {strides = array<i32>} : memref<128xi32, #tpu.memory_space<vmem>>, vector<16xi32>,
      %swap3A_1109 = vector.shape_cast %swap3A_1108 : vector<16xi32> to vector<16xi32>
      %swap3A_1110 = vector.shape_cast %select_n3A_1106 : vector<16xi32> to vector<16xi32>
      tpu.vector_store %arg19[%swap3A_1107], %swap3A_1110 {strides = array<i32>} : memref<128xi32, #tpu.memory_space<vmem>>, vector<16xi32>,
      %dma_start3A_1111 = arith.constant 0 : i32
      %dma_start3A_1112 = arith.constant 0 : i32
      %dma_start3A_1113 = tpu.memref_slice %arg26[%dma_start3A_1111, %dma_start3A_1112] : memref<2048x64xf32, #tpu.memory_space<vmem_shared>> -> memref<2048x64xf32, #tpu.memory_space<vmem_shared>>
      tpu.enqueue_indirect_dma source(%dma_start3A_1113 : memref<2048x64xf32, #tpu.memory_space<vmem_shared>>) target(%arg23 : memref<128x64xf32, #tpu.memory_space<vmem>>) offsets(%arg11 : memref<128xi32, #tpu.memory_space<vmem>>) semaphore(%arg38 : memref<!tpu.dma_semaphore, #tpu.memory_space<semaphore_mem>>)
      %dma_wait3A_1114 = arith.constant 0 : i32
      %dma_wait3A_1115 = arith.constant 0 : i32
      %dma_wait3A_1116 = tpu.memref_slice %arg26[%dma_wait3A_1114, %dma_wait3A_1115] : memref<2048x64xf32, #tpu.memory_space<vmem_shared>> -> memref<2048x64xf32, #tpu.memory_space<vmem_shared>>
      tpu.wait_indirect_dma semaphore(%arg35 : memref<!tpu.dma_semaphore, #tpu.memory_space<semaphore_mem>>) src(%dma_wait3A_1116 : memref<2048x64xf32, #tpu.memory_space<vmem_shared>>) dst(%arg20 : memref<128x64xf32, #tpu.memory_space<vmem>>)
      %dma_start3A_1117 = arith.constant 0 : i32
      %dma_start3A_1118 = arith.constant 0 : i32
      %dma_start3A_1119 = tpu.memref_slice %arg25[%dma_start3A_1117, %dma_start3A_1118] : memref<5248x64xf32, #tpu.memory_space<vmem_shared>> -> memref<5248x64xf32, #tpu.memory_space<vmem_shared>>
      tpu.enqueue_indirect_dma source(%arg20 : memref<128x64xf32, #tpu.memory_space<vmem>>) target(%dma_start3A_1119 : memref<5248x64xf32, #tpu.memory_space<vmem_shared>>) offsets(%arg16 : memref<128xi32, #tpu.memory_space<vmem>>) semaphore(%arg39 : memref<!tpu.dma_semaphore, #tpu.memory_space<semaphore_mem>>) {add = true}
      %dma_wait3A_1120 = arith.constant 0 : i32
      %dma_wait3A_1121 = arith.constant 0 : i32
      %dma_wait3A_1122 = tpu.memref_slice %arg26[%dma_wait3A_1120, %dma_wait3A_1121] : memref<2048x64xf32, #tpu.memory_space<vmem_shared>> -> memref<2048x64xf32, #tpu.memory_space<vmem_shared>>
      tpu.wait_indirect_dma semaphore(%arg36 : memref<!tpu.dma_semaphore, #tpu.memory_space<semaphore_mem>>) src(%dma_wait3A_1122 : memref<2048x64xf32, #tpu.memory_space<vmem_shared>>) dst(%arg21 : memref<128x64xf32, #tpu.memory_space<vmem>>)
      %dma_start3A_1123 = arith.constant 0 : i32
      %dma_start3A_1124 = arith.constant 0 : i32
      %dma_start3A_1125 = tpu.memref_slice %arg25[%dma_start3A_1123, %dma_start3A_1124] : memref<5248x64xf32, #tpu.memory_space<vmem_shared>> -> memref<5248x64xf32, #tpu.memory_space<vmem_shared>>
      tpu.enqueue_indirect_dma source(%arg21 : memref<128x64xf32, #tpu.memory_space<vmem>>) target(%dma_start3A_1125 : memref<5248x64xf32, #tpu.memory_space<vmem_shared>>) offsets(%arg17 : memref<128xi32, #tpu.memory_space<vmem>>) semaphore(%arg40 : memref<!tpu.dma_semaphore, #tpu.memory_space<semaphore_mem>>) {add = true}
      %dma_wait3A_1126 = arith.constant 0 : i32
      %dma_wait3A_1127 = arith.constant 0 : i32
      %dma_wait3A_1128 = tpu.memref_slice %arg26[%dma_wait3A_1126, %dma_wait3A_1127] : memref<2048x64xf32, #tpu.memory_space<vmem_shared>> -> memref<2048x64xf32, #tpu.memory_space<vmem_shared>>
      tpu.wait_indirect_dma semaphore(%arg37 : memref<!tpu.dma_semaphore, #tpu.memory_space<semaphore_mem>>) src(%dma_wait3A_1128 : memref<2048x64xf32, #tpu.memory_space<vmem_shared>>) dst(%arg22 : memref<128x64xf32, #tpu.memory_space<vmem>>)
      %dma_start3A_1129 = arith.constant 0 : i32
      %dma_start3A_1130 = arith.constant 0 : i32
      %dma_start3A_1131 = tpu.memref_slice %arg25[%dma_start3A_1129, %dma_start3A_1130] : memref<5248x64xf32, #tpu.memory_space<vmem_shared>> -> memref<5248x64xf32, #tpu.memory_space<vmem_shared>>
      tpu.enqueue_indirect_dma source(%arg22 : memref<128x64xf32, #tpu.memory_space<vmem>>) target(%dma_start3A_1131 : memref<5248x64xf32, #tpu.memory_space<vmem_shared>>) offsets(%arg18 : memref<128xi32, #tpu.memory_space<vmem>>) semaphore(%arg41 : memref<!tpu.dma_semaphore, #tpu.memory_space<semaphore_mem>>) {add = true}
      %dma_wait3A_1132 = arith.constant 0 : i32
      %dma_wait3A_1133 = arith.constant 0 : i32
      %dma_wait3A_1134 = tpu.memref_slice %arg26[%dma_wait3A_1132, %dma_wait3A_1133] : memref<2048x64xf32, #tpu.memory_space<vmem_shared>> -> memref<2048x64xf32, #tpu.memory_space<vmem_shared>>
      tpu.wait_indirect_dma semaphore(%arg38 : memref<!tpu.dma_semaphore, #tpu.memory_space<semaphore_mem>>) src(%dma_wait3A_1134 : memref<2048x64xf32, #tpu.memory_space<vmem_shared>>) dst(%arg23 : memref<128x64xf32, #tpu.memory_space<vmem>>)
      %dma_start3A_1135 = arith.constant 0 : i32
      %dma_start3A_1136 = arith.constant 0 : i32
      %dma_start3A_1137 = tpu.memref_slice %arg25[%dma_start3A_1135, %dma_start3A_1136] : memref<5248x64xf32, #tpu.memory_space<vmem_shared>> -> memref<5248x64xf32, #tpu.memory_space<vmem_shared>>
      tpu.enqueue_indirect_dma source(%arg23 : memref<128x64xf32, #tpu.memory_space<vmem>>) target(%dma_start3A_1137 : memref<5248x64xf32, #tpu.memory_space<vmem_shared>>) offsets(%arg19 : memref<128xi32, #tpu.memory_space<vmem>>) semaphore(%arg42 : memref<!tpu.dma_semaphore, #tpu.memory_space<semaphore_mem>>) {add = true}
      %dma_wait3A_1138 = arith.constant 0 : i32
      %dma_wait3A_1139 = arith.constant 0 : i32
      %dma_wait3A_1140 = tpu.memref_slice %arg25[%dma_wait3A_1138, %dma_wait3A_1139] : memref<5248x64xf32, #tpu.memory_space<vmem_shared>> -> memref<5248x64xf32, #tpu.memory_space<vmem_shared>>
      tpu.wait_indirect_dma semaphore(%arg39 : memref<!tpu.dma_semaphore, #tpu.memory_space<semaphore_mem>>) src(%arg20 : memref<128x64xf32, #tpu.memory_space<vmem>>) dst(%dma_wait3A_1140 : memref<5248x64xf32, #tpu.memory_space<vmem_shared>>)
      %dma_wait3A_1141 = arith.constant 0 : i32
      %dma_wait3A_1142 = arith.constant 0 : i32
      %dma_wait3A_1143 = tpu.memref_slice %arg25[%dma_wait3A_1141, %dma_wait3A_1142] : memref<5248x64xf32, #tpu.memory_space<vmem_shared>> -> memref<5248x64xf32, #tpu.memory_space<vmem_shared>>
      tpu.wait_indirect_dma semaphore(%arg40 : memref<!tpu.dma_semaphore, #tpu.memory_space<semaphore_mem>>) src(%arg21 : memref<128x64xf32, #tpu.memory_space<vmem>>) dst(%dma_wait3A_1143 : memref<5248x64xf32, #tpu.memory_space<vmem_shared>>)
      %dma_wait3A_1144 = arith.constant 0 : i32
      %dma_wait3A_1145 = arith.constant 0 : i32
      %dma_wait3A_1146 = tpu.memref_slice %arg25[%dma_wait3A_1144, %dma_wait3A_1145] : memref<5248x64xf32, #tpu.memory_space<vmem_shared>> -> memref<5248x64xf32, #tpu.memory_space<vmem_shared>>
      tpu.wait_indirect_dma semaphore(%arg41 : memref<!tpu.dma_semaphore, #tpu.memory_space<semaphore_mem>>) src(%arg22 : memref<128x64xf32, #tpu.memory_space<vmem>>) dst(%dma_wait3A_1146 : memref<5248x64xf32, #tpu.memory_space<vmem_shared>>)
      %dma_wait3A_1147 = arith.constant 0 : i32
      %dma_wait3A_1148 = arith.constant 0 : i32
      %dma_wait3A_1149 = tpu.memref_slice %arg25[%dma_wait3A_1147, %dma_wait3A_1148] : memref<5248x64xf32, #tpu.memory_space<vmem_shared>> -> memref<5248x64xf32, #tpu.memory_space<vmem_shared>>
      tpu.wait_indirect_dma semaphore(%arg42 : memref<!tpu.dma_semaphore, #tpu.memory_space<semaphore_mem>>) src(%arg23 : memref<128x64xf32, #tpu.memory_space<vmem>>) dst(%dma_wait3A_1149 : memref<5248x64xf32, #tpu.memory_space<vmem_shared>>)
    }
    %scan3A_25 = arith.constant 39 : i32
    %add3A = arith.constant 19968 : i32
    %add3A_26 = arith.addi %mul3A_2, %add3A : i32
    "tpu.region"() ({
      %run_scoped3A = tpu.sem_alloc : memref<!tpu.dma_semaphore, #tpu.memory_space<semaphore_mem>>
      %dma_start3A_175 = tpu.memref_slice %arg4[%add3A_26] : memref<320000xi32, #tpu.memory_space<hbm>> -> memref<32xi32, #tpu.memory_space<hbm>>
      %dma_start3A_176 = tpu.memref_slice %arg4[%add3A_26] : memref<320000xi32, #tpu.memory_space<hbm>> -> memref<32xi32, #tpu.memory_space<hbm>>
      tpu.enqueue_dma source(%dma_start3A_176 : memref<32xi32, #tpu.memory_space<hbm>>) target(%arg44 : memref<32xi32, #tpu.memory_space<vmem>>) target_semaphore(%run_scoped3A : memref<!tpu.dma_semaphore, #tpu.memory_space<semaphore_mem>>)
      %dma_wait3A_177 = tpu.memref_slice %arg4[%add3A_26] : memref<320000xi32, #tpu.memory_space<hbm>> -> memref<32xi32, #tpu.memory_space<hbm>>
      %dma_wait3A_178 = tpu.memref_slice %arg4[%add3A_26] : memref<320000xi32, #tpu.memory_space<hbm>> -> memref<32xi32, #tpu.memory_space<hbm>>
      tpu.wait_dma2 semaphore(%run_scoped3A : memref<!tpu.dma_semaphore, #tpu.memory_space<semaphore_mem>>) src(%dma_wait3A_178 : memref<32xi32, #tpu.memory_space<hbm>>) dst(%arg44 : memref<32xi32, #tpu.memory_space<vmem>>)
      tpu.yield
    }) : () -> ()
    %dma_start3A = arith.constant 0 : i32
    %dma_start3A_27 = arith.constant 0 : i32
    %dma_start3A_28 = tpu.memref_slice %arg26[%dma_start3A, %dma_start3A_27] : memref<2048x64xf32, #tpu.memory_space<vmem_shared>> -> memref<2048x64xf32, #tpu.memory_space<vmem_shared>>
    tpu.enqueue_indirect_dma source(%dma_start3A_28 : memref<2048x64xf32, #tpu.memory_space<vmem_shared>>) target(%arg45 : memref<32x64xf32, #tpu.memory_space<vmem>>) offsets(%arg44 : memref<32xi32, #tpu.memory_space<vmem>>) semaphore(%arg43 : memref<!tpu.dma_semaphore, #tpu.memory_space<semaphore_mem>>)
    %dma_wait3A = arith.constant 0 : i32
    %dma_wait3A_29 = arith.constant 0 : i32
    %dma_wait3A_30 = tpu.memref_slice %arg26[%dma_wait3A, %dma_wait3A_29] : memref<2048x64xf32, #tpu.memory_space<vmem_shared>> -> memref<2048x64xf32, #tpu.memory_space<vmem_shared>>
    tpu.wait_indirect_dma semaphore(%arg43 : memref<!tpu.dma_semaphore, #tpu.memory_space<semaphore_mem>>) src(%dma_wait3A_30 : memref<2048x64xf32, #tpu.memory_space<vmem_shared>>) dst(%arg45 : memref<32x64xf32, #tpu.memory_space<vmem>>)
    "tpu.region"() ({
      %run_scoped3A = tpu.sem_alloc : memref<!tpu.dma_semaphore, #tpu.memory_space<semaphore_mem>>
      %dma_start3A_175 = tpu.memref_slice %arg5[%add3A_26] : memref<320000xi32, #tpu.memory_space<hbm>> -> memref<32xi32, #tpu.memory_space<hbm>>
      %dma_start3A_176 = tpu.memref_slice %arg5[%add3A_26] : memref<320000xi32, #tpu.memory_space<hbm>> -> memref<32xi32, #tpu.memory_space<hbm>>
      tpu.enqueue_dma source(%dma_start3A_176 : memref<32xi32, #tpu.memory_space<hbm>>) target(%arg44 : memref<32xi32, #tpu.memory_space<vmem>>) target_semaphore(%run_scoped3A : memref<!tpu.dma_semaphore, #tpu.memory_space<semaphore_mem>>)
      %dma_wait3A_177 = tpu.memref_slice %arg5[%add3A_26] : memref<320000xi32, #tpu.memory_space<hbm>> -> memref<32xi32, #tpu.memory_space<hbm>>
      %dma_wait3A_178 = tpu.memref_slice %arg5[%add3A_26] : memref<320000xi32, #tpu.memory_space<hbm>> -> memref<32xi32, #tpu.memory_space<hbm>>
      tpu.wait_dma2 semaphore(%run_scoped3A : memref<!tpu.dma_semaphore, #tpu.memory_space<semaphore_mem>>) src(%dma_wait3A_178 : memref<32xi32, #tpu.memory_space<hbm>>) dst(%arg44 : memref<32xi32, #tpu.memory_space<vmem>>)
      tpu.yield
    }) : () -> ()
    %get3A = arith.constant 0 : index
    %get3A_31 = tpu.vector_load %arg44[%get3A] {strides = array<i32>} : memref<32xi32, #tpu.memory_space<vmem>>, vector<16xi32>,
    %get3A_32 = vector.shape_cast %get3A_31 : vector<16xi32> to vector<16xi32>
    %ge3A = vector.broadcast %mul3A_0 : i32 to vector<16xi32>
    %ge3A_33 = arith.cmpi sge, %get3A_32, %ge3A : vector<16xi32>
    %add3A_34 = arith.constant 5000 : i32
    %add3A_35 = arith.addi %mul3A_0, %add3A_34 : i32
    %lt3A = vector.broadcast %add3A_35 : i32 to vector<16xi32>
    %lt3A_36 = arith.cmpi slt, %get3A_32, %lt3A : vector<16xi32>
    %and3A = arith.andi %ge3A_33, %lt3A_36 : vector<16xi1>
    %and3A_37 = arith.constant 156 : i32
    %and3A_38 = arith.constant 7 : i32
    %and3A_39 = arith.andi %and3A_37, %and3A_38 : i32
    %mul3A_40 = arith.constant 16 : i32
    %mul3A_41 = arith.muli %and3A_39, %mul3A_40 : i32
    %add3A_42 = arith.constant 5120 : i32
    %add3A_43 = arith.addi %add3A_42, %mul3A_41 : i32
    %add3A_44 = vector.broadcast %add3A_43 : i32 to vector<16xi32>
    %add3A_45 = arith.addi %add3A_44, %iota3A : vector<16xi32>
    %sub3A = vector.broadcast %mul3A_0 : i32 to vector<16xi32>
    %sub3A_46 = arith.subi %get3A_32, %sub3A : vector<16xi32>
    %select_n3A = arith.select %and3A, %sub3A_46, %add3A_45 : vector<16xi1>, vector<16xi32>
    %swap3A = arith.constant 0 : index
    %swap3A_47 = tpu.vector_load %arg44[%swap3A] {strides = array<i32>} : memref<32xi32, #tpu.memory_space<vmem>>, vector<16xi32>,
    %swap3A_48 = vector.shape_cast %swap3A_47 : vector<16xi32> to vector<16xi32>
    %swap3A_49 = vector.shape_cast %select_n3A : vector<16xi32> to vector<16xi32>
    tpu.vector_store %arg44[%swap3A], %swap3A_49 {strides = array<i32>} : memref<32xi32, #tpu.memory_space<vmem>>, vector<16xi32>,
    %get3A_50 = arith.constant 16 : index
    %get3A_51 = tpu.vector_load %arg44[%get3A_50] {strides = array<i32>} : memref<32xi32, #tpu.memory_space<vmem>>, vector<16xi32>,
    %get3A_52 = vector.shape_cast %get3A_51 : vector<16xi32> to vector<16xi32>
    %ge3A_53 = vector.broadcast %mul3A_0 : i32 to vector<16xi32>
    %ge3A_54 = arith.cmpi sge, %get3A_52, %ge3A_53 : vector<16xi32>
    %add3A_55 = arith.constant 5000 : i32
    %add3A_56 = arith.addi %mul3A_0, %add3A_55 : i32
    %lt3A_57 = vector.broadcast %add3A_56 : i32 to vector<16xi32>
    %lt3A_58 = arith.cmpi slt, %get3A_52, %lt3A_57 : vector<16xi32>
    %and3A_59 = arith.andi %ge3A_54, %lt3A_58 : vector<16xi1>
    %and3A_60 = arith.constant 157 : i32
    %and3A_61 = arith.constant 7 : i32
    %and3A_62 = arith.andi %and3A_60, %and3A_61 : i32
    %mul3A_63 = arith.constant 16 : i32
    %mul3A_64 = arith.muli %and3A_62, %mul3A_63 : i32
    %add3A_65 = arith.constant 5120 : i32
    %add3A_66 = arith.addi %add3A_65, %mul3A_64 : i32
    %add3A_67 = vector.broadcast %add3A_66 : i32 to vector<16xi32>
    %add3A_68 = arith.addi %add3A_67, %iota3A : vector<16xi32>
    %sub3A_69 = vector.broadcast %mul3A_0 : i32 to vector<16xi32>
    %sub3A_70 = arith.subi %get3A_52, %sub3A_69 : vector<16xi32>
    %select_n3A_71 = arith.select %and3A_59, %sub3A_70, %add3A_68 : vector<16xi1>, vector<16xi32>
    %swap3A_72 = arith.constant 16 : index
    %swap3A_73 = tpu.vector_load %arg44[%swap3A_72] {strides = array<i32>} : memref<32xi32, #tpu.memory_space<vmem>>, vector<16xi32>,
    %swap3A_74 = vector.shape_cast %swap3A_73 : vector<16xi32> to vector<16xi32>
    %swap3A_75 = vector.shape_cast %select_n3A_71 : vector<16xi32> to vector<16xi32>
    tpu.vector_store %arg44[%swap3A_72], %swap3A_75 {strides = array<i32>} : memref<32xi32, #tpu.memory_space<vmem>>, vector<16xi32>,
    "tpu.region"() ({
      %run_scoped3A = tpu.sem_alloc : memref<!tpu.dma_semaphore, #tpu.memory_space<semaphore_mem>>
      %dma_start3A_175 = arith.constant 0 : i32
      %dma_start3A_176 = arith.constant 0 : i32
      %dma_start3A_177 = tpu.memref_slice %arg25[%dma_start3A_175, %dma_start3A_176] : memref<5248x64xf32, #tpu.memory_space<vmem_shared>> -> memref<5248x64xf32, #tpu.memory_space<vmem_shared>>
      tpu.enqueue_indirect_dma source(%arg45 : memref<32x64xf32, #tpu.memory_space<vmem>>) target(%dma_start3A_177 : memref<5248x64xf32, #tpu.memory_space<vmem_shared>>) offsets(%arg44 : memref<32xi32, #tpu.memory_space<vmem>>) semaphore(%run_scoped3A : memref<!tpu.dma_semaphore, #tpu.memory_space<semaphore_mem>>) {add = true}
      %dma_wait3A_178 = arith.constant 0 : i32
      %dma_wait3A_179 = arith.constant 0 : i32
      %dma_wait3A_180 = tpu.memref_slice %arg25[%dma_wait3A_178, %dma_wait3A_179] : memref<5248x64xf32, #tpu.memory_space<vmem_shared>> -> memref<5248x64xf32, #tpu.memory_space<vmem_shared>>
      tpu.wait_indirect_dma semaphore(%run_scoped3A : memref<!tpu.dma_semaphore, #tpu.memory_space<semaphore_mem>>) src(%arg45 : memref<32x64xf32, #tpu.memory_space<vmem>>) dst(%dma_wait3A_180 : memref<5248x64xf32, #tpu.memory_space<vmem_shared>>)
      tpu.yield
    }) : () -> ()
    %barrier3A_76 = arith.constant 0 : index
    tpu.barrier barrier_id(%barrier3A_76)
    %mul3A_77 = arith.constant 320 : i32
    %mul3A_78 = arith.muli %arg1, %mul3A_77 : i32
    %mul3A_79 = arith.constant 5120 : i32
    %mul3A_80 = arith.muli %arg0, %mul3A_79 : i32
    %mul3A_81 = arith.constant 320 : i32
    %mul3A_82 = arith.muli %arg1, %mul3A_81 : i32
    %add3A_83 = arith.addi %mul3A_80, %mul3A_82 : i32
    "tpu.region"() ({
      %run_scoped3A = tpu.sem_alloc : memref<!tpu.dma_semaphore, #tpu.memory_space<semaphore_mem>>
      %dma_start3A_175 = arith.constant 0 : i32
      %dma_start3A_176 = tpu.memref_slice %arg6[%add3A_83, %dma_start3A_175] : memref<10240x64xf32, #tpu.memory_space<hbm>> -> memref<320x64xf32, #tpu.memory_space<hbm>>
      %dma_start3A_177 = arith.constant 0 : i32
      %dma_start3A_178 = tpu.memref_slice %arg25[%mul3A_78, %dma_start3A_177] : memref<5248x64xf32, #tpu.memory_space<vmem_shared>> -> memref<320x64xf32, #tpu.memory_space<vmem_shared>>
      tpu.enqueue_dma source(%dma_start3A_178 : memref<320x64xf32, #tpu.memory_space<vmem_shared>>) target(%dma_start3A_176 : memref<320x64xf32, #tpu.memory_space<hbm>>) target_semaphore(%run_scoped3A : memref<!tpu.dma_semaphore, #tpu.memory_space<semaphore_mem>>)
      %dma_wait3A_179 = arith.constant 0 : i32
      %dma_wait3A_180 = tpu.memref_slice %arg6[%add3A_83, %dma_wait3A_179] : memref<10240x64xf32, #tpu.memory_space<hbm>> -> memref<320x64xf32, #tpu.memory_space<hbm>>
      %dma_wait3A_181 = arith.constant 0 : i32
      %dma_wait3A_182 = tpu.memref_slice %arg25[%mul3A_78, %dma_wait3A_181] : memref<5248x64xf32, #tpu.memory_space<vmem_shared>> -> memref<320x64xf32, #tpu.memory_space<vmem_shared>>
      tpu.wait_dma2 semaphore(%run_scoped3A : memref<!tpu.dma_semaphore, #tpu.memory_space<semaphore_mem>>) src(%dma_wait3A_182 : memref<320x64xf32, #tpu.memory_space<vmem_shared>>) dst(%dma_wait3A_180 : memref<320x64xf32, #tpu.memory_space<hbm>>)
      tpu.yield
    }) : () -> ()
    %barrier3A_84 = arith.constant 0 : index
    tpu.barrier barrier_id(%barrier3A_84)
    %mul3A_85 = arith.constant 320 : i32
    %mul3A_86 = arith.muli %arg1, %mul3A_85 : i32
    %add3A_87 = arith.addi %mul3A_0, %mul3A_86 : i32
    %mul3A_88 = arith.constant 320 : i32
    %mul3A_89 = arith.muli %arg1, %mul3A_88 : i32
    "tpu.region"() ({
      %run_scoped3A = tpu.sem_alloc : memref<!tpu.dma_semaphore, #tpu.memory_space<semaphore_mem>>
      %dma_start3A_175 = arith.constant 0 : i32
      %dma_start3A_176 = tpu.memref_slice %arg25[%mul3A_89, %dma_start3A_175] : memref<5248x64xf32, #tpu.memory_space<vmem_shared>> -> memref<320x64xf32, #tpu.memory_space<vmem_shared>>
      %dma_start3A_177 = arith.constant 0 : i32
      %dma_start3A_178 = tpu.memref_slice %arg2[%add3A_87, %dma_start3A_177] : memref<10120x64xf32, #tpu.memory_space<hbm>> -> memref<320x64xf32, #tpu.memory_space<hbm>>
      tpu.enqueue_dma source(%dma_start3A_178 : memref<320x64xf32, #tpu.memory_space<hbm>>) target(%dma_start3A_176 : memref<320x64xf32, #tpu.memory_space<vmem_shared>>) target_semaphore(%run_scoped3A : memref<!tpu.dma_semaphore, #tpu.memory_space<semaphore_mem>>)
      %dma_wait3A_179 = arith.constant 0 : i32
      %dma_wait3A_180 = tpu.memref_slice %arg25[%mul3A_89, %dma_wait3A_179] : memref<5248x64xf32, #tpu.memory_space<vmem_shared>> -> memref<320x64xf32, #tpu.memory_space<vmem_shared>>
      %dma_wait3A_181 = arith.constant 0 : i32
      %dma_wait3A_182 = tpu.memref_slice %arg2[%add3A_87, %dma_wait3A_181] : memref<10120x64xf32, #tpu.memory_space<hbm>> -> memref<320x64xf32, #tpu.memory_space<hbm>>
      tpu.wait_dma2 semaphore(%run_scoped3A : memref<!tpu.dma_semaphore, #tpu.memory_space<semaphore_mem>>) src(%dma_wait3A_182 : memref<320x64xf32, #tpu.memory_space<hbm>>) dst(%dma_wait3A_180 : memref<320x64xf32, #tpu.memory_space<vmem_shared>>)
      tpu.yield
    }) : () -> ()
    %eq3A = arith.constant 0 : i32
    %eq3A_90 = arith.cmpi eq, %arg1, %eq3A : i32
    %convert_element_type3A = arith.extui %eq3A_90 : i1 to i32
    %cond3A = arith.constant 0 : i32
    %cond3A_91 = arith.cmpi ne, %convert_element_type3A, %cond3A : i32
    scf.if %cond3A_91 {
      %scan3A_175 = arith.constant 0 : i32
      %scan3A_176 = arith.constant 0 : i32
      %scan3A_177 = arith.constant 16 : i32
      %scan3A_178 = arith.addi %scan3A_176, %scan3A_177 : i32
      %scan3A_179 = arith.constant 1 : i32
      scf.for %scan3A_181 = %scan3A_176 to %scan3A_178 step %scan3A_179  : i32 {
        %mul3A_182 = arith.constant 8 : i32
        %mul3A_183 = arith.muli %scan3A_181, %mul3A_182 : i32
        %add3A_184 = arith.constant 5120 : i32
        %add3A_185 = arith.addi %add3A_184, %mul3A_183 : i32
        "tpu.region"() ({
          %run_scoped3A = tpu.sem_alloc : memref<!tpu.dma_semaphore, #tpu.memory_space<semaphore_mem>>
          %dma_start3A_186 = arith.constant 0 : i32
          %dma_start3A_187 = tpu.memref_slice %arg25[%add3A_185, %dma_start3A_186] : memref<5248x64xf32, #tpu.memory_space<vmem_shared>> -> memref<8x64xf32, #tpu.memory_space<vmem_shared>>
          %dma_start3A_188 = arith.constant 0 : i32
          %dma_start3A_189 = tpu.memref_slice %arg25[%add3A_185, %dma_start3A_188] : memref<5248x64xf32, #tpu.memory_space<vmem_shared>> -> memref<8x64xf32, #tpu.memory_space<vmem_shared>>
          tpu.enqueue_dma source(%arg24 : memref<8x64xf32, #tpu.memory_space<vmem>>) target(%dma_start3A_189 : memref<8x64xf32, #tpu.memory_space<vmem_shared>>) target_semaphore(%run_scoped3A : memref<!tpu.dma_semaphore, #tpu.memory_space<semaphore_mem>>)
          %dma_wait3A_190 = arith.constant 0 : i32
          %dma_wait3A_191 = tpu.memref_slice %arg25[%add3A_185, %dma_wait3A_190] : memref<5248x64xf32, #tpu.memory_space<vmem_shared>> -> memref<8x64xf32, #tpu.memory_space<vmem_shared>>
          %dma_wait3A_192 = arith.constant 0 : i32
          %dma_wait3A_193 = tpu.memref_slice %arg25[%add3A_185, %dma_wait3A_192] : memref<5248x64xf32, #tpu.memory_space<vmem_shared>> -> memref<8x64xf32, #tpu.memory_space<vmem_shared>>
          tpu.wait_dma2 semaphore(%run_scoped3A : memref<!tpu.dma_semaphore, #tpu.memory_space<semaphore_mem>>) src(%arg24 : memref<8x64xf32, #tpu.memory_space<vmem>>) dst(%dma_wait3A_193 : memref<8x64xf32, #tpu.memory_space<vmem_shared>>)
          tpu.yield
        }) : () -> ()
      }
      %scan3A_180 = arith.constant 16 : i32
    } else {
    }
    %mul3A_92 = arith.constant 128 : i32
    %mul3A_93 = arith.muli %arg1, %mul3A_92 : i32
    %scan3A_94 = arith.constant 0 : i32
    %scan3A_95 = arith.constant 0 : i32
    %scan3A_96 = arith.constant 16 : i32
    %scan3A_97 = arith.addi %scan3A_95, %scan3A_96 : i32
    %scan3A_98 = arith.constant 1 : i32
    scf.for %scan3A_175 = %scan3A_95 to %scan3A_97 step %scan3A_98  : i32 {
      %mul3A_176 = arith.constant 8 : i32
      %mul3A_177 = arith.muli %scan3A_175, %mul3A_176 : i32
      %add3A_178 = arith.addi %mul3A_93, %mul3A_177 : i32
      "tpu.region"() ({
        %run_scoped3A = tpu.sem_alloc : memref<!tpu.dma_semaphore, #tpu.memory_space<semaphore_mem>>
        %dma_start3A_179 = arith.constant 0 : i32
        %dma_start3A_180 = tpu.memref_slice %arg26[%add3A_178, %dma_start3A_179] : memref<2048x64xf32, #tpu.memory_space<vmem_shared>> -> memref<8x64xf32, #tpu.memory_space<vmem_shared>>
        %dma_start3A_181 = arith.constant 0 : i32
        %dma_start3A_182 = tpu.memref_slice %arg26[%add3A_178, %dma_start3A_181] : memref<2048x64xf32, #tpu.memory_space<vmem_shared>> -> memref<8x64xf32, #tpu.memory_space<vmem_shared>>
        tpu.enqueue_dma source(%arg24 : memref<8x64xf32, #tpu.memory_space<vmem>>) target(%dma_start3A_182 : memref<8x64xf32, #tpu.memory_space<vmem_shared>>) target_semaphore(%run_scoped3A : memref<!tpu.dma_semaphore, #tpu.memory_space<semaphore_mem>>)
        %dma_wait3A_183 = arith.constant 0 : i32
        %dma_wait3A_184 = tpu.memref_slice %arg26[%add3A_178, %dma_wait3A_183] : memref<2048x64xf32, #tpu.memory_space<vmem_shared>> -> memref<8x64xf32, #tpu.memory_space<vmem_shared>>
        %dma_wait3A_185 = arith.constant 0 : i32
        %dma_wait3A_186 = tpu.memref_slice %arg26[%add3A_178, %dma_wait3A_185] : memref<2048x64xf32, #tpu.memory_space<vmem_shared>> -> memref<8x64xf32, #tpu.memory_space<vmem_shared>>
        tpu.wait_dma2 semaphore(%run_scoped3A : memref<!tpu.dma_semaphore, #tpu.memory_space<semaphore_mem>>) src(%arg24 : memref<8x64xf32, #tpu.memory_space<vmem>>) dst(%dma_wait3A_186 : memref<8x64xf32, #tpu.memory_space<vmem_shared>>)
        tpu.yield
      }) : () -> ()
    }
    %scan3A_99 = arith.constant 16 : i32
    %barrier3A_100 = arith.constant 0 : index
    tpu.barrier barrier_id(%barrier3A_100)
    %scan3A_101 = arith.constant 0 : i32
    %scan3A_102 = arith.constant 0 : i32
    %scan3A_103 = arith.constant 39 : i32
    %scan3A_104 = arith.addi %scan3A_102, %scan3A_103 : i32
    %scan3A_105 = arith.constant 1 : i32
    scf.for %scan3A_175 = %scan3A_102 to %scan3A_104 step %scan3A_105  : i32 {
      %mul3A_176 = arith.constant 4 : i32
      %mul3A_177 = arith.muli %scan3A_175, %mul3A_176 : i32
      %add3A_178 = arith.constant 0 : i32
      %add3A_179 = arith.addi %mul3A_177, %add3A_178 : i32
      %mul3A_180 = arith.constant 128 : i32
      %mul3A_181 = arith.muli %add3A_179, %mul3A_180 : i32
      %add3A_182 = arith.addi %mul3A_2, %mul3A_181 : i32
      %dma_start3A_183 = tpu.memref_slice %arg4[%add3A_182] : memref<320000xi32, #tpu.memory_space<hbm>> -> memref<128xi32, #tpu.memory_space<hbm>>
      %dma_start3A_184 = tpu.memref_slice %arg4[%add3A_182] : memref<320000xi32, #tpu.memory_space<hbm>> -> memref<128xi32, #tpu.memory_space<hbm>>
      tpu.enqueue_dma source(%dma_start3A_184 : memref<128xi32, #tpu.memory_space<hbm>>) target(%arg8 : memref<128xi32, #tpu.memory_space<vmem>>) target_semaphore(%arg27 : memref<!tpu.dma_semaphore, #tpu.memory_space<semaphore_mem>>)
      %dma_start3A_185 = tpu.memref_slice %arg5[%add3A_182] : memref<320000xi32, #tpu.memory_space<hbm>> -> memref<128xi32, #tpu.memory_space<hbm>>
      %dma_start3A_186 = tpu.memref_slice %arg5[%add3A_182] : memref<320000xi32, #tpu.memory_space<hbm>> -> memref<128xi32, #tpu.memory_space<hbm>>
      tpu.enqueue_dma source(%dma_start3A_186 : memref<128xi32, #tpu.memory_space<hbm>>) target(%arg12 : memref<128xi32, #tpu.memory_space<vmem>>) target_semaphore(%arg31 : memref<!tpu.dma_semaphore, #tpu.memory_space<semaphore_mem>>)
      %add3A_187 = arith.constant 1 : i32
      %add3A_188 = arith.addi %mul3A_177, %add3A_187 : i32
      %mul3A_189 = arith.constant 128 : i32
      %mul3A_190 = arith.muli %add3A_188, %mul3A_189 : i32
      %add3A_191 = arith.addi %mul3A_2, %mul3A_190 : i32
      %dma_start3A_192 = tpu.memref_slice %arg4[%add3A_191] : memref<320000xi32, #tpu.memory_space<hbm>> -> memref<128xi32, #tpu.memory_space<hbm>>
      %dma_start3A_193 = tpu.memref_slice %arg4[%add3A_191] : memref<320000xi32, #tpu.memory_space<hbm>> -> memref<128xi32, #tpu.memory_space<hbm>>
      tpu.enqueue_dma source(%dma_start3A_193 : memref<128xi32, #tpu.memory_space<hbm>>) target(%arg9 : memref<128xi32, #tpu.memory_space<vmem>>) target_semaphore(%arg28 : memref<!tpu.dma_semaphore, #tpu.memory_space<semaphore_mem>>)
      %dma_start3A_194 = tpu.memref_slice %arg5[%add3A_191] : memref<320000xi32, #tpu.memory_space<hbm>> -> memref<128xi32, #tpu.memory_space<hbm>>
      %dma_start3A_195 = tpu.memref_slice %arg5[%add3A_191] : memref<320000xi32, #tpu.memory_space<hbm>> -> memref<128xi32, #tpu.memory_space<hbm>>
      tpu.enqueue_dma source(%dma_start3A_195 : memref<128xi32, #tpu.memory_space<hbm>>) target(%arg13 : memref<128xi32, #tpu.memory_space<vmem>>) target_semaphore(%arg32 : memref<!tpu.dma_semaphore, #tpu.memory_space<semaphore_mem>>)
      %add3A_196 = arith.constant 2 : i32
      %add3A_197 = arith.addi %mul3A_177, %add3A_196 : i32
      %mul3A_198 = arith.constant 128 : i32
      %mul3A_199 = arith.muli %add3A_197, %mul3A_198 : i32
      %add3A_200 = arith.addi %mul3A_2, %mul3A_199 : i32
      %dma_start3A_201 = tpu.memref_slice %arg4[%add3A_200] : memref<320000xi32, #tpu.memory_space<hbm>> -> memref<128xi32, #tpu.memory_space<hbm>>
      %dma_start3A_202 = tpu.memref_slice %arg4[%add3A_200] : memref<320000xi32, #tpu.memory_space<hbm>> -> memref<128xi32, #tpu.memory_space<hbm>>
      tpu.enqueue_dma source(%dma_start3A_202 : memref<128xi32, #tpu.memory_space<hbm>>) target(%arg10 : memref<128xi32, #tpu.memory_space<vmem>>) target_semaphore(%arg29 : memref<!tpu.dma_semaphore, #tpu.memory_space<semaphore_mem>>)
      %dma_start3A_203 = tpu.memref_slice %arg5[%add3A_200] : memref<320000xi32, #tpu.memory_space<hbm>> -> memref<128xi32, #tpu.memory_space<hbm>>
      %dma_start3A_204 = tpu.memref_slice %arg5[%add3A_200] : memref<320000xi32, #tpu.memory_space<hbm>> -> memref<128xi32, #tpu.memory_space<hbm>>
      tpu.enqueue_dma source(%dma_start3A_204 : memref<128xi32, #tpu.memory_space<hbm>>) target(%arg14 : memref<128xi32, #tpu.memory_space<vmem>>) target_semaphore(%arg33 : memref<!tpu.dma_semaphore, #tpu.memory_space<semaphore_mem>>)
      %add3A_205 = arith.constant 3 : i32
      %add3A_206 = arith.addi %mul3A_177, %add3A_205 : i32
      %mul3A_207 = arith.constant 128 : i32
      %mul3A_208 = arith.muli %add3A_206, %mul3A_207 : i32
      %add3A_209 = arith.addi %mul3A_2, %mul3A_208 : i32
      %dma_start3A_210 = tpu.memref_slice %arg4[%add3A_209] : memref<320000xi32, #tpu.memory_space<hbm>> -> memref<128xi32, #tpu.memory_space<hbm>>
      %dma_start3A_211 = tpu.memref_slice %arg4[%add3A_209] : memref<320000xi32, #tpu.memory_space<hbm>> -> memref<128xi32, #tpu.memory_space<hbm>>
      tpu.enqueue_dma source(%dma_start3A_211 : memref<128xi32, #tpu.memory_space<hbm>>) target(%arg11 : memref<128xi32, #tpu.memory_space<vmem>>) target_semaphore(%arg30 : memref<!tpu.dma_semaphore, #tpu.memory_space<semaphore_mem>>)
      %dma_start3A_212 = tpu.memref_slice %arg5[%add3A_209] : memref<320000xi32, #tpu.memory_space<hbm>> -> memref<128xi32, #tpu.memory_space<hbm>>
      %dma_start3A_213 = tpu.memref_slice %arg5[%add3A_209] : memref<320000xi32, #tpu.memory_space<hbm>> -> memref<128xi32, #tpu.memory_space<hbm>>
      tpu.enqueue_dma source(%dma_start3A_213 : memref<128xi32, #tpu.memory_space<hbm>>) target(%arg15 : memref<128xi32, #tpu.memory_space<vmem>>) target_semaphore(%arg34 : memref<!tpu.dma_semaphore, #tpu.memory_space<semaphore_mem>>)
      %dma_wait3A_214 = tpu.memref_slice %arg4[%add3A_182] : memref<320000xi32, #tpu.memory_space<hbm>> -> memref<128xi32, #tpu.memory_space<hbm>>
      %dma_wait3A_215 = tpu.memref_slice %arg4[%add3A_182] : memref<320000xi32, #tpu.memory_space<hbm>> -> memref<128xi32, #tpu.memory_space<hbm>>
      tpu.wait_dma2 semaphore(%arg27 : memref<!tpu.dma_semaphore, #tpu.memory_space<semaphore_mem>>) src(%dma_wait3A_215 : memref<128xi32, #tpu.memory_space<hbm>>) dst(%arg8 : memref<128xi32, #tpu.memory_space<vmem>>)
      %dma_wait3A_216 = tpu.memref_slice %arg5[%add3A_182] : memref<320000xi32, #tpu.memory_space<hbm>> -> memref<128xi32, #tpu.memory_space<hbm>>
      %dma_wait3A_217 = tpu.memref_slice %arg5[%add3A_182] : memref<320000xi32, #tpu.memory_space<hbm>> -> memref<128xi32, #tpu.memory_space<hbm>>
      tpu.wait_dma2 semaphore(%arg31 : memref<!tpu.dma_semaphore, #tpu.memory_space<semaphore_mem>>) src(%dma_wait3A_217 : memref<128xi32, #tpu.memory_space<hbm>>) dst(%arg12 : memref<128xi32, #tpu.memory_space<vmem>>)
      %add3A_218 = arith.constant 0 : i32
      %add3A_219 = arith.addi %mul3A_177, %add3A_218 : i32
      %get3A_220 = arith.constant 0 : index
      %get3A_221 = tpu.vector_load %arg12[%get3A_220] {strides = array<i32>} : memref<128xi32, #tpu.memory_space<vmem>>, vector<16xi32>,
      %get3A_222 = vector.shape_cast %get3A_221 : vector<16xi32> to vector<16xi32>
      %ge3A_223 = vector.broadcast %mul3A_0 : i32 to vector<16xi32>
      %ge3A_224 = arith.cmpi sge, %get3A_222, %ge3A_223 : vector<16xi32>
      %add3A_225 = arith.constant 5000 : i32
      %add3A_226 = arith.addi %mul3A_0, %add3A_225 : i32
      %lt3A_227 = vector.broadcast %add3A_226 : i32 to vector<16xi32>
      %lt3A_228 = arith.cmpi slt, %get3A_222, %lt3A_227 : vector<16xi32>
      %and3A_229 = arith.andi %ge3A_224, %lt3A_228 : vector<16xi1>
      %add3A_230 = arith.constant 0 : i32
      %add3A_231 = arith.addi %add3A_219, %add3A_230 : i32
      %and3A_232 = arith.constant 7 : i32
      %and3A_233 = arith.andi %add3A_231, %and3A_232 : i32
      %mul3A_234 = arith.constant 16 : i32
      %mul3A_235 = arith.muli %and3A_233, %mul3A_234 : i32
      %add3A_236 = arith.constant 5120 : i32
      %add3A_237 = arith.addi %add3A_236, %mul3A_235 : i32
      %add3A_238 = vector.broadcast %add3A_237 : i32 to vector<16xi32>
      %add3A_239 = arith.addi %add3A_238, %iota3A : vector<16xi32>
      %sub3A_240 = vector.broadcast %mul3A_0 : i32 to vector<16xi32>
      %sub3A_241 = arith.subi %get3A_222, %sub3A_240 : vector<16xi32>
      %select_n3A_242 = arith.select %and3A_229, %sub3A_241, %add3A_239 : vector<16xi1>, vector<16xi32>
      %swap3A_243 = arith.constant 0 : index
      %swap3A_244 = tpu.vector_load %arg16[%swap3A_243] {strides = array<i32>} : memref<128xi32, #tpu.memory_space<vmem>>, vector<16xi32>,
      %swap3A_245 = vector.shape_cast %swap3A_244 : vector<16xi32> to vector<16xi32>
      %swap3A_246 = vector.shape_cast %select_n3A_242 : vector<16xi32> to vector<16xi32>
      tpu.vector_store %arg16[%swap3A_243], %swap3A_246 {strides = array<i32>} : memref<128xi32, #tpu.memory_space<vmem>>, vector<16xi32>,
      %get3A_247 = arith.constant 16 : index
      %get3A_248 = tpu.vector_load %arg12[%get3A_247] {strides = array<i32>} : memref<128xi32, #tpu.memory_space<vmem>>, vector<16xi32>,
      %get3A_249 = vector.shape_cast %get3A_248 : vector<16xi32> to vector<16xi32>
      %ge3A_250 = vector.broadcast %mul3A_0 : i32 to vector<16xi32>
      %ge3A_251 = arith.cmpi sge, %get3A_249, %ge3A_250 : vector<16xi32>
      %add3A_252 = arith.constant 5000 : i32
      %add3A_253 = arith.addi %mul3A_0, %add3A_252 : i32
      %lt3A_254 = vector.broadcast %add3A_253 : i32 to vector<16xi32>
      %lt3A_255 = arith.cmpi slt, %get3A_249, %lt3A_254 : vector<16xi32>
      %and3A_256 = arith.andi %ge3A_251, %lt3A_255 : vector<16xi1>
      %add3A_257 = arith.constant 1 : i32
      %add3A_258 = arith.addi %add3A_219, %add3A_257 : i32
      %and3A_259 = arith.constant 7 : i32
      %and3A_260 = arith.andi %add3A_258, %and3A_259 : i32
      %mul3A_261 = arith.constant 16 : i32
      %mul3A_262 = arith.muli %and3A_260, %mul3A_261 : i32
      %add3A_263 = arith.constant 5120 : i32
      %add3A_264 = arith.addi %add3A_263, %mul3A_262 : i32
      %add3A_265 = vector.broadcast %add3A_264 : i32 to vector<16xi32>
      %add3A_266 = arith.addi %add3A_265, %iota3A : vector<16xi32>
      %sub3A_267 = vector.broadcast %mul3A_0 : i32 to vector<16xi32>
      %sub3A_268 = arith.subi %get3A_249, %sub3A_267 : vector<16xi32>
      %select_n3A_269 = arith.select %and3A_256, %sub3A_268, %add3A_266 : vector<16xi1>, vector<16xi32>
      %swap3A_270 = arith.constant 16 : index
      %swap3A_271 = tpu.vector_load %arg16[%swap3A_270] {strides = array<i32>} : memref<128xi32, #tpu.memory_space<vmem>>, vector<16xi32>,
      %swap3A_272 = vector.shape_cast %swap3A_271 : vector<16xi32> to vector<16xi32>
      %swap3A_273 = vector.shape_cast %select_n3A_269 : vector<16xi32> to vector<16xi32>
      tpu.vector_store %arg16[%swap3A_270], %swap3A_273 {strides = array<i32>} : memref<128xi32, #tpu.memory_space<vmem>>, vector<16xi32>,
      %get3A_274 = arith.constant 32 : index
      %get3A_275 = tpu.vector_load %arg12[%get3A_274] {strides = array<i32>} : memref<128xi32, #tpu.memory_space<vmem>>, vector<16xi32>,
      %get3A_276 = vector.shape_cast %get3A_275 : vector<16xi32> to vector<16xi32>
      %ge3A_277 = vector.broadcast %mul3A_0 : i32 to vector<16xi32>
      %ge3A_278 = arith.cmpi sge, %get3A_276, %ge3A_277 : vector<16xi32>
      %add3A_279 = arith.constant 5000 : i32
      %add3A_280 = arith.addi %mul3A_0, %add3A_279 : i32
      %lt3A_281 = vector.broadcast %add3A_280 : i32 to vector<16xi32>
      %lt3A_282 = arith.cmpi slt, %get3A_276, %lt3A_281 : vector<16xi32>
      %and3A_283 = arith.andi %ge3A_278, %lt3A_282 : vector<16xi1>
      %add3A_284 = arith.constant 2 : i32
      %add3A_285 = arith.addi %add3A_219, %add3A_284 : i32
      %and3A_286 = arith.constant 7 : i32
      %and3A_287 = arith.andi %add3A_285, %and3A_286 : i32
      %mul3A_288 = arith.constant 16 : i32
      %mul3A_289 = arith.muli %and3A_287, %mul3A_288 : i32
      %add3A_290 = arith.constant 5120 : i32
      %add3A_291 = arith.addi %add3A_290, %mul3A_289 : i32
      %add3A_292 = vector.broadcast %add3A_291 : i32 to vector<16xi32>
      %add3A_293 = arith.addi %add3A_292, %iota3A : vector<16xi32>
      %sub3A_294 = vector.broadcast %mul3A_0 : i32 to vector<16xi32>
      %sub3A_295 = arith.subi %get3A_276, %sub3A_294 : vector<16xi32>
      %select_n3A_296 = arith.select %and3A_283, %sub3A_295, %add3A_293 : vector<16xi1>, vector<16xi32>
      %swap3A_297 = arith.constant 32 : index
      %swap3A_298 = tpu.vector_load %arg16[%swap3A_297] {strides = array<i32>} : memref<128xi32, #tpu.memory_space<vmem>>, vector<16xi32>,
      %swap3A_299 = vector.shape_cast %swap3A_298 : vector<16xi32> to vector<16xi32>
      %swap3A_300 = vector.shape_cast %select_n3A_296 : vector<16xi32> to vector<16xi32>
      tpu.vector_store %arg16[%swap3A_297], %swap3A_300 {strides = array<i32>} : memref<128xi32, #tpu.memory_space<vmem>>, vector<16xi32>,
      %get3A_301 = arith.constant 48 : index
      %get3A_302 = tpu.vector_load %arg12[%get3A_301] {strides = array<i32>} : memref<128xi32, #tpu.memory_space<vmem>>, vector<16xi32>,
      %get3A_303 = vector.shape_cast %get3A_302 : vector<16xi32> to vector<16xi32>
      %ge3A_304 = vector.broadcast %mul3A_0 : i32 to vector<16xi32>
      %ge3A_305 = arith.cmpi sge, %get3A_303, %ge3A_304 : vector<16xi32>
      %add3A_306 = arith.constant 5000 : i32
      %add3A_307 = arith.addi %mul3A_0, %add3A_306 : i32
      %lt3A_308 = vector.broadcast %add3A_307 : i32 to vector<16xi32>
      %lt3A_309 = arith.cmpi slt, %get3A_303, %lt3A_308 : vector<16xi32>
      %and3A_310 = arith.andi %ge3A_305, %lt3A_309 : vector<16xi1>
      %add3A_311 = arith.constant 3 : i32
      %add3A_312 = arith.addi %add3A_219, %add3A_311 : i32
      %and3A_313 = arith.constant 7 : i32
      %and3A_314 = arith.andi %add3A_312, %and3A_313 : i32
      %mul3A_315 = arith.constant 16 : i32
      %mul3A_316 = arith.muli %and3A_314, %mul3A_315 : i32
      %add3A_317 = arith.constant 5120 : i32
      %add3A_318 = arith.addi %add3A_317, %mul3A_316 : i32
      %add3A_319 = vector.broadcast %add3A_318 : i32 to vector<16xi32>
      %add3A_320 = arith.addi %add3A_319, %iota3A : vector<16xi32>
      %sub3A_321 = vector.broadcast %mul3A_0 : i32 to vector<16xi32>
      %sub3A_322 = arith.subi %get3A_303, %sub3A_321 : vector<16xi32>
      %select_n3A_323 = arith.select %and3A_310, %sub3A_322, %add3A_320 : vector<16xi1>, vector<16xi32>
      %swap3A_324 = arith.constant 48 : index
      %swap3A_325 = tpu.vector_load %arg16[%swap3A_324] {strides = array<i32>} : memref<128xi32, #tpu.memory_space<vmem>>, vector<16xi32>,
      %swap3A_326 = vector.shape_cast %swap3A_325 : vector<16xi32> to vector<16xi32>
      %swap3A_327 = vector.shape_cast %select_n3A_323 : vector<16xi32> to vector<16xi32>
      tpu.vector_store %arg16[%swap3A_324], %swap3A_327 {strides = array<i32>} : memref<128xi32, #tpu.memory_space<vmem>>, vector<16xi32>,
      %get3A_328 = arith.constant 64 : index
      %get3A_329 = tpu.vector_load %arg12[%get3A_328] {strides = array<i32>} : memref<128xi32, #tpu.memory_space<vmem>>, vector<16xi32>,
      %get3A_330 = vector.shape_cast %get3A_329 : vector<16xi32> to vector<16xi32>
      %ge3A_331 = vector.broadcast %mul3A_0 : i32 to vector<16xi32>
      %ge3A_332 = arith.cmpi sge, %get3A_330, %ge3A_331 : vector<16xi32>
      %add3A_333 = arith.constant 5000 : i32
      %add3A_334 = arith.addi %mul3A_0, %add3A_333 : i32
      %lt3A_335 = vector.broadcast %add3A_334 : i32 to vector<16xi32>
      %lt3A_336 = arith.cmpi slt, %get3A_330, %lt3A_335 : vector<16xi32>
      %and3A_337 = arith.andi %ge3A_332, %lt3A_336 : vector<16xi1>
      %add3A_338 = arith.constant 4 : i32
      %add3A_339 = arith.addi %add3A_219, %add3A_338 : i32
      %and3A_340 = arith.constant 7 : i32
      %and3A_341 = arith.andi %add3A_339, %and3A_340 : i32
      %mul3A_342 = arith.constant 16 : i32
      %mul3A_343 = arith.muli %and3A_341, %mul3A_342 : i32
      %add3A_344 = arith.constant 5120 : i32
      %add3A_345 = arith.addi %add3A_344, %mul3A_343 : i32
      %add3A_346 = vector.broadcast %add3A_345 : i32 to vector<16xi32>
      %add3A_347 = arith.addi %add3A_346, %iota3A : vector<16xi32>
      %sub3A_348 = vector.broadcast %mul3A_0 : i32 to vector<16xi32>
      %sub3A_349 = arith.subi %get3A_330, %sub3A_348 : vector<16xi32>
      %select_n3A_350 = arith.select %and3A_337, %sub3A_349, %add3A_347 : vector<16xi1>, vector<16xi32>
      %swap3A_351 = arith.constant 64 : index
      %swap3A_352 = tpu.vector_load %arg16[%swap3A_351] {strides = array<i32>} : memref<128xi32, #tpu.memory_space<vmem>>, vector<16xi32>,
      %swap3A_353 = vector.shape_cast %swap3A_352 : vector<16xi32> to vector<16xi32>
      %swap3A_354 = vector.shape_cast %select_n3A_350 : vector<16xi32> to vector<16xi32>
      tpu.vector_store %arg16[%swap3A_351], %swap3A_354 {strides = array<i32>} : memref<128xi32, #tpu.memory_space<vmem>>, vector<16xi32>,
      %get3A_355 = arith.constant 80 : index
      %get3A_356 = tpu.vector_load %arg12[%get3A_355] {strides = array<i32>} : memref<128xi32, #tpu.memory_space<vmem>>, vector<16xi32>,
      %get3A_357 = vector.shape_cast %get3A_356 : vector<16xi32> to vector<16xi32>
      %ge3A_358 = vector.broadcast %mul3A_0 : i32 to vector<16xi32>
      %ge3A_359 = arith.cmpi sge, %get3A_357, %ge3A_358 : vector<16xi32>
      %add3A_360 = arith.constant 5000 : i32
      %add3A_361 = arith.addi %mul3A_0, %add3A_360 : i32
      %lt3A_362 = vector.broadcast %add3A_361 : i32 to vector<16xi32>
      %lt3A_363 = arith.cmpi slt, %get3A_357, %lt3A_362 : vector<16xi32>
      %and3A_364 = arith.andi %ge3A_359, %lt3A_363 : vector<16xi1>
      %add3A_365 = arith.constant 5 : i32
      %add3A_366 = arith.addi %add3A_219, %add3A_365 : i32
      %and3A_367 = arith.constant 7 : i32
      %and3A_368 = arith.andi %add3A_366, %and3A_367 : i32
      %mul3A_369 = arith.constant 16 : i32
      %mul3A_370 = arith.muli %and3A_368, %mul3A_369 : i32
      %add3A_371 = arith.constant 5120 : i32
      %add3A_372 = arith.addi %add3A_371, %mul3A_370 : i32
      %add3A_373 = vector.broadcast %add3A_372 : i32 to vector<16xi32>
      %add3A_374 = arith.addi %add3A_373, %iota3A : vector<16xi32>
      %sub3A_375 = vector.broadcast %mul3A_0 : i32 to vector<16xi32>
      %sub3A_376 = arith.subi %get3A_357, %sub3A_375 : vector<16xi32>
      %select_n3A_377 = arith.select %and3A_364, %sub3A_376, %add3A_374 : vector<16xi1>, vector<16xi32>
      %swap3A_378 = arith.constant 80 : index
      %swap3A_379 = tpu.vector_load %arg16[%swap3A_378] {strides = array<i32>} : memref<128xi32, #tpu.memory_space<vmem>>, vector<16xi32>,
      %swap3A_380 = vector.shape_cast %swap3A_379 : vector<16xi32> to vector<16xi32>
      %swap3A_381 = vector.shape_cast %select_n3A_377 : vector<16xi32> to vector<16xi32>
      tpu.vector_store %arg16[%swap3A_378], %swap3A_381 {strides = array<i32>} : memref<128xi32, #tpu.memory_space<vmem>>, vector<16xi32>,
      %get3A_382 = arith.constant 96 : index
      %get3A_383 = tpu.vector_load %arg12[%get3A_382] {strides = array<i32>} : memref<128xi32, #tpu.memory_space<vmem>>, vector<16xi32>,
      %get3A_384 = vector.shape_cast %get3A_383 : vector<16xi32> to vector<16xi32>
      %ge3A_385 = vector.broadcast %mul3A_0 : i32 to vector<16xi32>
      %ge3A_386 = arith.cmpi sge, %get3A_384, %ge3A_385 : vector<16xi32>
      %add3A_387 = arith.constant 5000 : i32
      %add3A_388 = arith.addi %mul3A_0, %add3A_387 : i32
      %lt3A_389 = vector.broadcast %add3A_388 : i32 to vector<16xi32>
      %lt3A_390 = arith.cmpi slt, %get3A_384, %lt3A_389 : vector<16xi32>
      %and3A_391 = arith.andi %ge3A_386, %lt3A_390 : vector<16xi1>
      %add3A_392 = arith.constant 6 : i32
      %add3A_393 = arith.addi %add3A_219, %add3A_392 : i32
      %and3A_394 = arith.constant 7 : i32
      %and3A_395 = arith.andi %add3A_393, %and3A_394 : i32
      %mul3A_396 = arith.constant 16 : i32
      %mul3A_397 = arith.muli %and3A_395, %mul3A_396 : i32
      %add3A_398 = arith.constant 5120 : i32
      %add3A_399 = arith.addi %add3A_398, %mul3A_397 : i32
      %add3A_400 = vector.broadcast %add3A_399 : i32 to vector<16xi32>
      %add3A_401 = arith.addi %add3A_400, %iota3A : vector<16xi32>
      %sub3A_402 = vector.broadcast %mul3A_0 : i32 to vector<16xi32>
      %sub3A_403 = arith.subi %get3A_384, %sub3A_402 : vector<16xi32>
      %select_n3A_404 = arith.select %and3A_391, %sub3A_403, %add3A_401 : vector<16xi1>, vector<16xi32>
      %swap3A_405 = arith.constant 96 : index
      %swap3A_406 = tpu.vector_load %arg16[%swap3A_405] {strides = array<i32>} : memref<128xi32, #tpu.memory_space<vmem>>, vector<16xi32>,
      %swap3A_407 = vector.shape_cast %swap3A_406 : vector<16xi32> to vector<16xi32>
      %swap3A_408 = vector.shape_cast %select_n3A_404 : vector<16xi32> to vector<16xi32>
      tpu.vector_store %arg16[%swap3A_405], %swap3A_408 {strides = array<i32>} : memref<128xi32, #tpu.memory_space<vmem>>, vector<16xi32>,
      %get3A_409 = arith.constant 112 : index
      %get3A_410 = tpu.vector_load %arg12[%get3A_409] {strides = array<i32>} : memref<128xi32, #tpu.memory_space<vmem>>, vector<16xi32>,
      %get3A_411 = vector.shape_cast %get3A_410 : vector<16xi32> to vector<16xi32>
      %ge3A_412 = vector.broadcast %mul3A_0 : i32 to vector<16xi32>
      %ge3A_413 = arith.cmpi sge, %get3A_411, %ge3A_412 : vector<16xi32>
      %add3A_414 = arith.constant 5000 : i32
      %add3A_415 = arith.addi %mul3A_0, %add3A_414 : i32
      %lt3A_416 = vector.broadcast %add3A_415 : i32 to vector<16xi32>
      %lt3A_417 = arith.cmpi slt, %get3A_411, %lt3A_416 : vector<16xi32>
      %and3A_418 = arith.andi %ge3A_413, %lt3A_417 : vector<16xi1>
      %add3A_419 = arith.constant 7 : i32
      %add3A_420 = arith.addi %add3A_219, %add3A_419 : i32
      %and3A_421 = arith.constant 7 : i32
      %and3A_422 = arith.andi %add3A_420, %and3A_421 : i32
      %mul3A_423 = arith.constant 16 : i32
      %mul3A_424 = arith.muli %and3A_422, %mul3A_423 : i32
      %add3A_425 = arith.constant 5120 : i32
      %add3A_426 = arith.addi %add3A_425, %mul3A_424 : i32
      %add3A_427 = vector.broadcast %add3A_426 : i32 to vector<16xi32>
      %add3A_428 = arith.addi %add3A_427, %iota3A : vector<16xi32>
      %sub3A_429 = vector.broadcast %mul3A_0 : i32 to vector<16xi32>
      %sub3A_430 = arith.subi %get3A_411, %sub3A_429 : vector<16xi32>
      %select_n3A_431 = arith.select %and3A_418, %sub3A_430, %add3A_428 : vector<16xi1>, vector<16xi32>
      %swap3A_432 = arith.constant 112 : index
      %swap3A_433 = tpu.vector_load %arg16[%swap3A_432] {strides = array<i32>} : memref<128xi32, #tpu.memory_space<vmem>>, vector<16xi32>,
      %swap3A_434 = vector.shape_cast %swap3A_433 : vector<16xi32> to vector<16xi32>
      %swap3A_435 = vector.shape_cast %select_n3A_431 : vector<16xi32> to vector<16xi32>
      tpu.vector_store %arg16[%swap3A_432], %swap3A_435 {strides = array<i32>} : memref<128xi32, #tpu.memory_space<vmem>>, vector<16xi32>,
      %dma_start3A_436 = arith.constant 0 : i32
      %dma_start3A_437 = arith.constant 0 : i32
      %dma_start3A_438 = tpu.memref_slice %arg25[%dma_start3A_436, %dma_start3A_437] : memref<5248x64xf32, #tpu.memory_space<vmem_shared>> -> memref<5248x64xf32, #tpu.memory_space<vmem_shared>>
      tpu.enqueue_indirect_dma source(%dma_start3A_438 : memref<5248x64xf32, #tpu.memory_space<vmem_shared>>) target(%arg20 : memref<128x64xf32, #tpu.memory_space<vmem>>) offsets(%arg16 : memref<128xi32, #tpu.memory_space<vmem>>) semaphore(%arg35 : memref<!tpu.dma_semaphore, #tpu.memory_space<semaphore_mem>>)
      %dma_wait3A_439 = tpu.memref_slice %arg4[%add3A_191] : memref<320000xi32, #tpu.memory_space<hbm>> -> memref<128xi32, #tpu.memory_space<hbm>>
      %dma_wait3A_440 = tpu.memref_slice %arg4[%add3A_191] : memref<320000xi32, #tpu.memory_space<hbm>> -> memref<128xi32, #tpu.memory_space<hbm>>
      tpu.wait_dma2 semaphore(%arg28 : memref<!tpu.dma_semaphore, #tpu.memory_space<semaphore_mem>>) src(%dma_wait3A_440 : memref<128xi32, #tpu.memory_space<hbm>>) dst(%arg9 : memref<128xi32, #tpu.memory_space<vmem>>)
      %dma_wait3A_441 = tpu.memref_slice %arg5[%add3A_191] : memref<320000xi32, #tpu.memory_space<hbm>> -> memref<128xi32, #tpu.memory_space<hbm>>
      %dma_wait3A_442 = tpu.memref_slice %arg5[%add3A_191] : memref<320000xi32, #tpu.memory_space<hbm>> -> memref<128xi32, #tpu.memory_space<hbm>>
      tpu.wait_dma2 semaphore(%arg32 : memref<!tpu.dma_semaphore, #tpu.memory_space<semaphore_mem>>) src(%dma_wait3A_442 : memref<128xi32, #tpu.memory_space<hbm>>) dst(%arg13 : memref<128xi32, #tpu.memory_space<vmem>>)
      %add3A_443 = arith.constant 1 : i32
      %add3A_444 = arith.addi %mul3A_177, %add3A_443 : i32
      %get3A_445 = arith.constant 0 : index
      %get3A_446 = tpu.vector_load %arg13[%get3A_445] {strides = array<i32>} : memref<128xi32, #tpu.memory_space<vmem>>, vector<16xi32>,
      %get3A_447 = vector.shape_cast %get3A_446 : vector<16xi32> to vector<16xi32>
      %ge3A_448 = vector.broadcast %mul3A_0 : i32 to vector<16xi32>
      %ge3A_449 = arith.cmpi sge, %get3A_447, %ge3A_448 : vector<16xi32>
      %add3A_450 = arith.constant 5000 : i32
      %add3A_451 = arith.addi %mul3A_0, %add3A_450 : i32
      %lt3A_452 = vector.broadcast %add3A_451 : i32 to vector<16xi32>
      %lt3A_453 = arith.cmpi slt, %get3A_447, %lt3A_452 : vector<16xi32>
      %and3A_454 = arith.andi %ge3A_449, %lt3A_453 : vector<16xi1>
      %add3A_455 = arith.constant 0 : i32
      %add3A_456 = arith.addi %add3A_444, %add3A_455 : i32
      %and3A_457 = arith.constant 7 : i32
      %and3A_458 = arith.andi %add3A_456, %and3A_457 : i32
      %mul3A_459 = arith.constant 16 : i32
      %mul3A_460 = arith.muli %and3A_458, %mul3A_459 : i32
      %add3A_461 = arith.constant 5120 : i32
      %add3A_462 = arith.addi %add3A_461, %mul3A_460 : i32
      %add3A_463 = vector.broadcast %add3A_462 : i32 to vector<16xi32>
      %add3A_464 = arith.addi %add3A_463, %iota3A : vector<16xi32>
      %sub3A_465 = vector.broadcast %mul3A_0 : i32 to vector<16xi32>
      %sub3A_466 = arith.subi %get3A_447, %sub3A_465 : vector<16xi32>
      %select_n3A_467 = arith.select %and3A_454, %sub3A_466, %add3A_464 : vector<16xi1>, vector<16xi32>
      %swap3A_468 = arith.constant 0 : index
      %swap3A_469 = tpu.vector_load %arg17[%swap3A_468] {strides = array<i32>} : memref<128xi32, #tpu.memory_space<vmem>>, vector<16xi32>,
      %swap3A_470 = vector.shape_cast %swap3A_469 : vector<16xi32> to vector<16xi32>
      %swap3A_471 = vector.shape_cast %select_n3A_467 : vector<16xi32> to vector<16xi32>
      tpu.vector_store %arg17[%swap3A_468], %swap3A_471 {strides = array<i32>} : memref<128xi32, #tpu.memory_space<vmem>>, vector<16xi32>,
      %get3A_472 = arith.constant 16 : index
      %get3A_473 = tpu.vector_load %arg13[%get3A_472] {strides = array<i32>} : memref<128xi32, #tpu.memory_space<vmem>>, vector<16xi32>,
      %get3A_474 = vector.shape_cast %get3A_473 : vector<16xi32> to vector<16xi32>
      %ge3A_475 = vector.broadcast %mul3A_0 : i32 to vector<16xi32>
      %ge3A_476 = arith.cmpi sge, %get3A_474, %ge3A_475 : vector<16xi32>
      %add3A_477 = arith.constant 5000 : i32
      %add3A_478 = arith.addi %mul3A_0, %add3A_477 : i32
      %lt3A_479 = vector.broadcast %add3A_478 : i32 to vector<16xi32>
      %lt3A_480 = arith.cmpi slt, %get3A_474, %lt3A_479 : vector<16xi32>
      %and3A_481 = arith.andi %ge3A_476, %lt3A_480 : vector<16xi1>
      %add3A_482 = arith.constant 1 : i32
      %add3A_483 = arith.addi %add3A_444, %add3A_482 : i32
      %and3A_484 = arith.constant 7 : i32
      %and3A_485 = arith.andi %add3A_483, %and3A_484 : i32
      %mul3A_486 = arith.constant 16 : i32
      %mul3A_487 = arith.muli %and3A_485, %mul3A_486 : i32
      %add3A_488 = arith.constant 5120 : i32
      %add3A_489 = arith.addi %add3A_488, %mul3A_487 : i32
      %add3A_490 = vector.broadcast %add3A_489 : i32 to vector<16xi32>
      %add3A_491 = arith.addi %add3A_490, %iota3A : vector<16xi32>
      %sub3A_492 = vector.broadcast %mul3A_0 : i32 to vector<16xi32>
      %sub3A_493 = arith.subi %get3A_474, %sub3A_492 : vector<16xi32>
      %select_n3A_494 = arith.select %and3A_481, %sub3A_493, %add3A_491 : vector<16xi1>, vector<16xi32>
      %swap3A_495 = arith.constant 16 : index
      %swap3A_496 = tpu.vector_load %arg17[%swap3A_495] {strides = array<i32>} : memref<128xi32, #tpu.memory_space<vmem>>, vector<16xi32>,
      %swap3A_497 = vector.shape_cast %swap3A_496 : vector<16xi32> to vector<16xi32>
      %swap3A_498 = vector.shape_cast %select_n3A_494 : vector<16xi32> to vector<16xi32>
      tpu.vector_store %arg17[%swap3A_495], %swap3A_498 {strides = array<i32>} : memref<128xi32, #tpu.memory_space<vmem>>, vector<16xi32>,
      %get3A_499 = arith.constant 32 : index
      %get3A_500 = tpu.vector_load %arg13[%get3A_499] {strides = array<i32>} : memref<128xi32, #tpu.memory_space<vmem>>, vector<16xi32>,
      %get3A_501 = vector.shape_cast %get3A_500 : vector<16xi32> to vector<16xi32>
      %ge3A_502 = vector.broadcast %mul3A_0 : i32 to vector<16xi32>
      %ge3A_503 = arith.cmpi sge, %get3A_501, %ge3A_502 : vector<16xi32>
      %add3A_504 = arith.constant 5000 : i32
      %add3A_505 = arith.addi %mul3A_0, %add3A_504 : i32
      %lt3A_506 = vector.broadcast %add3A_505 : i32 to vector<16xi32>
      %lt3A_507 = arith.cmpi slt, %get3A_501, %lt3A_506 : vector<16xi32>
      %and3A_508 = arith.andi %ge3A_503, %lt3A_507 : vector<16xi1>
      %add3A_509 = arith.constant 2 : i32
      %add3A_510 = arith.addi %add3A_444, %add3A_509 : i32
      %and3A_511 = arith.constant 7 : i32
      %and3A_512 = arith.andi %add3A_510, %and3A_511 : i32
      %mul3A_513 = arith.constant 16 : i32
      %mul3A_514 = arith.muli %and3A_512, %mul3A_513 : i32
      %add3A_515 = arith.constant 5120 : i32
      %add3A_516 = arith.addi %add3A_515, %mul3A_514 : i32
      %add3A_517 = vector.broadcast %add3A_516 : i32 to vector<16xi32>
      %add3A_518 = arith.addi %add3A_517, %iota3A : vector<16xi32>
      %sub3A_519 = vector.broadcast %mul3A_0 : i32 to vector<16xi32>
      %sub3A_520 = arith.subi %get3A_501, %sub3A_519 : vector<16xi32>
      %select_n3A_521 = arith.select %and3A_508, %sub3A_520, %add3A_518 : vector<16xi1>, vector<16xi32>
      %swap3A_522 = arith.constant 32 : index
      %swap3A_523 = tpu.vector_load %arg17[%swap3A_522] {strides = array<i32>} : memref<128xi32, #tpu.memory_space<vmem>>, vector<16xi32>,
      %swap3A_524 = vector.shape_cast %swap3A_523 : vector<16xi32> to vector<16xi32>
      %swap3A_525 = vector.shape_cast %select_n3A_521 : vector<16xi32> to vector<16xi32>
      tpu.vector_store %arg17[%swap3A_522], %swap3A_525 {strides = array<i32>} : memref<128xi32, #tpu.memory_space<vmem>>, vector<16xi32>,
      %get3A_526 = arith.constant 48 : index
      %get3A_527 = tpu.vector_load %arg13[%get3A_526] {strides = array<i32>} : memref<128xi32, #tpu.memory_space<vmem>>, vector<16xi32>,
      %get3A_528 = vector.shape_cast %get3A_527 : vector<16xi32> to vector<16xi32>
      %ge3A_529 = vector.broadcast %mul3A_0 : i32 to vector<16xi32>
      %ge3A_530 = arith.cmpi sge, %get3A_528, %ge3A_529 : vector<16xi32>
      %add3A_531 = arith.constant 5000 : i32
      %add3A_532 = arith.addi %mul3A_0, %add3A_531 : i32
      %lt3A_533 = vector.broadcast %add3A_532 : i32 to vector<16xi32>
      %lt3A_534 = arith.cmpi slt, %get3A_528, %lt3A_533 : vector<16xi32>
      %and3A_535 = arith.andi %ge3A_530, %lt3A_534 : vector<16xi1>
      %add3A_536 = arith.constant 3 : i32
      %add3A_537 = arith.addi %add3A_444, %add3A_536 : i32
      %and3A_538 = arith.constant 7 : i32
      %and3A_539 = arith.andi %add3A_537, %and3A_538 : i32
      %mul3A_540 = arith.constant 16 : i32
      %mul3A_541 = arith.muli %and3A_539, %mul3A_540 : i32
      %add3A_542 = arith.constant 5120 : i32
      %add3A_543 = arith.addi %add3A_542, %mul3A_541 : i32
      %add3A_544 = vector.broadcast %add3A_543 : i32 to vector<16xi32>
      %add3A_545 = arith.addi %add3A_544, %iota3A : vector<16xi32>
      %sub3A_546 = vector.broadcast %mul3A_0 : i32 to vector<16xi32>
      %sub3A_547 = arith.subi %get3A_528, %sub3A_546 : vector<16xi32>
      %select_n3A_548 = arith.select %and3A_535, %sub3A_547, %add3A_545 : vector<16xi1>, vector<16xi32>
      %swap3A_549 = arith.constant 48 : index
      %swap3A_550 = tpu.vector_load %arg17[%swap3A_549] {strides = array<i32>} : memref<128xi32, #tpu.memory_space<vmem>>, vector<16xi32>,
      %swap3A_551 = vector.shape_cast %swap3A_550 : vector<16xi32> to vector<16xi32>
      %swap3A_552 = vector.shape_cast %select_n3A_548 : vector<16xi32> to vector<16xi32>
      tpu.vector_store %arg17[%swap3A_549], %swap3A_552 {strides = array<i32>} : memref<128xi32, #tpu.memory_space<vmem>>, vector<16xi32>,
      %get3A_553 = arith.constant 64 : index
      %get3A_554 = tpu.vector_load %arg13[%get3A_553] {strides = array<i32>} : memref<128xi32, #tpu.memory_space<vmem>>, vector<16xi32>,
      %get3A_555 = vector.shape_cast %get3A_554 : vector<16xi32> to vector<16xi32>
      %ge3A_556 = vector.broadcast %mul3A_0 : i32 to vector<16xi32>
      %ge3A_557 = arith.cmpi sge, %get3A_555, %ge3A_556 : vector<16xi32>
      %add3A_558 = arith.constant 5000 : i32
      %add3A_559 = arith.addi %mul3A_0, %add3A_558 : i32
      %lt3A_560 = vector.broadcast %add3A_559 : i32 to vector<16xi32>
      %lt3A_561 = arith.cmpi slt, %get3A_555, %lt3A_560 : vector<16xi32>
      %and3A_562 = arith.andi %ge3A_557, %lt3A_561 : vector<16xi1>
      %add3A_563 = arith.constant 4 : i32
      %add3A_564 = arith.addi %add3A_444, %add3A_563 : i32
      %and3A_565 = arith.constant 7 : i32
      %and3A_566 = arith.andi %add3A_564, %and3A_565 : i32
      %mul3A_567 = arith.constant 16 : i32
      %mul3A_568 = arith.muli %and3A_566, %mul3A_567 : i32
      %add3A_569 = arith.constant 5120 : i32
      %add3A_570 = arith.addi %add3A_569, %mul3A_568 : i32
      %add3A_571 = vector.broadcast %add3A_570 : i32 to vector<16xi32>
      %add3A_572 = arith.addi %add3A_571, %iota3A : vector<16xi32>
      %sub3A_573 = vector.broadcast %mul3A_0 : i32 to vector<16xi32>
      %sub3A_574 = arith.subi %get3A_555, %sub3A_573 : vector<16xi32>
      %select_n3A_575 = arith.select %and3A_562, %sub3A_574, %add3A_572 : vector<16xi1>, vector<16xi32>
      %swap3A_576 = arith.constant 64 : index
      %swap3A_577 = tpu.vector_load %arg17[%swap3A_576] {strides = array<i32>} : memref<128xi32, #tpu.memory_space<vmem>>, vector<16xi32>,
      %swap3A_578 = vector.shape_cast %swap3A_577 : vector<16xi32> to vector<16xi32>
      %swap3A_579 = vector.shape_cast %select_n3A_575 : vector<16xi32> to vector<16xi32>
      tpu.vector_store %arg17[%swap3A_576], %swap3A_579 {strides = array<i32>} : memref<128xi32, #tpu.memory_space<vmem>>, vector<16xi32>,
      %get3A_580 = arith.constant 80 : index
      %get3A_581 = tpu.vector_load %arg13[%get3A_580] {strides = array<i32>} : memref<128xi32, #tpu.memory_space<vmem>>, vector<16xi32>,
      %get3A_582 = vector.shape_cast %get3A_581 : vector<16xi32> to vector<16xi32>
      %ge3A_583 = vector.broadcast %mul3A_0 : i32 to vector<16xi32>
      %ge3A_584 = arith.cmpi sge, %get3A_582, %ge3A_583 : vector<16xi32>
      %add3A_585 = arith.constant 5000 : i32
      %add3A_586 = arith.addi %mul3A_0, %add3A_585 : i32
      %lt3A_587 = vector.broadcast %add3A_586 : i32 to vector<16xi32>
      %lt3A_588 = arith.cmpi slt, %get3A_582, %lt3A_587 : vector<16xi32>
      %and3A_589 = arith.andi %ge3A_584, %lt3A_588 : vector<16xi1>
      %add3A_590 = arith.constant 5 : i32
      %add3A_591 = arith.addi %add3A_444, %add3A_590 : i32
      %and3A_592 = arith.constant 7 : i32
      %and3A_593 = arith.andi %add3A_591, %and3A_592 : i32
      %mul3A_594 = arith.constant 16 : i32
      %mul3A_595 = arith.muli %and3A_593, %mul3A_594 : i32
      %add3A_596 = arith.constant 5120 : i32
      %add3A_597 = arith.addi %add3A_596, %mul3A_595 : i32
      %add3A_598 = vector.broadcast %add3A_597 : i32 to vector<16xi32>
      %add3A_599 = arith.addi %add3A_598, %iota3A : vector<16xi32>
      %sub3A_600 = vector.broadcast %mul3A_0 : i32 to vector<16xi32>
      %sub3A_601 = arith.subi %get3A_582, %sub3A_600 : vector<16xi32>
      %select_n3A_602 = arith.select %and3A_589, %sub3A_601, %add3A_599 : vector<16xi1>, vector<16xi32>
      %swap3A_603 = arith.constant 80 : index
      %swap3A_604 = tpu.vector_load %arg17[%swap3A_603] {strides = array<i32>} : memref<128xi32, #tpu.memory_space<vmem>>, vector<16xi32>,
      %swap3A_605 = vector.shape_cast %swap3A_604 : vector<16xi32> to vector<16xi32>
      %swap3A_606 = vector.shape_cast %select_n3A_602 : vector<16xi32> to vector<16xi32>
      tpu.vector_store %arg17[%swap3A_603], %swap3A_606 {strides = array<i32>} : memref<128xi32, #tpu.memory_space<vmem>>, vector<16xi32>,
      %get3A_607 = arith.constant 96 : index
      %get3A_608 = tpu.vector_load %arg13[%get3A_607] {strides = array<i32>} : memref<128xi32, #tpu.memory_space<vmem>>, vector<16xi32>,
      %get3A_609 = vector.shape_cast %get3A_608 : vector<16xi32> to vector<16xi32>
      %ge3A_610 = vector.broadcast %mul3A_0 : i32 to vector<16xi32>
      %ge3A_611 = arith.cmpi sge, %get3A_609, %ge3A_610 : vector<16xi32>
      %add3A_612 = arith.constant 5000 : i32
      %add3A_613 = arith.addi %mul3A_0, %add3A_612 : i32
      %lt3A_614 = vector.broadcast %add3A_613 : i32 to vector<16xi32>
      %lt3A_615 = arith.cmpi slt, %get3A_609, %lt3A_614 : vector<16xi32>
      %and3A_616 = arith.andi %ge3A_611, %lt3A_615 : vector<16xi1>
      %add3A_617 = arith.constant 6 : i32
      %add3A_618 = arith.addi %add3A_444, %add3A_617 : i32
      %and3A_619 = arith.constant 7 : i32
      %and3A_620 = arith.andi %add3A_618, %and3A_619 : i32
      %mul3A_621 = arith.constant 16 : i32
      %mul3A_622 = arith.muli %and3A_620, %mul3A_621 : i32
      %add3A_623 = arith.constant 5120 : i32
      %add3A_624 = arith.addi %add3A_623, %mul3A_622 : i32
      %add3A_625 = vector.broadcast %add3A_624 : i32 to vector<16xi32>
      %add3A_626 = arith.addi %add3A_625, %iota3A : vector<16xi32>
      %sub3A_627 = vector.broadcast %mul3A_0 : i32 to vector<16xi32>
      %sub3A_628 = arith.subi %get3A_609, %sub3A_627 : vector<16xi32>
      %select_n3A_629 = arith.select %and3A_616, %sub3A_628, %add3A_626 : vector<16xi1>, vector<16xi32>
      %swap3A_630 = arith.constant 96 : index
      %swap3A_631 = tpu.vector_load %arg17[%swap3A_630] {strides = array<i32>} : memref<128xi32, #tpu.memory_space<vmem>>, vector<16xi32>,
      %swap3A_632 = vector.shape_cast %swap3A_631 : vector<16xi32> to vector<16xi32>
      %swap3A_633 = vector.shape_cast %select_n3A_629 : vector<16xi32> to vector<16xi32>
      tpu.vector_store %arg17[%swap3A_630], %swap3A_633 {strides = array<i32>} : memref<128xi32, #tpu.memory_space<vmem>>, vector<16xi32>,
      %get3A_634 = arith.constant 112 : index
      %get3A_635 = tpu.vector_load %arg13[%get3A_634] {strides = array<i32>} : memref<128xi32, #tpu.memory_space<vmem>>, vector<16xi32>,
      %get3A_636 = vector.shape_cast %get3A_635 : vector<16xi32> to vector<16xi32>
      %ge3A_637 = vector.broadcast %mul3A_0 : i32 to vector<16xi32>
      %ge3A_638 = arith.cmpi sge, %get3A_636, %ge3A_637 : vector<16xi32>
      %add3A_639 = arith.constant 5000 : i32
      %add3A_640 = arith.addi %mul3A_0, %add3A_639 : i32
      %lt3A_641 = vector.broadcast %add3A_640 : i32 to vector<16xi32>
      %lt3A_642 = arith.cmpi slt, %get3A_636, %lt3A_641 : vector<16xi32>
      %and3A_643 = arith.andi %ge3A_638, %lt3A_642 : vector<16xi1>
      %add3A_644 = arith.constant 7 : i32
      %add3A_645 = arith.addi %add3A_444, %add3A_644 : i32
      %and3A_646 = arith.constant 7 : i32
      %and3A_647 = arith.andi %add3A_645, %and3A_646 : i32
      %mul3A_648 = arith.constant 16 : i32
      %mul3A_649 = arith.muli %and3A_647, %mul3A_648 : i32
      %add3A_650 = arith.constant 5120 : i32
      %add3A_651 = arith.addi %add3A_650, %mul3A_649 : i32
      %add3A_652 = vector.broadcast %add3A_651 : i32 to vector<16xi32>
      %add3A_653 = arith.addi %add3A_652, %iota3A : vector<16xi32>
      %sub3A_654 = vector.broadcast %mul3A_0 : i32 to vector<16xi32>
      %sub3A_655 = arith.subi %get3A_636, %sub3A_654 : vector<16xi32>
      %select_n3A_656 = arith.select %and3A_643, %sub3A_655, %add3A_653 : vector<16xi1>, vector<16xi32>
      %swap3A_657 = arith.constant 112 : index
      %swap3A_658 = tpu.vector_load %arg17[%swap3A_657] {strides = array<i32>} : memref<128xi32, #tpu.memory_space<vmem>>, vector<16xi32>,
      %swap3A_659 = vector.shape_cast %swap3A_658 : vector<16xi32> to vector<16xi32>
      %swap3A_660 = vector.shape_cast %select_n3A_656 : vector<16xi32> to vector<16xi32>
      tpu.vector_store %arg17[%swap3A_657], %swap3A_660 {strides = array<i32>} : memref<128xi32, #tpu.memory_space<vmem>>, vector<16xi32>,
      %dma_start3A_661 = arith.constant 0 : i32
      %dma_start3A_662 = arith.constant 0 : i32
      %dma_start3A_663 = tpu.memref_slice %arg25[%dma_start3A_661, %dma_start3A_662] : memref<5248x64xf32, #tpu.memory_space<vmem_shared>> -> memref<5248x64xf32, #tpu.memory_space<vmem_shared>>
      tpu.enqueue_indirect_dma source(%dma_start3A_663 : memref<5248x64xf32, #tpu.memory_space<vmem_shared>>) target(%arg21 : memref<128x64xf32, #tpu.memory_space<vmem>>) offsets(%arg17 : memref<128xi32, #tpu.memory_space<vmem>>) semaphore(%arg36 : memref<!tpu.dma_semaphore, #tpu.memory_space<semaphore_mem>>)
      %dma_wait3A_664 = tpu.memref_slice %arg4[%add3A_200] : memref<320000xi32, #tpu.memory_space<hbm>> -> memref<128xi32, #tpu.memory_space<hbm>>
      %dma_wait3A_665 = tpu.memref_slice %arg4[%add3A_200] : memref<320000xi32, #tpu.memory_space<hbm>> -> memref<128xi32, #tpu.memory_space<hbm>>
      tpu.wait_dma2 semaphore(%arg29 : memref<!tpu.dma_semaphore, #tpu.memory_space<semaphore_mem>>) src(%dma_wait3A_665 : memref<128xi32, #tpu.memory_space<hbm>>) dst(%arg10 : memref<128xi32, #tpu.memory_space<vmem>>)
      %dma_wait3A_666 = tpu.memref_slice %arg5[%add3A_200] : memref<320000xi32, #tpu.memory_space<hbm>> -> memref<128xi32, #tpu.memory_space<hbm>>
      %dma_wait3A_667 = tpu.memref_slice %arg5[%add3A_200] : memref<320000xi32, #tpu.memory_space<hbm>> -> memref<128xi32, #tpu.memory_space<hbm>>
      tpu.wait_dma2 semaphore(%arg33 : memref<!tpu.dma_semaphore, #tpu.memory_space<semaphore_mem>>) src(%dma_wait3A_667 : memref<128xi32, #tpu.memory_space<hbm>>) dst(%arg14 : memref<128xi32, #tpu.memory_space<vmem>>)
      %add3A_668 = arith.constant 2 : i32
      %add3A_669 = arith.addi %mul3A_177, %add3A_668 : i32
      %get3A_670 = arith.constant 0 : index
      %get3A_671 = tpu.vector_load %arg14[%get3A_670] {strides = array<i32>} : memref<128xi32, #tpu.memory_space<vmem>>, vector<16xi32>,
      %get3A_672 = vector.shape_cast %get3A_671 : vector<16xi32> to vector<16xi32>
      %ge3A_673 = vector.broadcast %mul3A_0 : i32 to vector<16xi32>
      %ge3A_674 = arith.cmpi sge, %get3A_672, %ge3A_673 : vector<16xi32>
      %add3A_675 = arith.constant 5000 : i32
      %add3A_676 = arith.addi %mul3A_0, %add3A_675 : i32
      %lt3A_677 = vector.broadcast %add3A_676 : i32 to vector<16xi32>
      %lt3A_678 = arith.cmpi slt, %get3A_672, %lt3A_677 : vector<16xi32>
      %and3A_679 = arith.andi %ge3A_674, %lt3A_678 : vector<16xi1>
      %add3A_680 = arith.constant 0 : i32
      %add3A_681 = arith.addi %add3A_669, %add3A_680 : i32
      %and3A_682 = arith.constant 7 : i32
      %and3A_683 = arith.andi %add3A_681, %and3A_682 : i32
      %mul3A_684 = arith.constant 16 : i32
      %mul3A_685 = arith.muli %and3A_683, %mul3A_684 : i32
      %add3A_686 = arith.constant 5120 : i32
      %add3A_687 = arith.addi %add3A_686, %mul3A_685 : i32
      %add3A_688 = vector.broadcast %add3A_687 : i32 to vector<16xi32>
      %add3A_689 = arith.addi %add3A_688, %iota3A : vector<16xi32>
      %sub3A_690 = vector.broadcast %mul3A_0 : i32 to vector<16xi32>
      %sub3A_691 = arith.subi %get3A_672, %sub3A_690 : vector<16xi32>
      %select_n3A_692 = arith.select %and3A_679, %sub3A_691, %add3A_689 : vector<16xi1>, vector<16xi32>
      %swap3A_693 = arith.constant 0 : index
      %swap3A_694 = tpu.vector_load %arg18[%swap3A_693] {strides = array<i32>} : memref<128xi32, #tpu.memory_space<vmem>>, vector<16xi32>,
      %swap3A_695 = vector.shape_cast %swap3A_694 : vector<16xi32> to vector<16xi32>
      %swap3A_696 = vector.shape_cast %select_n3A_692 : vector<16xi32> to vector<16xi32>
      tpu.vector_store %arg18[%swap3A_693], %swap3A_696 {strides = array<i32>} : memref<128xi32, #tpu.memory_space<vmem>>, vector<16xi32>,
      %get3A_697 = arith.constant 16 : index
      %get3A_698 = tpu.vector_load %arg14[%get3A_697] {strides = array<i32>} : memref<128xi32, #tpu.memory_space<vmem>>, vector<16xi32>,
      %get3A_699 = vector.shape_cast %get3A_698 : vector<16xi32> to vector<16xi32>
      %ge3A_700 = vector.broadcast %mul3A_0 : i32 to vector<16xi32>
      %ge3A_701 = arith.cmpi sge, %get3A_699, %ge3A_700 : vector<16xi32>
      %add3A_702 = arith.constant 5000 : i32
      %add3A_703 = arith.addi %mul3A_0, %add3A_702 : i32
      %lt3A_704 = vector.broadcast %add3A_703 : i32 to vector<16xi32>
      %lt3A_705 = arith.cmpi slt, %get3A_699, %lt3A_704 : vector<16xi32>
      %and3A_706 = arith.andi %ge3A_701, %lt3A_705 : vector<16xi1>
      %add3A_707 = arith.constant 1 : i32
      %add3A_708 = arith.addi %add3A_669, %add3A_707 : i32
      %and3A_709 = arith.constant 7 : i32
      %and3A_710 = arith.andi %add3A_708, %and3A_709 : i32
      %mul3A_711 = arith.constant 16 : i32
      %mul3A_712 = arith.muli %and3A_710, %mul3A_711 : i32
      %add3A_713 = arith.constant 5120 : i32
      %add3A_714 = arith.addi %add3A_713, %mul3A_712 : i32
      %add3A_715 = vector.broadcast %add3A_714 : i32 to vector<16xi32>
      %add3A_716 = arith.addi %add3A_715, %iota3A : vector<16xi32>
      %sub3A_717 = vector.broadcast %mul3A_0 : i32 to vector<16xi32>
      %sub3A_718 = arith.subi %get3A_699, %sub3A_717 : vector<16xi32>
      %select_n3A_719 = arith.select %and3A_706, %sub3A_718, %add3A_716 : vector<16xi1>, vector<16xi32>
      %swap3A_720 = arith.constant 16 : index
      %swap3A_721 = tpu.vector_load %arg18[%swap3A_720] {strides = array<i32>} : memref<128xi32, #tpu.memory_space<vmem>>, vector<16xi32>,
      %swap3A_722 = vector.shape_cast %swap3A_721 : vector<16xi32> to vector<16xi32>
      %swap3A_723 = vector.shape_cast %select_n3A_719 : vector<16xi32> to vector<16xi32>
      tpu.vector_store %arg18[%swap3A_720], %swap3A_723 {strides = array<i32>} : memref<128xi32, #tpu.memory_space<vmem>>, vector<16xi32>,
      %get3A_724 = arith.constant 32 : index
      %get3A_725 = tpu.vector_load %arg14[%get3A_724] {strides = array<i32>} : memref<128xi32, #tpu.memory_space<vmem>>, vector<16xi32>,
      %get3A_726 = vector.shape_cast %get3A_725 : vector<16xi32> to vector<16xi32>
      %ge3A_727 = vector.broadcast %mul3A_0 : i32 to vector<16xi32>
      %ge3A_728 = arith.cmpi sge, %get3A_726, %ge3A_727 : vector<16xi32>
      %add3A_729 = arith.constant 5000 : i32
      %add3A_730 = arith.addi %mul3A_0, %add3A_729 : i32
      %lt3A_731 = vector.broadcast %add3A_730 : i32 to vector<16xi32>
      %lt3A_732 = arith.cmpi slt, %get3A_726, %lt3A_731 : vector<16xi32>
      %and3A_733 = arith.andi %ge3A_728, %lt3A_732 : vector<16xi1>
      %add3A_734 = arith.constant 2 : i32
      %add3A_735 = arith.addi %add3A_669, %add3A_734 : i32
      %and3A_736 = arith.constant 7 : i32
      %and3A_737 = arith.andi %add3A_735, %and3A_736 : i32
      %mul3A_738 = arith.constant 16 : i32
      %mul3A_739 = arith.muli %and3A_737, %mul3A_738 : i32
      %add3A_740 = arith.constant 5120 : i32
      %add3A_741 = arith.addi %add3A_740, %mul3A_739 : i32
      %add3A_742 = vector.broadcast %add3A_741 : i32 to vector<16xi32>
      %add3A_743 = arith.addi %add3A_742, %iota3A : vector<16xi32>
      %sub3A_744 = vector.broadcast %mul3A_0 : i32 to vector<16xi32>
      %sub3A_745 = arith.subi %get3A_726, %sub3A_744 : vector<16xi32>
      %select_n3A_746 = arith.select %and3A_733, %sub3A_745, %add3A_743 : vector<16xi1>, vector<16xi32>
      %swap3A_747 = arith.constant 32 : index
      %swap3A_748 = tpu.vector_load %arg18[%swap3A_747] {strides = array<i32>} : memref<128xi32, #tpu.memory_space<vmem>>, vector<16xi32>,
      %swap3A_749 = vector.shape_cast %swap3A_748 : vector<16xi32> to vector<16xi32>
      %swap3A_750 = vector.shape_cast %select_n3A_746 : vector<16xi32> to vector<16xi32>
      tpu.vector_store %arg18[%swap3A_747], %swap3A_750 {strides = array<i32>} : memref<128xi32, #tpu.memory_space<vmem>>, vector<16xi32>,
      %get3A_751 = arith.constant 48 : index
      %get3A_752 = tpu.vector_load %arg14[%get3A_751] {strides = array<i32>} : memref<128xi32, #tpu.memory_space<vmem>>, vector<16xi32>,
      %get3A_753 = vector.shape_cast %get3A_752 : vector<16xi32> to vector<16xi32>
      %ge3A_754 = vector.broadcast %mul3A_0 : i32 to vector<16xi32>
      %ge3A_755 = arith.cmpi sge, %get3A_753, %ge3A_754 : vector<16xi32>
      %add3A_756 = arith.constant 5000 : i32
      %add3A_757 = arith.addi %mul3A_0, %add3A_756 : i32
      %lt3A_758 = vector.broadcast %add3A_757 : i32 to vector<16xi32>
      %lt3A_759 = arith.cmpi slt, %get3A_753, %lt3A_758 : vector<16xi32>
      %and3A_760 = arith.andi %ge3A_755, %lt3A_759 : vector<16xi1>
      %add3A_761 = arith.constant 3 : i32
      %add3A_762 = arith.addi %add3A_669, %add3A_761 : i32
      %and3A_763 = arith.constant 7 : i32
      %and3A_764 = arith.andi %add3A_762, %and3A_763 : i32
      %mul3A_765 = arith.constant 16 : i32
      %mul3A_766 = arith.muli %and3A_764, %mul3A_765 : i32
      %add3A_767 = arith.constant 5120 : i32
      %add3A_768 = arith.addi %add3A_767, %mul3A_766 : i32
      %add3A_769 = vector.broadcast %add3A_768 : i32 to vector<16xi32>
      %add3A_770 = arith.addi %add3A_769, %iota3A : vector<16xi32>
      %sub3A_771 = vector.broadcast %mul3A_0 : i32 to vector<16xi32>
      %sub3A_772 = arith.subi %get3A_753, %sub3A_771 : vector<16xi32>
      %select_n3A_773 = arith.select %and3A_760, %sub3A_772, %add3A_770 : vector<16xi1>, vector<16xi32>
      %swap3A_774 = arith.constant 48 : index
      %swap3A_775 = tpu.vector_load %arg18[%swap3A_774] {strides = array<i32>} : memref<128xi32, #tpu.memory_space<vmem>>, vector<16xi32>,
      %swap3A_776 = vector.shape_cast %swap3A_775 : vector<16xi32> to vector<16xi32>
      %swap3A_777 = vector.shape_cast %select_n3A_773 : vector<16xi32> to vector<16xi32>
      tpu.vector_store %arg18[%swap3A_774], %swap3A_777 {strides = array<i32>} : memref<128xi32, #tpu.memory_space<vmem>>, vector<16xi32>,
      %get3A_778 = arith.constant 64 : index
      %get3A_779 = tpu.vector_load %arg14[%get3A_778] {strides = array<i32>} : memref<128xi32, #tpu.memory_space<vmem>>, vector<16xi32>,
      %get3A_780 = vector.shape_cast %get3A_779 : vector<16xi32> to vector<16xi32>
      %ge3A_781 = vector.broadcast %mul3A_0 : i32 to vector<16xi32>
      %ge3A_782 = arith.cmpi sge, %get3A_780, %ge3A_781 : vector<16xi32>
      %add3A_783 = arith.constant 5000 : i32
      %add3A_784 = arith.addi %mul3A_0, %add3A_783 : i32
      %lt3A_785 = vector.broadcast %add3A_784 : i32 to vector<16xi32>
      %lt3A_786 = arith.cmpi slt, %get3A_780, %lt3A_785 : vector<16xi32>
      %and3A_787 = arith.andi %ge3A_782, %lt3A_786 : vector<16xi1>
      %add3A_788 = arith.constant 4 : i32
      %add3A_789 = arith.addi %add3A_669, %add3A_788 : i32
      %and3A_790 = arith.constant 7 : i32
      %and3A_791 = arith.andi %add3A_789, %and3A_790 : i32
      %mul3A_792 = arith.constant 16 : i32
      %mul3A_793 = arith.muli %and3A_791, %mul3A_792 : i32
      %add3A_794 = arith.constant 5120 : i32
      %add3A_795 = arith.addi %add3A_794, %mul3A_793 : i32
      %add3A_796 = vector.broadcast %add3A_795 : i32 to vector<16xi32>
      %add3A_797 = arith.addi %add3A_796, %iota3A : vector<16xi32>
      %sub3A_798 = vector.broadcast %mul3A_0 : i32 to vector<16xi32>
      %sub3A_799 = arith.subi %get3A_780, %sub3A_798 : vector<16xi32>
      %select_n3A_800 = arith.select %and3A_787, %sub3A_799, %add3A_797 : vector<16xi1>, vector<16xi32>
      %swap3A_801 = arith.constant 64 : index
      %swap3A_802 = tpu.vector_load %arg18[%swap3A_801] {strides = array<i32>} : memref<128xi32, #tpu.memory_space<vmem>>, vector<16xi32>,
      %swap3A_803 = vector.shape_cast %swap3A_802 : vector<16xi32> to vector<16xi32>
      %swap3A_804 = vector.shape_cast %select_n3A_800 : vector<16xi32> to vector<16xi32>
      tpu.vector_store %arg18[%swap3A_801], %swap3A_804 {strides = array<i32>} : memref<128xi32, #tpu.memory_space<vmem>>, vector<16xi32>,
      %get3A_805 = arith.constant 80 : index
      %get3A_806 = tpu.vector_load %arg14[%get3A_805] {strides = array<i32>} : memref<128xi32, #tpu.memory_space<vmem>>, vector<16xi32>,
      %get3A_807 = vector.shape_cast %get3A_806 : vector<16xi32> to vector<16xi32>
      %ge3A_808 = vector.broadcast %mul3A_0 : i32 to vector<16xi32>
      %ge3A_809 = arith.cmpi sge, %get3A_807, %ge3A_808 : vector<16xi32>
      %add3A_810 = arith.constant 5000 : i32
      %add3A_811 = arith.addi %mul3A_0, %add3A_810 : i32
      %lt3A_812 = vector.broadcast %add3A_811 : i32 to vector<16xi32>
      %lt3A_813 = arith.cmpi slt, %get3A_807, %lt3A_812 : vector<16xi32>
      %and3A_814 = arith.andi %ge3A_809, %lt3A_813 : vector<16xi1>
      %add3A_815 = arith.constant 5 : i32
      %add3A_816 = arith.addi %add3A_669, %add3A_815 : i32
      %and3A_817 = arith.constant 7 : i32
      %and3A_818 = arith.andi %add3A_816, %and3A_817 : i32
      %mul3A_819 = arith.constant 16 : i32
      %mul3A_820 = arith.muli %and3A_818, %mul3A_819 : i32
      %add3A_821 = arith.constant 5120 : i32
      %add3A_822 = arith.addi %add3A_821, %mul3A_820 : i32
      %add3A_823 = vector.broadcast %add3A_822 : i32 to vector<16xi32>
      %add3A_824 = arith.addi %add3A_823, %iota3A : vector<16xi32>
      %sub3A_825 = vector.broadcast %mul3A_0 : i32 to vector<16xi32>
      %sub3A_826 = arith.subi %get3A_807, %sub3A_825 : vector<16xi32>
      %select_n3A_827 = arith.select %and3A_814, %sub3A_826, %add3A_824 : vector<16xi1>, vector<16xi32>
      %swap3A_828 = arith.constant 80 : index
      %swap3A_829 = tpu.vector_load %arg18[%swap3A_828] {strides = array<i32>} : memref<128xi32, #tpu.memory_space<vmem>>, vector<16xi32>,
      %swap3A_830 = vector.shape_cast %swap3A_829 : vector<16xi32> to vector<16xi32>
      %swap3A_831 = vector.shape_cast %select_n3A_827 : vector<16xi32> to vector<16xi32>
      tpu.vector_store %arg18[%swap3A_828], %swap3A_831 {strides = array<i32>} : memref<128xi32, #tpu.memory_space<vmem>>, vector<16xi32>,
      %get3A_832 = arith.constant 96 : index
      %get3A_833 = tpu.vector_load %arg14[%get3A_832] {strides = array<i32>} : memref<128xi32, #tpu.memory_space<vmem>>, vector<16xi32>,
      %get3A_834 = vector.shape_cast %get3A_833 : vector<16xi32> to vector<16xi32>
      %ge3A_835 = vector.broadcast %mul3A_0 : i32 to vector<16xi32>
      %ge3A_836 = arith.cmpi sge, %get3A_834, %ge3A_835 : vector<16xi32>
      %add3A_837 = arith.constant 5000 : i32
      %add3A_838 = arith.addi %mul3A_0, %add3A_837 : i32
      %lt3A_839 = vector.broadcast %add3A_838 : i32 to vector<16xi32>
      %lt3A_840 = arith.cmpi slt, %get3A_834, %lt3A_839 : vector<16xi32>
      %and3A_841 = arith.andi %ge3A_836, %lt3A_840 : vector<16xi1>
      %add3A_842 = arith.constant 6 : i32
      %add3A_843 = arith.addi %add3A_669, %add3A_842 : i32
      %and3A_844 = arith.constant 7 : i32
      %and3A_845 = arith.andi %add3A_843, %and3A_844 : i32
      %mul3A_846 = arith.constant 16 : i32
      %mul3A_847 = arith.muli %and3A_845, %mul3A_846 : i32
      %add3A_848 = arith.constant 5120 : i32
      %add3A_849 = arith.addi %add3A_848, %mul3A_847 : i32
      %add3A_850 = vector.broadcast %add3A_849 : i32 to vector<16xi32>
      %add3A_851 = arith.addi %add3A_850, %iota3A : vector<16xi32>
      %sub3A_852 = vector.broadcast %mul3A_0 : i32 to vector<16xi32>
      %sub3A_853 = arith.subi %get3A_834, %sub3A_852 : vector<16xi32>
      %select_n3A_854 = arith.select %and3A_841, %sub3A_853, %add3A_851 : vector<16xi1>, vector<16xi32>
      %swap3A_855 = arith.constant 96 : index
      %swap3A_856 = tpu.vector_load %arg18[%swap3A_855] {strides = array<i32>} : memref<128xi32, #tpu.memory_space<vmem>>, vector<16xi32>,
      %swap3A_857 = vector.shape_cast %swap3A_856 : vector<16xi32> to vector<16xi32>
      %swap3A_858 = vector.shape_cast %select_n3A_854 : vector<16xi32> to vector<16xi32>
      tpu.vector_store %arg18[%swap3A_855], %swap3A_858 {strides = array<i32>} : memref<128xi32, #tpu.memory_space<vmem>>, vector<16xi32>,
      %get3A_859 = arith.constant 112 : index
      %get3A_860 = tpu.vector_load %arg14[%get3A_859] {strides = array<i32>} : memref<128xi32, #tpu.memory_space<vmem>>, vector<16xi32>,
      %get3A_861 = vector.shape_cast %get3A_860 : vector<16xi32> to vector<16xi32>
      %ge3A_862 = vector.broadcast %mul3A_0 : i32 to vector<16xi32>
      %ge3A_863 = arith.cmpi sge, %get3A_861, %ge3A_862 : vector<16xi32>
      %add3A_864 = arith.constant 5000 : i32
      %add3A_865 = arith.addi %mul3A_0, %add3A_864 : i32
      %lt3A_866 = vector.broadcast %add3A_865 : i32 to vector<16xi32>
      %lt3A_867 = arith.cmpi slt, %get3A_861, %lt3A_866 : vector<16xi32>
      %and3A_868 = arith.andi %ge3A_863, %lt3A_867 : vector<16xi1>
      %add3A_869 = arith.constant 7 : i32
      %add3A_870 = arith.addi %add3A_669, %add3A_869 : i32
      %and3A_871 = arith.constant 7 : i32
      %and3A_872 = arith.andi %add3A_870, %and3A_871 : i32
      %mul3A_873 = arith.constant 16 : i32
      %mul3A_874 = arith.muli %and3A_872, %mul3A_873 : i32
      %add3A_875 = arith.constant 5120 : i32
      %add3A_876 = arith.addi %add3A_875, %mul3A_874 : i32
      %add3A_877 = vector.broadcast %add3A_876 : i32 to vector<16xi32>
      %add3A_878 = arith.addi %add3A_877, %iota3A : vector<16xi32>
      %sub3A_879 = vector.broadcast %mul3A_0 : i32 to vector<16xi32>
      %sub3A_880 = arith.subi %get3A_861, %sub3A_879 : vector<16xi32>
      %select_n3A_881 = arith.select %and3A_868, %sub3A_880, %add3A_878 : vector<16xi1>, vector<16xi32>
      %swap3A_882 = arith.constant 112 : index
      %swap3A_883 = tpu.vector_load %arg18[%swap3A_882] {strides = array<i32>} : memref<128xi32, #tpu.memory_space<vmem>>, vector<16xi32>,
      %swap3A_884 = vector.shape_cast %swap3A_883 : vector<16xi32> to vector<16xi32>
      %swap3A_885 = vector.shape_cast %select_n3A_881 : vector<16xi32> to vector<16xi32>
      tpu.vector_store %arg18[%swap3A_882], %swap3A_885 {strides = array<i32>} : memref<128xi32, #tpu.memory_space<vmem>>, vector<16xi32>,
      %dma_start3A_886 = arith.constant 0 : i32
      %dma_start3A_887 = arith.constant 0 : i32
      %dma_start3A_888 = tpu.memref_slice %arg25[%dma_start3A_886, %dma_start3A_887] : memref<5248x64xf32, #tpu.memory_space<vmem_shared>> -> memref<5248x64xf32, #tpu.memory_space<vmem_shared>>
      tpu.enqueue_indirect_dma source(%dma_start3A_888 : memref<5248x64xf32, #tpu.memory_space<vmem_shared>>) target(%arg22 : memref<128x64xf32, #tpu.memory_space<vmem>>) offsets(%arg18 : memref<128xi32, #tpu.memory_space<vmem>>) semaphore(%arg37 : memref<!tpu.dma_semaphore, #tpu.memory_space<semaphore_mem>>)
      %dma_wait3A_889 = tpu.memref_slice %arg4[%add3A_209] : memref<320000xi32, #tpu.memory_space<hbm>> -> memref<128xi32, #tpu.memory_space<hbm>>
      %dma_wait3A_890 = tpu.memref_slice %arg4[%add3A_209] : memref<320000xi32, #tpu.memory_space<hbm>> -> memref<128xi32, #tpu.memory_space<hbm>>
      tpu.wait_dma2 semaphore(%arg30 : memref<!tpu.dma_semaphore, #tpu.memory_space<semaphore_mem>>) src(%dma_wait3A_890 : memref<128xi32, #tpu.memory_space<hbm>>) dst(%arg11 : memref<128xi32, #tpu.memory_space<vmem>>)
      %dma_wait3A_891 = tpu.memref_slice %arg5[%add3A_209] : memref<320000xi32, #tpu.memory_space<hbm>> -> memref<128xi32, #tpu.memory_space<hbm>>
      %dma_wait3A_892 = tpu.memref_slice %arg5[%add3A_209] : memref<320000xi32, #tpu.memory_space<hbm>> -> memref<128xi32, #tpu.memory_space<hbm>>
      tpu.wait_dma2 semaphore(%arg34 : memref<!tpu.dma_semaphore, #tpu.memory_space<semaphore_mem>>) src(%dma_wait3A_892 : memref<128xi32, #tpu.memory_space<hbm>>) dst(%arg15 : memref<128xi32, #tpu.memory_space<vmem>>)
      %add3A_893 = arith.constant 3 : i32
      %add3A_894 = arith.addi %mul3A_177, %add3A_893 : i32
      %get3A_895 = arith.constant 0 : index
      %get3A_896 = tpu.vector_load %arg15[%get3A_895] {strides = array<i32>} : memref<128xi32, #tpu.memory_space<vmem>>, vector<16xi32>,
      %get3A_897 = vector.shape_cast %get3A_896 : vector<16xi32> to vector<16xi32>
      %ge3A_898 = vector.broadcast %mul3A_0 : i32 to vector<16xi32>
      %ge3A_899 = arith.cmpi sge, %get3A_897, %ge3A_898 : vector<16xi32>
      %add3A_900 = arith.constant 5000 : i32
      %add3A_901 = arith.addi %mul3A_0, %add3A_900 : i32
      %lt3A_902 = vector.broadcast %add3A_901 : i32 to vector<16xi32>
      %lt3A_903 = arith.cmpi slt, %get3A_897, %lt3A_902 : vector<16xi32>
      %and3A_904 = arith.andi %ge3A_899, %lt3A_903 : vector<16xi1>
      %add3A_905 = arith.constant 0 : i32
      %add3A_906 = arith.addi %add3A_894, %add3A_905 : i32
      %and3A_907 = arith.constant 7 : i32
      %and3A_908 = arith.andi %add3A_906, %and3A_907 : i32
      %mul3A_909 = arith.constant 16 : i32
      %mul3A_910 = arith.muli %and3A_908, %mul3A_909 : i32
      %add3A_911 = arith.constant 5120 : i32
      %add3A_912 = arith.addi %add3A_911, %mul3A_910 : i32
      %add3A_913 = vector.broadcast %add3A_912 : i32 to vector<16xi32>
      %add3A_914 = arith.addi %add3A_913, %iota3A : vector<16xi32>
      %sub3A_915 = vector.broadcast %mul3A_0 : i32 to vector<16xi32>
      %sub3A_916 = arith.subi %get3A_897, %sub3A_915 : vector<16xi32>
      %select_n3A_917 = arith.select %and3A_904, %sub3A_916, %add3A_914 : vector<16xi1>, vector<16xi32>
      %swap3A_918 = arith.constant 0 : index
      %swap3A_919 = tpu.vector_load %arg19[%swap3A_918] {strides = array<i32>} : memref<128xi32, #tpu.memory_space<vmem>>, vector<16xi32>,
      %swap3A_920 = vector.shape_cast %swap3A_919 : vector<16xi32> to vector<16xi32>
      %swap3A_921 = vector.shape_cast %select_n3A_917 : vector<16xi32> to vector<16xi32>
      tpu.vector_store %arg19[%swap3A_918], %swap3A_921 {strides = array<i32>} : memref<128xi32, #tpu.memory_space<vmem>>, vector<16xi32>,
      %get3A_922 = arith.constant 16 : index
      %get3A_923 = tpu.vector_load %arg15[%get3A_922] {strides = array<i32>} : memref<128xi32, #tpu.memory_space<vmem>>, vector<16xi32>,
      %get3A_924 = vector.shape_cast %get3A_923 : vector<16xi32> to vector<16xi32>
      %ge3A_925 = vector.broadcast %mul3A_0 : i32 to vector<16xi32>
      %ge3A_926 = arith.cmpi sge, %get3A_924, %ge3A_925 : vector<16xi32>
      %add3A_927 = arith.constant 5000 : i32
      %add3A_928 = arith.addi %mul3A_0, %add3A_927 : i32
      %lt3A_929 = vector.broadcast %add3A_928 : i32 to vector<16xi32>
      %lt3A_930 = arith.cmpi slt, %get3A_924, %lt3A_929 : vector<16xi32>
      %and3A_931 = arith.andi %ge3A_926, %lt3A_930 : vector<16xi1>
      %add3A_932 = arith.constant 1 : i32
      %add3A_933 = arith.addi %add3A_894, %add3A_932 : i32
      %and3A_934 = arith.constant 7 : i32
      %and3A_935 = arith.andi %add3A_933, %and3A_934 : i32
      %mul3A_936 = arith.constant 16 : i32
      %mul3A_937 = arith.muli %and3A_935, %mul3A_936 : i32
      %add3A_938 = arith.constant 5120 : i32
      %add3A_939 = arith.addi %add3A_938, %mul3A_937 : i32
      %add3A_940 = vector.broadcast %add3A_939 : i32 to vector<16xi32>
      %add3A_941 = arith.addi %add3A_940, %iota3A : vector<16xi32>
      %sub3A_942 = vector.broadcast %mul3A_0 : i32 to vector<16xi32>
      %sub3A_943 = arith.subi %get3A_924, %sub3A_942 : vector<16xi32>
      %select_n3A_944 = arith.select %and3A_931, %sub3A_943, %add3A_941 : vector<16xi1>, vector<16xi32>
      %swap3A_945 = arith.constant 16 : index
      %swap3A_946 = tpu.vector_load %arg19[%swap3A_945] {strides = array<i32>} : memref<128xi32, #tpu.memory_space<vmem>>, vector<16xi32>,
      %swap3A_947 = vector.shape_cast %swap3A_946 : vector<16xi32> to vector<16xi32>
      %swap3A_948 = vector.shape_cast %select_n3A_944 : vector<16xi32> to vector<16xi32>
      tpu.vector_store %arg19[%swap3A_945], %swap3A_948 {strides = array<i32>} : memref<128xi32, #tpu.memory_space<vmem>>, vector<16xi32>,
      %get3A_949 = arith.constant 32 : index
      %get3A_950 = tpu.vector_load %arg15[%get3A_949] {strides = array<i32>} : memref<128xi32, #tpu.memory_space<vmem>>, vector<16xi32>,
      %get3A_951 = vector.shape_cast %get3A_950 : vector<16xi32> to vector<16xi32>
      %ge3A_952 = vector.broadcast %mul3A_0 : i32 to vector<16xi32>
      %ge3A_953 = arith.cmpi sge, %get3A_951, %ge3A_952 : vector<16xi32>
      %add3A_954 = arith.constant 5000 : i32
      %add3A_955 = arith.addi %mul3A_0, %add3A_954 : i32
      %lt3A_956 = vector.broadcast %add3A_955 : i32 to vector<16xi32>
      %lt3A_957 = arith.cmpi slt, %get3A_951, %lt3A_956 : vector<16xi32>
      %and3A_958 = arith.andi %ge3A_953, %lt3A_957 : vector<16xi1>
      %add3A_959 = arith.constant 2 : i32
      %add3A_960 = arith.addi %add3A_894, %add3A_959 : i32
      %and3A_961 = arith.constant 7 : i32
      %and3A_962 = arith.andi %add3A_960, %and3A_961 : i32
      %mul3A_963 = arith.constant 16 : i32
      %mul3A_964 = arith.muli %and3A_962, %mul3A_963 : i32
      %add3A_965 = arith.constant 5120 : i32
      %add3A_966 = arith.addi %add3A_965, %mul3A_964 : i32
      %add3A_967 = vector.broadcast %add3A_966 : i32 to vector<16xi32>
      %add3A_968 = arith.addi %add3A_967, %iota3A : vector<16xi32>
      %sub3A_969 = vector.broadcast %mul3A_0 : i32 to vector<16xi32>
      %sub3A_970 = arith.subi %get3A_951, %sub3A_969 : vector<16xi32>
      %select_n3A_971 = arith.select %and3A_958, %sub3A_970, %add3A_968 : vector<16xi1>, vector<16xi32>
      %swap3A_972 = arith.constant 32 : index
      %swap3A_973 = tpu.vector_load %arg19[%swap3A_972] {strides = array<i32>} : memref<128xi32, #tpu.memory_space<vmem>>, vector<16xi32>,
      %swap3A_974 = vector.shape_cast %swap3A_973 : vector<16xi32> to vector<16xi32>
      %swap3A_975 = vector.shape_cast %select_n3A_971 : vector<16xi32> to vector<16xi32>
      tpu.vector_store %arg19[%swap3A_972], %swap3A_975 {strides = array<i32>} : memref<128xi32, #tpu.memory_space<vmem>>, vector<16xi32>,
      %get3A_976 = arith.constant 48 : index
      %get3A_977 = tpu.vector_load %arg15[%get3A_976] {strides = array<i32>} : memref<128xi32, #tpu.memory_space<vmem>>, vector<16xi32>,
      %get3A_978 = vector.shape_cast %get3A_977 : vector<16xi32> to vector<16xi32>
      %ge3A_979 = vector.broadcast %mul3A_0 : i32 to vector<16xi32>
      %ge3A_980 = arith.cmpi sge, %get3A_978, %ge3A_979 : vector<16xi32>
      %add3A_981 = arith.constant 5000 : i32
      %add3A_982 = arith.addi %mul3A_0, %add3A_981 : i32
      %lt3A_983 = vector.broadcast %add3A_982 : i32 to vector<16xi32>
      %lt3A_984 = arith.cmpi slt, %get3A_978, %lt3A_983 : vector<16xi32>
      %and3A_985 = arith.andi %ge3A_980, %lt3A_984 : vector<16xi1>
      %add3A_986 = arith.constant 3 : i32
      %add3A_987 = arith.addi %add3A_894, %add3A_986 : i32
      %and3A_988 = arith.constant 7 : i32
      %and3A_989 = arith.andi %add3A_987, %and3A_988 : i32
      %mul3A_990 = arith.constant 16 : i32
      %mul3A_991 = arith.muli %and3A_989, %mul3A_990 : i32
      %add3A_992 = arith.constant 5120 : i32
      %add3A_993 = arith.addi %add3A_992, %mul3A_991 : i32
      %add3A_994 = vector.broadcast %add3A_993 : i32 to vector<16xi32>
      %add3A_995 = arith.addi %add3A_994, %iota3A : vector<16xi32>
      %sub3A_996 = vector.broadcast %mul3A_0 : i32 to vector<16xi32>
      %sub3A_997 = arith.subi %get3A_978, %sub3A_996 : vector<16xi32>
      %select_n3A_998 = arith.select %and3A_985, %sub3A_997, %add3A_995 : vector<16xi1>, vector<16xi32>
      %swap3A_999 = arith.constant 48 : index
      %swap3A_1000 = tpu.vector_load %arg19[%swap3A_999] {strides = array<i32>} : memref<128xi32, #tpu.memory_space<vmem>>, vector<16xi32>,
      %swap3A_1001 = vector.shape_cast %swap3A_1000 : vector<16xi32> to vector<16xi32>
      %swap3A_1002 = vector.shape_cast %select_n3A_998 : vector<16xi32> to vector<16xi32>
      tpu.vector_store %arg19[%swap3A_999], %swap3A_1002 {strides = array<i32>} : memref<128xi32, #tpu.memory_space<vmem>>, vector<16xi32>,
      %get3A_1003 = arith.constant 64 : index
      %get3A_1004 = tpu.vector_load %arg15[%get3A_1003] {strides = array<i32>} : memref<128xi32, #tpu.memory_space<vmem>>, vector<16xi32>,
      %get3A_1005 = vector.shape_cast %get3A_1004 : vector<16xi32> to vector<16xi32>
      %ge3A_1006 = vector.broadcast %mul3A_0 : i32 to vector<16xi32>
      %ge3A_1007 = arith.cmpi sge, %get3A_1005, %ge3A_1006 : vector<16xi32>
      %add3A_1008 = arith.constant 5000 : i32
      %add3A_1009 = arith.addi %mul3A_0, %add3A_1008 : i32
      %lt3A_1010 = vector.broadcast %add3A_1009 : i32 to vector<16xi32>
      %lt3A_1011 = arith.cmpi slt, %get3A_1005, %lt3A_1010 : vector<16xi32>
      %and3A_1012 = arith.andi %ge3A_1007, %lt3A_1011 : vector<16xi1>
      %add3A_1013 = arith.constant 4 : i32
      %add3A_1014 = arith.addi %add3A_894, %add3A_1013 : i32
      %and3A_1015 = arith.constant 7 : i32
      %and3A_1016 = arith.andi %add3A_1014, %and3A_1015 : i32
      %mul3A_1017 = arith.constant 16 : i32
      %mul3A_1018 = arith.muli %and3A_1016, %mul3A_1017 : i32
      %add3A_1019 = arith.constant 5120 : i32
      %add3A_1020 = arith.addi %add3A_1019, %mul3A_1018 : i32
      %add3A_1021 = vector.broadcast %add3A_1020 : i32 to vector<16xi32>
      %add3A_1022 = arith.addi %add3A_1021, %iota3A : vector<16xi32>
      %sub3A_1023 = vector.broadcast %mul3A_0 : i32 to vector<16xi32>
      %sub3A_1024 = arith.subi %get3A_1005, %sub3A_1023 : vector<16xi32>
      %select_n3A_1025 = arith.select %and3A_1012, %sub3A_1024, %add3A_1022 : vector<16xi1>, vector<16xi32>
      %swap3A_1026 = arith.constant 64 : index
      %swap3A_1027 = tpu.vector_load %arg19[%swap3A_1026] {strides = array<i32>} : memref<128xi32, #tpu.memory_space<vmem>>, vector<16xi32>,
      %swap3A_1028 = vector.shape_cast %swap3A_1027 : vector<16xi32> to vector<16xi32>
      %swap3A_1029 = vector.shape_cast %select_n3A_1025 : vector<16xi32> to vector<16xi32>
      tpu.vector_store %arg19[%swap3A_1026], %swap3A_1029 {strides = array<i32>} : memref<128xi32, #tpu.memory_space<vmem>>, vector<16xi32>,
      %get3A_1030 = arith.constant 80 : index
      %get3A_1031 = tpu.vector_load %arg15[%get3A_1030] {strides = array<i32>} : memref<128xi32, #tpu.memory_space<vmem>>, vector<16xi32>,
      %get3A_1032 = vector.shape_cast %get3A_1031 : vector<16xi32> to vector<16xi32>
      %ge3A_1033 = vector.broadcast %mul3A_0 : i32 to vector<16xi32>
      %ge3A_1034 = arith.cmpi sge, %get3A_1032, %ge3A_1033 : vector<16xi32>
      %add3A_1035 = arith.constant 5000 : i32
      %add3A_1036 = arith.addi %mul3A_0, %add3A_1035 : i32
      %lt3A_1037 = vector.broadcast %add3A_1036 : i32 to vector<16xi32>
      %lt3A_1038 = arith.cmpi slt, %get3A_1032, %lt3A_1037 : vector<16xi32>
      %and3A_1039 = arith.andi %ge3A_1034, %lt3A_1038 : vector<16xi1>
      %add3A_1040 = arith.constant 5 : i32
      %add3A_1041 = arith.addi %add3A_894, %add3A_1040 : i32
      %and3A_1042 = arith.constant 7 : i32
      %and3A_1043 = arith.andi %add3A_1041, %and3A_1042 : i32
      %mul3A_1044 = arith.constant 16 : i32
      %mul3A_1045 = arith.muli %and3A_1043, %mul3A_1044 : i32
      %add3A_1046 = arith.constant 5120 : i32
      %add3A_1047 = arith.addi %add3A_1046, %mul3A_1045 : i32
      %add3A_1048 = vector.broadcast %add3A_1047 : i32 to vector<16xi32>
      %add3A_1049 = arith.addi %add3A_1048, %iota3A : vector<16xi32>
      %sub3A_1050 = vector.broadcast %mul3A_0 : i32 to vector<16xi32>
      %sub3A_1051 = arith.subi %get3A_1032, %sub3A_1050 : vector<16xi32>
      %select_n3A_1052 = arith.select %and3A_1039, %sub3A_1051, %add3A_1049 : vector<16xi1>, vector<16xi32>
      %swap3A_1053 = arith.constant 80 : index
      %swap3A_1054 = tpu.vector_load %arg19[%swap3A_1053] {strides = array<i32>} : memref<128xi32, #tpu.memory_space<vmem>>, vector<16xi32>,
      %swap3A_1055 = vector.shape_cast %swap3A_1054 : vector<16xi32> to vector<16xi32>
      %swap3A_1056 = vector.shape_cast %select_n3A_1052 : vector<16xi32> to vector<16xi32>
      tpu.vector_store %arg19[%swap3A_1053], %swap3A_1056 {strides = array<i32>} : memref<128xi32, #tpu.memory_space<vmem>>, vector<16xi32>,
      %get3A_1057 = arith.constant 96 : index
      %get3A_1058 = tpu.vector_load %arg15[%get3A_1057] {strides = array<i32>} : memref<128xi32, #tpu.memory_space<vmem>>, vector<16xi32>,
      %get3A_1059 = vector.shape_cast %get3A_1058 : vector<16xi32> to vector<16xi32>
      %ge3A_1060 = vector.broadcast %mul3A_0 : i32 to vector<16xi32>
      %ge3A_1061 = arith.cmpi sge, %get3A_1059, %ge3A_1060 : vector<16xi32>
      %add3A_1062 = arith.constant 5000 : i32
      %add3A_1063 = arith.addi %mul3A_0, %add3A_1062 : i32
      %lt3A_1064 = vector.broadcast %add3A_1063 : i32 to vector<16xi32>
      %lt3A_1065 = arith.cmpi slt, %get3A_1059, %lt3A_1064 : vector<16xi32>
      %and3A_1066 = arith.andi %ge3A_1061, %lt3A_1065 : vector<16xi1>
      %add3A_1067 = arith.constant 6 : i32
      %add3A_1068 = arith.addi %add3A_894, %add3A_1067 : i32
      %and3A_1069 = arith.constant 7 : i32
      %and3A_1070 = arith.andi %add3A_1068, %and3A_1069 : i32
      %mul3A_1071 = arith.constant 16 : i32
      %mul3A_1072 = arith.muli %and3A_1070, %mul3A_1071 : i32
      %add3A_1073 = arith.constant 5120 : i32
      %add3A_1074 = arith.addi %add3A_1073, %mul3A_1072 : i32
      %add3A_1075 = vector.broadcast %add3A_1074 : i32 to vector<16xi32>
      %add3A_1076 = arith.addi %add3A_1075, %iota3A : vector<16xi32>
      %sub3A_1077 = vector.broadcast %mul3A_0 : i32 to vector<16xi32>
      %sub3A_1078 = arith.subi %get3A_1059, %sub3A_1077 : vector<16xi32>
      %select_n3A_1079 = arith.select %and3A_1066, %sub3A_1078, %add3A_1076 : vector<16xi1>, vector<16xi32>
      %swap3A_1080 = arith.constant 96 : index
      %swap3A_1081 = tpu.vector_load %arg19[%swap3A_1080] {strides = array<i32>} : memref<128xi32, #tpu.memory_space<vmem>>, vector<16xi32>,
      %swap3A_1082 = vector.shape_cast %swap3A_1081 : vector<16xi32> to vector<16xi32>
      %swap3A_1083 = vector.shape_cast %select_n3A_1079 : vector<16xi32> to vector<16xi32>
      tpu.vector_store %arg19[%swap3A_1080], %swap3A_1083 {strides = array<i32>} : memref<128xi32, #tpu.memory_space<vmem>>, vector<16xi32>,
      %get3A_1084 = arith.constant 112 : index
      %get3A_1085 = tpu.vector_load %arg15[%get3A_1084] {strides = array<i32>} : memref<128xi32, #tpu.memory_space<vmem>>, vector<16xi32>,
      %get3A_1086 = vector.shape_cast %get3A_1085 : vector<16xi32> to vector<16xi32>
      %ge3A_1087 = vector.broadcast %mul3A_0 : i32 to vector<16xi32>
      %ge3A_1088 = arith.cmpi sge, %get3A_1086, %ge3A_1087 : vector<16xi32>
      %add3A_1089 = arith.constant 5000 : i32
      %add3A_1090 = arith.addi %mul3A_0, %add3A_1089 : i32
      %lt3A_1091 = vector.broadcast %add3A_1090 : i32 to vector<16xi32>
      %lt3A_1092 = arith.cmpi slt, %get3A_1086, %lt3A_1091 : vector<16xi32>
      %and3A_1093 = arith.andi %ge3A_1088, %lt3A_1092 : vector<16xi1>
      %add3A_1094 = arith.constant 7 : i32
      %add3A_1095 = arith.addi %add3A_894, %add3A_1094 : i32
      %and3A_1096 = arith.constant 7 : i32
      %and3A_1097 = arith.andi %add3A_1095, %and3A_1096 : i32
      %mul3A_1098 = arith.constant 16 : i32
      %mul3A_1099 = arith.muli %and3A_1097, %mul3A_1098 : i32
      %add3A_1100 = arith.constant 5120 : i32
      %add3A_1101 = arith.addi %add3A_1100, %mul3A_1099 : i32
      %add3A_1102 = vector.broadcast %add3A_1101 : i32 to vector<16xi32>
      %add3A_1103 = arith.addi %add3A_1102, %iota3A : vector<16xi32>
      %sub3A_1104 = vector.broadcast %mul3A_0 : i32 to vector<16xi32>
      %sub3A_1105 = arith.subi %get3A_1086, %sub3A_1104 : vector<16xi32>
      %select_n3A_1106 = arith.select %and3A_1093, %sub3A_1105, %add3A_1103 : vector<16xi1>, vector<16xi32>
      %swap3A_1107 = arith.constant 112 : index
      %swap3A_1108 = tpu.vector_load %arg19[%swap3A_1107] {strides = array<i32>} : memref<128xi32, #tpu.memory_space<vmem>>, vector<16xi32>,
      %swap3A_1109 = vector.shape_cast %swap3A_1108 : vector<16xi32> to vector<16xi32>
      %swap3A_1110 = vector.shape_cast %select_n3A_1106 : vector<16xi32> to vector<16xi32>
      tpu.vector_store %arg19[%swap3A_1107], %swap3A_1110 {strides = array<i32>} : memref<128xi32, #tpu.memory_space<vmem>>, vector<16xi32>,
      %dma_start3A_1111 = arith.constant 0 : i32
      %dma_start3A_1112 = arith.constant 0 : i32
      %dma_start3A_1113 = tpu.memref_slice %arg25[%dma_start3A_1111, %dma_start3A_1112] : memref<5248x64xf32, #tpu.memory_space<vmem_shared>> -> memref<5248x64xf32, #tpu.memory_space<vmem_shared>>
      tpu.enqueue_indirect_dma source(%dma_start3A_1113 : memref<5248x64xf32, #tpu.memory_space<vmem_shared>>) target(%arg23 : memref<128x64xf32, #tpu.memory_space<vmem>>) offsets(%arg19 : memref<128xi32, #tpu.memory_space<vmem>>) semaphore(%arg38 : memref<!tpu.dma_semaphore, #tpu.memory_space<semaphore_mem>>)
      %dma_wait3A_1114 = arith.constant 0 : i32
      %dma_wait3A_1115 = arith.constant 0 : i32
      %dma_wait3A_1116 = tpu.memref_slice %arg25[%dma_wait3A_1114, %dma_wait3A_1115] : memref<5248x64xf32, #tpu.memory_space<vmem_shared>> -> memref<5248x64xf32, #tpu.memory_space<vmem_shared>>
      tpu.wait_indirect_dma semaphore(%arg35 : memref<!tpu.dma_semaphore, #tpu.memory_space<semaphore_mem>>) src(%dma_wait3A_1116 : memref<5248x64xf32, #tpu.memory_space<vmem_shared>>) dst(%arg20 : memref<128x64xf32, #tpu.memory_space<vmem>>)
      %dma_start3A_1117 = arith.constant 0 : i32
      %dma_start3A_1118 = arith.constant 0 : i32
      %dma_start3A_1119 = tpu.memref_slice %arg26[%dma_start3A_1117, %dma_start3A_1118] : memref<2048x64xf32, #tpu.memory_space<vmem_shared>> -> memref<2048x64xf32, #tpu.memory_space<vmem_shared>>
      tpu.enqueue_indirect_dma source(%arg20 : memref<128x64xf32, #tpu.memory_space<vmem>>) target(%dma_start3A_1119 : memref<2048x64xf32, #tpu.memory_space<vmem_shared>>) offsets(%arg8 : memref<128xi32, #tpu.memory_space<vmem>>) semaphore(%arg39 : memref<!tpu.dma_semaphore, #tpu.memory_space<semaphore_mem>>) {add = true}
      %dma_wait3A_1120 = arith.constant 0 : i32
      %dma_wait3A_1121 = arith.constant 0 : i32
      %dma_wait3A_1122 = tpu.memref_slice %arg25[%dma_wait3A_1120, %dma_wait3A_1121] : memref<5248x64xf32, #tpu.memory_space<vmem_shared>> -> memref<5248x64xf32, #tpu.memory_space<vmem_shared>>
      tpu.wait_indirect_dma semaphore(%arg36 : memref<!tpu.dma_semaphore, #tpu.memory_space<semaphore_mem>>) src(%dma_wait3A_1122 : memref<5248x64xf32, #tpu.memory_space<vmem_shared>>) dst(%arg21 : memref<128x64xf32, #tpu.memory_space<vmem>>)
      %dma_start3A_1123 = arith.constant 0 : i32
      %dma_start3A_1124 = arith.constant 0 : i32
      %dma_start3A_1125 = tpu.memref_slice %arg26[%dma_start3A_1123, %dma_start3A_1124] : memref<2048x64xf32, #tpu.memory_space<vmem_shared>> -> memref<2048x64xf32, #tpu.memory_space<vmem_shared>>
      tpu.enqueue_indirect_dma source(%arg21 : memref<128x64xf32, #tpu.memory_space<vmem>>) target(%dma_start3A_1125 : memref<2048x64xf32, #tpu.memory_space<vmem_shared>>) offsets(%arg9 : memref<128xi32, #tpu.memory_space<vmem>>) semaphore(%arg40 : memref<!tpu.dma_semaphore, #tpu.memory_space<semaphore_mem>>) {add = true}
      %dma_wait3A_1126 = arith.constant 0 : i32
      %dma_wait3A_1127 = arith.constant 0 : i32
      %dma_wait3A_1128 = tpu.memref_slice %arg25[%dma_wait3A_1126, %dma_wait3A_1127] : memref<5248x64xf32, #tpu.memory_space<vmem_shared>> -> memref<5248x64xf32, #tpu.memory_space<vmem_shared>>
      tpu.wait_indirect_dma semaphore(%arg37 : memref<!tpu.dma_semaphore, #tpu.memory_space<semaphore_mem>>) src(%dma_wait3A_1128 : memref<5248x64xf32, #tpu.memory_space<vmem_shared>>) dst(%arg22 : memref<128x64xf32, #tpu.memory_space<vmem>>)
      %dma_start3A_1129 = arith.constant 0 : i32
      %dma_start3A_1130 = arith.constant 0 : i32
      %dma_start3A_1131 = tpu.memref_slice %arg26[%dma_start3A_1129, %dma_start3A_1130] : memref<2048x64xf32, #tpu.memory_space<vmem_shared>> -> memref<2048x64xf32, #tpu.memory_space<vmem_shared>>
      tpu.enqueue_indirect_dma source(%arg22 : memref<128x64xf32, #tpu.memory_space<vmem>>) target(%dma_start3A_1131 : memref<2048x64xf32, #tpu.memory_space<vmem_shared>>) offsets(%arg10 : memref<128xi32, #tpu.memory_space<vmem>>) semaphore(%arg41 : memref<!tpu.dma_semaphore, #tpu.memory_space<semaphore_mem>>) {add = true}
      %dma_wait3A_1132 = arith.constant 0 : i32
      %dma_wait3A_1133 = arith.constant 0 : i32
      %dma_wait3A_1134 = tpu.memref_slice %arg25[%dma_wait3A_1132, %dma_wait3A_1133] : memref<5248x64xf32, #tpu.memory_space<vmem_shared>> -> memref<5248x64xf32, #tpu.memory_space<vmem_shared>>
      tpu.wait_indirect_dma semaphore(%arg38 : memref<!tpu.dma_semaphore, #tpu.memory_space<semaphore_mem>>) src(%dma_wait3A_1134 : memref<5248x64xf32, #tpu.memory_space<vmem_shared>>) dst(%arg23 : memref<128x64xf32, #tpu.memory_space<vmem>>)
      %dma_start3A_1135 = arith.constant 0 : i32
      %dma_start3A_1136 = arith.constant 0 : i32
      %dma_start3A_1137 = tpu.memref_slice %arg26[%dma_start3A_1135, %dma_start3A_1136] : memref<2048x64xf32, #tpu.memory_space<vmem_shared>> -> memref<2048x64xf32, #tpu.memory_space<vmem_shared>>
      tpu.enqueue_indirect_dma source(%arg23 : memref<128x64xf32, #tpu.memory_space<vmem>>) target(%dma_start3A_1137 : memref<2048x64xf32, #tpu.memory_space<vmem_shared>>) offsets(%arg11 : memref<128xi32, #tpu.memory_space<vmem>>) semaphore(%arg42 : memref<!tpu.dma_semaphore, #tpu.memory_space<semaphore_mem>>) {add = true}
      %dma_wait3A_1138 = arith.constant 0 : i32
      %dma_wait3A_1139 = arith.constant 0 : i32
      %dma_wait3A_1140 = tpu.memref_slice %arg26[%dma_wait3A_1138, %dma_wait3A_1139] : memref<2048x64xf32, #tpu.memory_space<vmem_shared>> -> memref<2048x64xf32, #tpu.memory_space<vmem_shared>>
      tpu.wait_indirect_dma semaphore(%arg39 : memref<!tpu.dma_semaphore, #tpu.memory_space<semaphore_mem>>) src(%arg20 : memref<128x64xf32, #tpu.memory_space<vmem>>) dst(%dma_wait3A_1140 : memref<2048x64xf32, #tpu.memory_space<vmem_shared>>)
      %dma_wait3A_1141 = arith.constant 0 : i32
      %dma_wait3A_1142 = arith.constant 0 : i32
      %dma_wait3A_1143 = tpu.memref_slice %arg26[%dma_wait3A_1141, %dma_wait3A_1142] : memref<2048x64xf32, #tpu.memory_space<vmem_shared>> -> memref<2048x64xf32, #tpu.memory_space<vmem_shared>>
      tpu.wait_indirect_dma semaphore(%arg40 : memref<!tpu.dma_semaphore, #tpu.memory_space<semaphore_mem>>) src(%arg21 : memref<128x64xf32, #tpu.memory_space<vmem>>) dst(%dma_wait3A_1143 : memref<2048x64xf32, #tpu.memory_space<vmem_shared>>)
      %dma_wait3A_1144 = arith.constant 0 : i32
      %dma_wait3A_1145 = arith.constant 0 : i32
      %dma_wait3A_1146 = tpu.memref_slice %arg26[%dma_wait3A_1144, %dma_wait3A_1145] : memref<2048x64xf32, #tpu.memory_space<vmem_shared>> -> memref<2048x64xf32, #tpu.memory_space<vmem_shared>>
      tpu.wait_indirect_dma semaphore(%arg41 : memref<!tpu.dma_semaphore, #tpu.memory_space<semaphore_mem>>) src(%arg22 : memref<128x64xf32, #tpu.memory_space<vmem>>) dst(%dma_wait3A_1146 : memref<2048x64xf32, #tpu.memory_space<vmem_shared>>)
      %dma_wait3A_1147 = arith.constant 0 : i32
      %dma_wait3A_1148 = arith.constant 0 : i32
      %dma_wait3A_1149 = tpu.memref_slice %arg26[%dma_wait3A_1147, %dma_wait3A_1148] : memref<2048x64xf32, #tpu.memory_space<vmem_shared>> -> memref<2048x64xf32, #tpu.memory_space<vmem_shared>>
      tpu.wait_indirect_dma semaphore(%arg42 : memref<!tpu.dma_semaphore, #tpu.memory_space<semaphore_mem>>) src(%arg23 : memref<128x64xf32, #tpu.memory_space<vmem>>) dst(%dma_wait3A_1149 : memref<2048x64xf32, #tpu.memory_space<vmem_shared>>)
    }
    %scan3A_106 = arith.constant 39 : i32
    %add3A_107 = arith.constant 19968 : i32
    %add3A_108 = arith.addi %mul3A_2, %add3A_107 : i32
    "tpu.region"() ({
      %run_scoped3A = tpu.sem_alloc : memref<!tpu.dma_semaphore, #tpu.memory_space<semaphore_mem>>
      %dma_start3A_175 = tpu.memref_slice %arg5[%add3A_108] : memref<320000xi32, #tpu.memory_space<hbm>> -> memref<32xi32, #tpu.memory_space<hbm>>
      %dma_start3A_176 = tpu.memref_slice %arg5[%add3A_108] : memref<320000xi32, #tpu.memory_space<hbm>> -> memref<32xi32, #tpu.memory_space<hbm>>
      tpu.enqueue_dma source(%dma_start3A_176 : memref<32xi32, #tpu.memory_space<hbm>>) target(%arg44 : memref<32xi32, #tpu.memory_space<vmem>>) target_semaphore(%run_scoped3A : memref<!tpu.dma_semaphore, #tpu.memory_space<semaphore_mem>>)
      %dma_wait3A_177 = tpu.memref_slice %arg5[%add3A_108] : memref<320000xi32, #tpu.memory_space<hbm>> -> memref<32xi32, #tpu.memory_space<hbm>>
      %dma_wait3A_178 = tpu.memref_slice %arg5[%add3A_108] : memref<320000xi32, #tpu.memory_space<hbm>> -> memref<32xi32, #tpu.memory_space<hbm>>
      tpu.wait_dma2 semaphore(%run_scoped3A : memref<!tpu.dma_semaphore, #tpu.memory_space<semaphore_mem>>) src(%dma_wait3A_178 : memref<32xi32, #tpu.memory_space<hbm>>) dst(%arg44 : memref<32xi32, #tpu.memory_space<vmem>>)
      tpu.yield
    }) : () -> ()
    %get3A_109 = arith.constant 0 : index
    %get3A_110 = tpu.vector_load %arg44[%get3A_109] {strides = array<i32>} : memref<32xi32, #tpu.memory_space<vmem>>, vector<16xi32>,
    %get3A_111 = vector.shape_cast %get3A_110 : vector<16xi32> to vector<16xi32>
    %ge3A_112 = vector.broadcast %mul3A_0 : i32 to vector<16xi32>
    %ge3A_113 = arith.cmpi sge, %get3A_111, %ge3A_112 : vector<16xi32>
    %add3A_114 = arith.constant 5000 : i32
    %add3A_115 = arith.addi %mul3A_0, %add3A_114 : i32
    %lt3A_116 = vector.broadcast %add3A_115 : i32 to vector<16xi32>
    %lt3A_117 = arith.cmpi slt, %get3A_111, %lt3A_116 : vector<16xi32>
    %and3A_118 = arith.andi %ge3A_113, %lt3A_117 : vector<16xi1>
    %and3A_119 = arith.constant 156 : i32
    %and3A_120 = arith.constant 7 : i32
    %and3A_121 = arith.andi %and3A_119, %and3A_120 : i32
    %mul3A_122 = arith.constant 16 : i32
    %mul3A_123 = arith.muli %and3A_121, %mul3A_122 : i32
    %add3A_124 = arith.constant 5120 : i32
    %add3A_125 = arith.addi %add3A_124, %mul3A_123 : i32
    %add3A_126 = vector.broadcast %add3A_125 : i32 to vector<16xi32>
    %add3A_127 = arith.addi %add3A_126, %iota3A : vector<16xi32>
    %sub3A_128 = vector.broadcast %mul3A_0 : i32 to vector<16xi32>
    %sub3A_129 = arith.subi %get3A_111, %sub3A_128 : vector<16xi32>
    %select_n3A_130 = arith.select %and3A_118, %sub3A_129, %add3A_127 : vector<16xi1>, vector<16xi32>
    %swap3A_131 = arith.constant 0 : index
    %swap3A_132 = tpu.vector_load %arg44[%swap3A_131] {strides = array<i32>} : memref<32xi32, #tpu.memory_space<vmem>>, vector<16xi32>,
    %swap3A_133 = vector.shape_cast %swap3A_132 : vector<16xi32> to vector<16xi32>
    %swap3A_134 = vector.shape_cast %select_n3A_130 : vector<16xi32> to vector<16xi32>
    tpu.vector_store %arg44[%swap3A_131], %swap3A_134 {strides = array<i32>} : memref<32xi32, #tpu.memory_space<vmem>>, vector<16xi32>,
    %get3A_135 = arith.constant 16 : index
    %get3A_136 = tpu.vector_load %arg44[%get3A_135] {strides = array<i32>} : memref<32xi32, #tpu.memory_space<vmem>>, vector<16xi32>,
    %get3A_137 = vector.shape_cast %get3A_136 : vector<16xi32> to vector<16xi32>
    %ge3A_138 = vector.broadcast %mul3A_0 : i32 to vector<16xi32>
    %ge3A_139 = arith.cmpi sge, %get3A_137, %ge3A_138 : vector<16xi32>
    %add3A_140 = arith.constant 5000 : i32
    %add3A_141 = arith.addi %mul3A_0, %add3A_140 : i32
    %lt3A_142 = vector.broadcast %add3A_141 : i32 to vector<16xi32>
    %lt3A_143 = arith.cmpi slt, %get3A_137, %lt3A_142 : vector<16xi32>
    %and3A_144 = arith.andi %ge3A_139, %lt3A_143 : vector<16xi1>
    %and3A_145 = arith.constant 157 : i32
    %and3A_146 = arith.constant 7 : i32
    %and3A_147 = arith.andi %and3A_145, %and3A_146 : i32
    %mul3A_148 = arith.constant 16 : i32
    %mul3A_149 = arith.muli %and3A_147, %mul3A_148 : i32
    %add3A_150 = arith.constant 5120 : i32
    %add3A_151 = arith.addi %add3A_150, %mul3A_149 : i32
    %add3A_152 = vector.broadcast %add3A_151 : i32 to vector<16xi32>
    %add3A_153 = arith.addi %add3A_152, %iota3A : vector<16xi32>
    %sub3A_154 = vector.broadcast %mul3A_0 : i32 to vector<16xi32>
    %sub3A_155 = arith.subi %get3A_137, %sub3A_154 : vector<16xi32>
    %select_n3A_156 = arith.select %and3A_144, %sub3A_155, %add3A_153 : vector<16xi1>, vector<16xi32>
    %swap3A_157 = arith.constant 16 : index
    %swap3A_158 = tpu.vector_load %arg44[%swap3A_157] {strides = array<i32>} : memref<32xi32, #tpu.memory_space<vmem>>, vector<16xi32>,
    %swap3A_159 = vector.shape_cast %swap3A_158 : vector<16xi32> to vector<16xi32>
    %swap3A_160 = vector.shape_cast %select_n3A_156 : vector<16xi32> to vector<16xi32>
    tpu.vector_store %arg44[%swap3A_157], %swap3A_160 {strides = array<i32>} : memref<32xi32, #tpu.memory_space<vmem>>, vector<16xi32>,
    %dma_start3A_161 = arith.constant 0 : i32
    %dma_start3A_162 = arith.constant 0 : i32
    %dma_start3A_163 = tpu.memref_slice %arg25[%dma_start3A_161, %dma_start3A_162] : memref<5248x64xf32, #tpu.memory_space<vmem_shared>> -> memref<5248x64xf32, #tpu.memory_space<vmem_shared>>
    tpu.enqueue_indirect_dma source(%dma_start3A_163 : memref<5248x64xf32, #tpu.memory_space<vmem_shared>>) target(%arg45 : memref<32x64xf32, #tpu.memory_space<vmem>>) offsets(%arg44 : memref<32xi32, #tpu.memory_space<vmem>>) semaphore(%arg43 : memref<!tpu.dma_semaphore, #tpu.memory_space<semaphore_mem>>)
    %dma_wait3A_164 = arith.constant 0 : i32
    %dma_wait3A_165 = arith.constant 0 : i32
    %dma_wait3A_166 = tpu.memref_slice %arg25[%dma_wait3A_164, %dma_wait3A_165] : memref<5248x64xf32, #tpu.memory_space<vmem_shared>> -> memref<5248x64xf32, #tpu.memory_space<vmem_shared>>
    tpu.wait_indirect_dma semaphore(%arg43 : memref<!tpu.dma_semaphore, #tpu.memory_space<semaphore_mem>>) src(%dma_wait3A_166 : memref<5248x64xf32, #tpu.memory_space<vmem_shared>>) dst(%arg45 : memref<32x64xf32, #tpu.memory_space<vmem>>)
    "tpu.region"() ({
      %run_scoped3A = tpu.sem_alloc : memref<!tpu.dma_semaphore, #tpu.memory_space<semaphore_mem>>
      %dma_start3A_175 = tpu.memref_slice %arg4[%add3A_108] : memref<320000xi32, #tpu.memory_space<hbm>> -> memref<32xi32, #tpu.memory_space<hbm>>
      %dma_start3A_176 = tpu.memref_slice %arg4[%add3A_108] : memref<320000xi32, #tpu.memory_space<hbm>> -> memref<32xi32, #tpu.memory_space<hbm>>
      tpu.enqueue_dma source(%dma_start3A_176 : memref<32xi32, #tpu.memory_space<hbm>>) target(%arg44 : memref<32xi32, #tpu.memory_space<vmem>>) target_semaphore(%run_scoped3A : memref<!tpu.dma_semaphore, #tpu.memory_space<semaphore_mem>>)
      %dma_wait3A_177 = tpu.memref_slice %arg4[%add3A_108] : memref<320000xi32, #tpu.memory_space<hbm>> -> memref<32xi32, #tpu.memory_space<hbm>>
      %dma_wait3A_178 = tpu.memref_slice %arg4[%add3A_108] : memref<320000xi32, #tpu.memory_space<hbm>> -> memref<32xi32, #tpu.memory_space<hbm>>
      tpu.wait_dma2 semaphore(%run_scoped3A : memref<!tpu.dma_semaphore, #tpu.memory_space<semaphore_mem>>) src(%dma_wait3A_178 : memref<32xi32, #tpu.memory_space<hbm>>) dst(%arg44 : memref<32xi32, #tpu.memory_space<vmem>>)
      tpu.yield
    }) : () -> ()
    "tpu.region"() ({
      %run_scoped3A = tpu.sem_alloc : memref<!tpu.dma_semaphore, #tpu.memory_space<semaphore_mem>>
      %dma_start3A_175 = arith.constant 0 : i32
      %dma_start3A_176 = arith.constant 0 : i32
      %dma_start3A_177 = tpu.memref_slice %arg26[%dma_start3A_175, %dma_start3A_176] : memref<2048x64xf32, #tpu.memory_space<vmem_shared>> -> memref<2048x64xf32, #tpu.memory_space<vmem_shared>>
      tpu.enqueue_indirect_dma source(%arg45 : memref<32x64xf32, #tpu.memory_space<vmem>>) target(%dma_start3A_177 : memref<2048x64xf32, #tpu.memory_space<vmem_shared>>) offsets(%arg44 : memref<32xi32, #tpu.memory_space<vmem>>) semaphore(%run_scoped3A : memref<!tpu.dma_semaphore, #tpu.memory_space<semaphore_mem>>) {add = true}
      %dma_wait3A_178 = arith.constant 0 : i32
      %dma_wait3A_179 = arith.constant 0 : i32
      %dma_wait3A_180 = tpu.memref_slice %arg26[%dma_wait3A_178, %dma_wait3A_179] : memref<2048x64xf32, #tpu.memory_space<vmem_shared>> -> memref<2048x64xf32, #tpu.memory_space<vmem_shared>>
      tpu.wait_indirect_dma semaphore(%run_scoped3A : memref<!tpu.dma_semaphore, #tpu.memory_space<semaphore_mem>>) src(%arg45 : memref<32x64xf32, #tpu.memory_space<vmem>>) dst(%dma_wait3A_180 : memref<2048x64xf32, #tpu.memory_space<vmem_shared>>)
      tpu.yield
    }) : () -> ()
    %barrier3A_167 = arith.constant 0 : index
    tpu.barrier barrier_id(%barrier3A_167)
    %mul3A_168 = arith.constant 128 : i32
    %mul3A_169 = arith.muli %arg1, %mul3A_168 : i32
    %mul3A_170 = arith.constant 2048 : i32
    %mul3A_171 = arith.muli %arg0, %mul3A_170 : i32
    %mul3A_172 = arith.constant 128 : i32
    %mul3A_173 = arith.muli %arg1, %mul3A_172 : i32
    %add3A_174 = arith.addi %mul3A_171, %mul3A_173 : i32
    "tpu.region"() ({
      %run_scoped3A = tpu.sem_alloc : memref<!tpu.dma_semaphore, #tpu.memory_space<semaphore_mem>>
      %dma_start3A_175 = arith.constant 0 : i32
      %dma_start3A_176 = tpu.memref_slice %arg7[%add3A_174, %dma_start3A_175] : memref<4096x64xf32, #tpu.memory_space<hbm>> -> memref<128x64xf32, #tpu.memory_space<hbm>>
      %dma_start3A_177 = arith.constant 0 : i32
      %dma_start3A_178 = tpu.memref_slice %arg26[%mul3A_169, %dma_start3A_177] : memref<2048x64xf32, #tpu.memory_space<vmem_shared>> -> memref<128x64xf32, #tpu.memory_space<vmem_shared>>
      tpu.enqueue_dma source(%dma_start3A_178 : memref<128x64xf32, #tpu.memory_space<vmem_shared>>) target(%dma_start3A_176 : memref<128x64xf32, #tpu.memory_space<hbm>>) target_semaphore(%run_scoped3A : memref<!tpu.dma_semaphore, #tpu.memory_space<semaphore_mem>>)
      %dma_wait3A_179 = arith.constant 0 : i32
      %dma_wait3A_180 = tpu.memref_slice %arg7[%add3A_174, %dma_wait3A_179] : memref<4096x64xf32, #tpu.memory_space<hbm>> -> memref<128x64xf32, #tpu.memory_space<hbm>>
      %dma_wait3A_181 = arith.constant 0 : i32
      %dma_wait3A_182 = tpu.memref_slice %arg26[%mul3A_169, %dma_wait3A_181] : memref<2048x64xf32, #tpu.memory_space<vmem_shared>> -> memref<128x64xf32, #tpu.memory_space<vmem_shared>>
      tpu.wait_dma2 semaphore(%run_scoped3A : memref<!tpu.dma_semaphore, #tpu.memory_space<semaphore_mem>>) src(%dma_wait3A_182 : memref<128x64xf32, #tpu.memory_space<vmem_shared>>) dst(%dma_wait3A_180 : memref<128x64xf32, #tpu.memory_space<hbm>>)
      tpu.yield
    }) : () -> ()
    return
  }
}

module attributes {stable_mosaic.version = 14 : i64} {
  func.func @pre_body(%arg0: memref<10000x128xf32, #tpu.memory_space<vmem>>, %arg1: memref<2000x128xf32, #tpu.memory_space<vmem>>, %arg2: memref<10000x32xf32, #tpu.memory_space<vmem>>, %arg3: memref<2000x32xf32, #tpu.memory_space<vmem>>, %arg4: memref<128x64xf32, #tpu.memory_space<vmem>>, %arg5: memref<64x32xf32, #tpu.memory_space<vmem>>, %arg6: memref<1x64xf32, #tpu.memory_space<vmem>>, %arg7: memref<64x32xf32, #tpu.memory_space<vmem>>, %arg8: memref<1x64xf32, #tpu.memory_space<vmem>>, %arg9: memref<10120x64xf32, #tpu.memory_space<vmem>>, %arg10: memref<2048x64xf32, #tpu.memory_space<vmem>>, %arg11: memref<10000x64xf32, #tpu.memory_space<vmem>>, %arg12: memref<2000x64xf32, #tpu.memory_space<vmem>>) attributes {dimension_semantics = [], scalar_prefetch = 0 : i64, scratch_operands = 0 : i64, tpu.core_type = #tpu.core_type<tc>} {
    %get3A = arith.constant 0 : index
    %get3A_0 = arith.constant 0 : index
    %get3A_1 = vector.load %arg0[%get3A, %get3A_0] : memref<10000x128xf32, #tpu.memory_space<vmem>>, vector<10000x128xf32>
    %get3A_2 = arith.constant 0 : index
    %get3A_3 = arith.constant 0 : index
    %get3A_4 = vector.load %arg4[%get3A_2, %get3A_3] : memref<128x64xf32, #tpu.memory_space<vmem>>, vector<128x64xf32>
    %dot_general3A = arith.constant dense<0.000000e+00> : vector<10000x64xf32>
    %dot_general3A_5 = tpu.matmul %get3A_1, %get3A_4, %dot_general3A {dimension_numbers = #tpu.dot_dimension_numbers<[1], [0], [0], [1], [0, 0, 1, 1], [], []>, transpose_lhs_hint = false} : vector<10000x128xf32>, vector<128x64xf32>, vector<10000x64xf32> -> vector<10000x64xf32>
    %swap3A = arith.constant 0 : index
    %swap3A_6 = arith.constant 0 : index
    %swap3A_7 = vector.load %arg9[%swap3A, %swap3A_6] : memref<10120x64xf32, #tpu.memory_space<vmem>>, vector<10000x64xf32>
    tpu.vector_store %arg9[%swap3A, %swap3A_6], %dot_general3A_5 {strides = array<i32>} : memref<10120x64xf32, #tpu.memory_space<vmem>>, vector<10000x64xf32>,
    %get3A_8 = arith.constant 0 : index
    %get3A_9 = arith.constant 0 : index
    %get3A_10 = vector.load %arg1[%get3A_8, %get3A_9] : memref<2000x128xf32, #tpu.memory_space<vmem>>, vector<2000x128xf32>
    %get3A_11 = arith.constant 0 : index
    %get3A_12 = arith.constant 0 : index
    %get3A_13 = vector.load %arg4[%get3A_11, %get3A_12] : memref<128x64xf32, #tpu.memory_space<vmem>>, vector<128x64xf32>
    %dot_general3A_14 = arith.constant dense<0.000000e+00> : vector<2000x64xf32>
    %dot_general3A_15 = tpu.matmul %get3A_10, %get3A_13, %dot_general3A_14 {dimension_numbers = #tpu.dot_dimension_numbers<[1], [0], [0], [1], [0, 0, 1, 1], [], []>, transpose_lhs_hint = false} : vector<2000x128xf32>, vector<128x64xf32>, vector<2000x64xf32> -> vector<2000x64xf32>
    %swap3A_16 = arith.constant 0 : index
    %swap3A_17 = arith.constant 0 : index
    %swap3A_18 = vector.load %arg10[%swap3A_16, %swap3A_17] : memref<2048x64xf32, #tpu.memory_space<vmem>>, vector<2000x64xf32>
    tpu.vector_store %arg10[%swap3A_16, %swap3A_17], %dot_general3A_15 {strides = array<i32>} : memref<2048x64xf32, #tpu.memory_space<vmem>>, vector<2000x64xf32>,
    %get3A_19 = arith.constant 0 : index
    %get3A_20 = arith.constant 0 : index
    %get3A_21 = vector.load %arg2[%get3A_19, %get3A_20] : memref<10000x32xf32, #tpu.memory_space<vmem>>, vector<10000x32xf32>
    %get3A_22 = arith.constant 0 : index
    %get3A_23 = arith.constant 0 : index
    %get3A_24 = vector.load %arg5[%get3A_22, %get3A_23] : memref<64x32xf32, #tpu.memory_space<vmem>>, vector<64x32xf32>
    %dot_general3A_25 = arith.constant dense<0.000000e+00> : vector<10000x64xf32>
    %dot_general3A_26 = tpu.matmul %get3A_21, %get3A_24, %dot_general3A_25 {dimension_numbers = #tpu.dot_dimension_numbers<[1], [1], [0], [0], [0, 0, 1, 0], [], []>, transpose_lhs_hint = false} : vector<10000x32xf32>, vector<64x32xf32>, vector<10000x64xf32> -> vector<10000x64xf32>
    %get3A_27 = arith.constant 0 : index
    %get3A_28 = arith.constant 0 : index
    %get3A_29 = vector.load %arg6[%get3A_27, %get3A_28] : memref<1x64xf32, #tpu.memory_space<vmem>>, vector<1x64xf32>
    %add3A = vector.broadcast %get3A_29 : vector<1x64xf32> to vector<10000x64xf32>
    %add3A_30 = arith.addf %dot_general3A_26, %add3A : vector<10000x64xf32>
    %max3A = arith.constant 0.000000e+00 : f32
    %max3A_31 = vector.broadcast %max3A : f32 to vector<10000x64xf32>
    %max3A_32 = arith.maximumf %add3A_30, %max3A_31 : vector<10000x64xf32>
    %swap3A_33 = arith.constant 0 : index
    %swap3A_34 = arith.constant 0 : index
    %swap3A_35 = vector.load %arg11[%swap3A_33, %swap3A_34] : memref<10000x64xf32, #tpu.memory_space<vmem>>, vector<10000x64xf32>
    tpu.vector_store %arg11[%swap3A_33, %swap3A_34], %max3A_32 {strides = array<i32>} : memref<10000x64xf32, #tpu.memory_space<vmem>>, vector<10000x64xf32>,
    %get3A_36 = arith.constant 0 : index
    %get3A_37 = arith.constant 0 : index
    %get3A_38 = vector.load %arg3[%get3A_36, %get3A_37] : memref<2000x32xf32, #tpu.memory_space<vmem>>, vector<2000x32xf32>
    %get3A_39 = arith.constant 0 : index
    %get3A_40 = arith.constant 0 : index
    %get3A_41 = vector.load %arg7[%get3A_39, %get3A_40] : memref<64x32xf32, #tpu.memory_space<vmem>>, vector<64x32xf32>
    %dot_general3A_42 = arith.constant dense<0.000000e+00> : vector<2000x64xf32>
    %dot_general3A_43 = tpu.matmul %get3A_38, %get3A_41, %dot_general3A_42 {dimension_numbers = #tpu.dot_dimension_numbers<[1], [1], [0], [0], [0, 0, 1, 0], [], []>, transpose_lhs_hint = false} : vector<2000x32xf32>, vector<64x32xf32>, vector<2000x64xf32> -> vector<2000x64xf32>
    %get3A_44 = arith.constant 0 : index
    %get3A_45 = arith.constant 0 : index
    %get3A_46 = vector.load %arg8[%get3A_44, %get3A_45] : memref<1x64xf32, #tpu.memory_space<vmem>>, vector<1x64xf32>
    %add3A_47 = vector.broadcast %get3A_46 : vector<1x64xf32> to vector<2000x64xf32>
    %add3A_48 = arith.addf %dot_general3A_43, %add3A_47 : vector<2000x64xf32>
    %max3A_49 = arith.constant 0.000000e+00 : f32
    %max3A_50 = vector.broadcast %max3A_49 : f32 to vector<2000x64xf32>
    %max3A_51 = arith.maximumf %add3A_48, %max3A_50 : vector<2000x64xf32>
    %swap3A_52 = arith.constant 0 : index
    %swap3A_53 = arith.constant 0 : index
    %swap3A_54 = vector.load %arg12[%swap3A_52, %swap3A_53] : memref<2000x64xf32, #tpu.memory_space<vmem>>, vector<2000x64xf32>
    tpu.vector_store %arg12[%swap3A_52, %swap3A_53], %max3A_51 {strides = array<i32>} : memref<2000x64xf32, #tpu.memory_space<vmem>>, vector<2000x64xf32>,
    return
  }
}

module attributes {stable_mosaic.version = 14 : i64} {
  func.func @post_body(%arg0: memref<10240x64xf32, #tpu.memory_space<vmem>>, %arg1: memref<4096x64xf32, #tpu.memory_space<vmem>>, %arg2: memref<10000x64xf32, #tpu.memory_space<vmem>>, %arg3: memref<2000x64xf32, #tpu.memory_space<vmem>>, %arg4: memref<64x128xf32, #tpu.memory_space<vmem>>, %arg5: memref<64x128xf32, #tpu.memory_space<vmem>>, %arg6: memref<64x64xf32, #tpu.memory_space<vmem>>, %arg7: memref<10000x64xf32, #tpu.memory_space<vmem>>, %arg8: memref<2000x64xf32, #tpu.memory_space<vmem>>) attributes {dimension_semantics = [], scalar_prefetch = 0 : i64, scratch_operands = 0 : i64, tpu.core_type = #tpu.core_type<tc>} {
    %get3A = arith.constant 0 : index
    %get3A_0 = arith.constant 0 : index
    %get3A_1 = vector.load %arg0[%get3A, %get3A_0] : memref<10240x64xf32, #tpu.memory_space<vmem>>, vector<5000x64xf32>
    %get3A_2 = arith.constant 5120 : index
    %get3A_3 = arith.constant 0 : index
    %get3A_4 = vector.load %arg0[%get3A_2, %get3A_3] : memref<10240x64xf32, #tpu.memory_space<vmem>>, vector<5000x64xf32>
    %concatenate3A = tpu.concatenate %get3A_1, %get3A_4 in 0 : vector<5000x64xf32>, vector<5000x64xf32> -> vector<10000x64xf32>
    %max3A = arith.constant 0.000000e+00 : f32
    %max3A_5 = vector.broadcast %max3A : f32 to vector<10000x64xf32>
    %max3A_6 = arith.maximumf %concatenate3A, %max3A_5 : vector<10000x64xf32>
    %get3A_7 = arith.constant 0 : index
    %get3A_8 = arith.constant 0 : index
    %get3A_9 = vector.load %arg1[%get3A_7, %get3A_8] : memref<4096x64xf32, #tpu.memory_space<vmem>>, vector<2000x64xf32>
    %get3A_10 = arith.constant 2048 : index
    %get3A_11 = arith.constant 0 : index
    %get3A_12 = vector.load %arg1[%get3A_10, %get3A_11] : memref<4096x64xf32, #tpu.memory_space<vmem>>, vector<2000x64xf32>
    %add3A = arith.addf %get3A_9, %get3A_12 : vector<2000x64xf32>
    %max3A_13 = arith.constant 0.000000e+00 : f32
    %max3A_14 = vector.broadcast %max3A_13 : f32 to vector<2000x64xf32>
    %max3A_15 = arith.maximumf %add3A, %max3A_14 : vector<2000x64xf32>
    %get3A_16 = arith.constant 0 : index
    %get3A_17 = arith.constant 0 : index
    %get3A_18 = vector.load %arg4[%get3A_16, %get3A_17] : memref<64x128xf32, #tpu.memory_space<vmem>>, vector<64x64xf32>
    %get3A_19 = arith.constant 0 : index
    %get3A_20 = arith.constant 64 : index
    %get3A_21 = vector.load %arg4[%get3A_19, %get3A_20] : memref<64x128xf32, #tpu.memory_space<vmem>>, vector<64x64xf32>
    %get3A_22 = arith.constant 0 : index
    %get3A_23 = arith.constant 0 : index
    %get3A_24 = vector.load %arg5[%get3A_22, %get3A_23] : memref<64x128xf32, #tpu.memory_space<vmem>>, vector<64x64xf32>
    %get3A_25 = arith.constant 0 : index
    %get3A_26 = arith.constant 64 : index
    %get3A_27 = vector.load %arg5[%get3A_25, %get3A_26] : memref<64x128xf32, #tpu.memory_space<vmem>>, vector<64x64xf32>
    %dot_general3A = arith.constant dense<0.000000e+00> : vector<10000x64xf32>
    %dot_general3A_28 = tpu.matmul %max3A_6, %get3A_18, %dot_general3A {dimension_numbers = #tpu.dot_dimension_numbers<[1], [1], [0], [0], [0, 0, 1, 0], [], []>, transpose_lhs_hint = false} : vector<10000x64xf32>, vector<64x64xf32>, vector<10000x64xf32> -> vector<10000x64xf32>
    %get3A_29 = arith.constant 0 : index
    %get3A_30 = arith.constant 0 : index
    %get3A_31 = vector.load %arg2[%get3A_29, %get3A_30] : memref<10000x64xf32, #tpu.memory_space<vmem>>, vector<10000x64xf32>
    %dot_general3A_32 = arith.constant dense<0.000000e+00> : vector<10000x64xf32>
    %dot_general3A_33 = tpu.matmul %get3A_31, %get3A_21, %dot_general3A_32 {dimension_numbers = #tpu.dot_dimension_numbers<[1], [1], [0], [0], [0, 0, 1, 0], [], []>, transpose_lhs_hint = false} : vector<10000x64xf32>, vector<64x64xf32>, vector<10000x64xf32> -> vector<10000x64xf32>
    %add3A_34 = arith.addf %dot_general3A_28, %dot_general3A_33 : vector<10000x64xf32>
    %max3A_35 = arith.constant 0.000000e+00 : f32
    %max3A_36 = vector.broadcast %max3A_35 : f32 to vector<10000x64xf32>
    %max3A_37 = arith.maximumf %add3A_34, %max3A_36 : vector<10000x64xf32>
    %dot_general3A_38 = arith.constant dense<0.000000e+00> : vector<2000x64xf32>
    %dot_general3A_39 = tpu.matmul %max3A_15, %get3A_24, %dot_general3A_38 {dimension_numbers = #tpu.dot_dimension_numbers<[1], [1], [0], [0], [0, 0, 1, 0], [], []>, transpose_lhs_hint = false} : vector<2000x64xf32>, vector<64x64xf32>, vector<2000x64xf32> -> vector<2000x64xf32>
    %get3A_40 = arith.constant 0 : index
    %get3A_41 = arith.constant 0 : index
    %get3A_42 = vector.load %arg3[%get3A_40, %get3A_41] : memref<2000x64xf32, #tpu.memory_space<vmem>>, vector<2000x64xf32>
    %dot_general3A_43 = arith.constant dense<0.000000e+00> : vector<2000x64xf32>
    %dot_general3A_44 = tpu.matmul %get3A_42, %get3A_27, %dot_general3A_43 {dimension_numbers = #tpu.dot_dimension_numbers<[1], [1], [0], [0], [0, 0, 1, 0], [], []>, transpose_lhs_hint = false} : vector<2000x64xf32>, vector<64x64xf32>, vector<2000x64xf32> -> vector<2000x64xf32>
    %add3A_45 = arith.addf %dot_general3A_39, %dot_general3A_44 : vector<2000x64xf32>
    %max3A_46 = arith.constant 0.000000e+00 : f32
    %max3A_47 = vector.broadcast %max3A_46 : f32 to vector<2000x64xf32>
    %max3A_48 = arith.maximumf %add3A_45, %max3A_47 : vector<2000x64xf32>
    %swap3A = arith.constant 0 : index
    %swap3A_49 = arith.constant 0 : index
    %swap3A_50 = vector.load %arg8[%swap3A, %swap3A_49] : memref<2000x64xf32, #tpu.memory_space<vmem>>, vector<2000x64xf32>
    tpu.vector_store %arg8[%swap3A, %swap3A_49], %max3A_48 {strides = array<i32>} : memref<2000x64xf32, #tpu.memory_space<vmem>>, vector<2000x64xf32>,
    %get3A_51 = arith.constant 0 : index
    %get3A_52 = arith.constant 0 : index
    %get3A_53 = vector.load %arg6[%get3A_51, %get3A_52] : memref<64x64xf32, #tpu.memory_space<vmem>>, vector<64x64xf32>
    %dot_general3A_54 = arith.constant dense<0.000000e+00> : vector<10000x64xf32>
    %dot_general3A_55 = tpu.matmul %max3A_37, %get3A_53, %dot_general3A_54 {dimension_numbers = #tpu.dot_dimension_numbers<[1], [0], [0], [1], [0, 0, 1, 1], [], []>, transpose_lhs_hint = false} : vector<10000x64xf32>, vector<64x64xf32>, vector<10000x64xf32> -> vector<10000x64xf32>
    %swap3A_56 = arith.constant 0 : index
    %swap3A_57 = arith.constant 0 : index
    %swap3A_58 = vector.load %arg7[%swap3A_56, %swap3A_57] : memref<10000x64xf32, #tpu.memory_space<vmem>>, vector<10000x64xf32>
    tpu.vector_store %arg7[%swap3A_56, %swap3A_57], %dot_general3A_55 {strides = array<i32>} : memref<10000x64xf32, #tpu.memory_space<vmem>>, vector<10000x64xf32>,
    return
  }
}

module attributes {stable_mosaic.version = 14 : i64} {
  func.func @_score_body(%arg0: i32, %arg1: memref<2000x64xf32, #tpu.memory_space<vmem>>, %arg2: memref<1024x64xf32, #tpu.memory_space<vmem>>, %arg3: memref<2000x1024xf32, #tpu.memory_space<vmem>>) attributes {dimension_semantics = [#tpu.dimension_semantics<arbitrary>], iteration_bounds = array<i64: 10>, scalar_prefetch = 0 : i64, scratch_operands = 0 : i64, tpu.core_type = #tpu.core_type<tc>, window_params = [{pipeline_mode = #tpu.pipeline_mode<synchronous>, transform_indices = @transform_0, window_bounds = array<i64: 2000, 64>}, {transform_indices = @transform_1, window_bounds = array<i64: 1024, 64>}, {transform_indices = @transform_2, window_bounds = array<i64: 2000, 1024>}]} {
    %get3A = arith.constant 0 : index
    %get3A_0 = arith.constant 0 : index
    %get3A_1 = vector.load %arg1[%get3A, %get3A_0] : memref<2000x64xf32, #tpu.memory_space<vmem>>, vector<2000x64xf32>
    %get3A_2 = arith.constant 0 : index
    %get3A_3 = arith.constant 0 : index
    %get3A_4 = vector.load %arg2[%get3A_2, %get3A_3] : memref<1024x64xf32, #tpu.memory_space<vmem>>, vector<1024x64xf32>
    %dot_general3A = arith.constant dense<0.000000e+00> : vector<2000x1024xf32>
    %dot_general3A_5 = tpu.matmul %get3A_1, %get3A_4, %dot_general3A {dimension_numbers = #tpu.dot_dimension_numbers<[1], [1], [0], [0], [0, 0, 1, 0], [], []>, transpose_lhs_hint = false} : vector<2000x64xf32>, vector<1024x64xf32>, vector<2000x1024xf32> -> vector<2000x1024xf32>
    %swap3A = arith.constant 0 : index
    %swap3A_6 = arith.constant 0 : index
    %swap3A_7 = vector.load %arg3[%swap3A, %swap3A_6] : memref<2000x1024xf32, #tpu.memory_space<vmem>>, vector<2000x1024xf32>
    tpu.vector_store %arg3[%swap3A, %swap3A_6], %dot_general3A_5 {strides = array<i32>} : memref<2000x1024xf32, #tpu.memory_space<vmem>>, vector<2000x1024xf32>,
    return
  }
  func.func @transform_0(%arg0: i32) -> (i32, i32) {
    %c0_i32 = arith.constant 0 : i32
    %c0_i32_0 = arith.constant 0 : i32
    %c0_i32_1 = arith.constant 0 : i32
    return %c0_i32, %c0_i32_0 : i32, i32
  }
  func.func @transform_1(%arg0: i32) -> (i32, i32) {
    %c0_i32 = arith.constant 0 : i32
    %c0_i32_0 = arith.constant 0 : i32
    return %arg0, %c0_i32 : i32, i32
  }
  func.func @transform_2(%arg0: i32) -> (i32, i32) {
    %c0_i32 = arith.constant 0 : i32
    %c0_i32_0 = arith.constant 0 : i32
    return %c0_i32, %arg0 : i32, i32
  }
}

</mosaic_0001>

<sc_bundles>
// kernel: kernel.6.cloned.1.call-start
scs
__scs_entry_jumppad:
0x0: {  	(pc) =	sbr.rel $0x88, $3  }
0x1: {  	(tag) =	ssettag $0x0;
	lr =	simm.s32 $0x1  }
0x2: {  	[smem:$0x3F93] =	sst lr;
	_ =	strace $0xD0000000  }
0x3: {  	_ = 	snop  }
0x4: {  	_ = 	snop  }
0x5: {  	_ = 	snop  }
0x6: {  	_ = 	snop  }
0x7: {  	_ = 	snop  }
__scs_overlays_trampoline_lowered:
0x8: {  	[smem:$0x3FA2] =	sst s0  }
0x9: {  	[smem:$0x3FA3] =	sst s1  }
0xa: {  	[smem:$0x3FA4] =	sst s2  }
0xb: {  	[smem:$0x3FA5] =	sst s3  }
0xc: {  	[smem:$0x3FA6] =	sst s4  }
0xd: {  	[smem:$0x3FA7] =	sst s5  }
0xe: {  	[smem:$0x3FA8] =	sst s6  }
0xf: {  	[smem:$0x3FA9] =	sst s7  }
0x10: {  	[smem:$0x3FAA] =	sst s8  }
0x11: {  	[smem:$0x3FAB] =	sst s9;
	s0 =	simm.s32 @!p0 $0x0  }
0x12: {  	s1 =	sld [smem:$0x3F91];
	s0 =	simm.s32 @p0 $0x1  }
0x13: {  	[smem:$0x3FAC] =	sst s0;
	s0 =	simm.s32 @!p1 $0x0  }
0x14: {  	s2 =	sld [smem:$0x3F90];
	s0 =	simm.s32 @p1 $0x1  }
0x15: {  	[smem:$0x3FAD] =	sst s0;
	s0 =	simm.s32 @!p2 $0x0  }
0x16: {  	s3 =	sld [smem:$0x3FDB];
	s0 =	simm.s32 @p2 $0x1  }
0x17: {  	s4 =	simm.s32 $0x1BF5;
	[smem:$0x3FAF] =	sst s0  }
0x18: {  	s0 =	sld [smem:$0x3F92];
	_ =	swait.ge [sflag:s4], $0x0  }
0x19: {  	s7 =	sld [smem:$0x3F93]  }
0x1a: {  	s8 =	sadd.s32 $0xFFFFE003, lr  }
0x1b: {  	s9 =	sadd.s32 $0xFFFFFEF7, lr;
	s5 =	simm.s32 $0xFFFFFFFF;
	p2 =	slt.u32 s8, $0xFFFFF086  }
0x1c: {  	p1 =	slt.u32 s9, $0xF7A;
	s5 =	simm.s32 @!p2 $0x0  }
0x1d: {  	s5 =	simm.s32 @p1 $0x1;
	p0 =	seq.s32 s7, s2  }
0x1e: {  	s7 =	smul.u32 @!p0 $0xF7A, s2;
	p2 =	seq.s32 @!p0 s5, $0x0  }
0x1f: {  	s9 =	smul.u32 $0xF7A, s1;
	s8 =	simm.s32 @!p0 $0x1BF5;
	p2 =	por !p2, p0  }
0x20: {  	[sflag:s8] =	ssyncset.s32 @!p0 $0xFFFFF086;
	s6 =	sadd.s32 @!p0 s3, s7;
	s7 =	simm.s32 @!p0 $0x108  }
0x21: {  	s3 =	sadd.s32 s3, s9;
	s6 =	sadd.s32 @!p0 $0x88, s6;
	s7 =	simm.s32 @p2 $0x1082  }
0x22: {  	[simem:s7], [sflag:s8] =	dma.local @!p0 [hbm:s6], $0xF7A  }
0x23: {  	s9 =	sor.u32 $0xD0000000, s2;
	s6 =	simm.s32 $0x108;
	_ =	swait.ge @!p0 [sflag:s8], $0x0  }
0x24: {  	s3 =	sadd.s32 $0x88, s3;
	s6 =	simm.s32 @!p1 $0x1082;
	[sflag:s4] =	ssyncset.s32 $0xFFFFF086  }
0x25: {  	[simem:s6], [sflag:s4] =	dma.local [hbm:s3], $0xF7A  }
0x26: {  	[smem:$0x3F93] =	sst s1;
	(tag) =	ssettag s2;
	_ =	strace s9  }
0x27: {  	s1 =	sld [smem:$0x3FA3]  }
0x28: {  	s2 =	sld [smem:$0x3FA4]  }
0x29: {  	s4 =	sld [smem:$0x3FA6]  }
0x2a: {  	p0 =	seq.s32 s5, $0x0;
	s5 =	sld [smem:$0x3FA7]  }
0x2b: {  	s6 =	sld [smem:$0x3FA8]  }
0x2c: {  	s7 =	sld [smem:$0x3FA9]  }
0x2d: {  	s3 =	simm.s32 $0x108;
	s8 =	sld [smem:$0x3FAA]  }
0x2e: {  	s3 =	simm.s32 @!p0 $0x1082;
	s9 =	sld [smem:$0x3FAB]  }
0x2f: {  	lr =	sadd.s32 s0, s3;
	s0 =	sld [smem:$0x3FA2]  }
0x30: {  	s3 =	sld [smem:$0x3FA5]  }
0x31: {  	[smem:$0x3FAE] =	sst s10  }
0x32: {  	s10 =	sld [smem:$0x3FAC];
	_ =	sdelay $0x3  }
0x33: {  	p0 =	seq.s32 s10, $0x1;
	s10 =	sld [smem:$0x3FAE];
	_ =	sdelay $0x3  }
0x34: {  	[smem:$0x3FAE] =	sst s10  }
0x35: {  	s10 =	sld [smem:$0x3FAD];
	_ =	sdelay $0x3  }
0x36: {  	p1 =	seq.s32 s10, $0x1;
	s10 =	sld [smem:$0x3FAE];
	_ =	sdelay $0x3  }
0x37: {  	[smem:$0x3FAE] =	sst s10  }
0x38: {  	s10 =	sld [smem:$0x3FAF]  }
0x39: {  	_ = 	snop;
	(pc) =	sbr.ind lr, $3  }
0x3a: {  	_ = 	snop  }
0x3b: {  	_ = 	snop  }
0x3c: {  	p2 =	seq.s32 s10, $0x1;
	s10 =	sld [smem:$0x3FAE]  }
0x3d: {  	_ =	shalt  }
0x3e: {  	_ =	shalt  }
0x3f: {  	_ =	shalt  }
0x40: {  	_ =	shalt  }
0x41: {  	_ =	shalt  }
0x42: {  	_ =	shalt  }
0x43: {  	_ =	shalt  }
0x44: {  	_ =	shalt  }
0x45: {  	_ =	shalt  }
0x46: {  	_ =	shalt  }
0x47: {  	_ =	shalt  }
0x48: {  	_ =	shalt  }
0x49: {  	_ =	shalt  }
0x4a: {  	_ =	shalt  }
0x4b: {  	_ =	shalt  }
0x4c: {  	_ =	shalt  }
0x4d: {  	_ =	shalt  }
0x4e: {  	_ =	shalt  }
0x4f: {  	_ =	shalt  }
0x50: {  	_ =	shalt  }
0x51: {  	_ =	shalt  }
0x52: {  	_ =	shalt  }
0x53: {  	_ =	shalt  }
0x54: {  	_ =	shalt  }
0x55: {  	_ =	shalt  }
0x56: {  	_ =	shalt  }
0x57: {  	_ =	shalt  }
0x58: {  	_ =	shalt  }
0x59: {  	_ =	shalt  }
0x5a: {  	_ =	shalt  }
0x5b: {  	_ =	shalt  }
0x5c: {  	_ =	shalt  }
0x5d: {  	_ =	shalt  }
0x5e: {  	_ =	shalt  }
0x5f: {  	_ =	shalt  }
0x60: {  	_ =	shalt  }
0x61: {  	_ =	shalt  }
0x62: {  	_ =	shalt  }
0x63: {  	_ =	shalt  }
0x64: {  	_ =	shalt  }
0x65: {  	_ =	shalt  }
0x66: {  	_ =	shalt  }
0x67: {  	_ =	shalt  }
0x68: {  	_ =	shalt  }
0x69: {  	_ =	shalt  }
0x6a: {  	_ =	shalt  }
0x6b: {  	_ =	shalt  }
0x6c: {  	_ =	shalt  }
0x6d: {  	_ =	shalt  }
0x6e: {  	_ =	shalt  }
0x6f: {  	_ =	shalt  }
0x70: {  	_ =	shalt  }
0x71: {  	_ =	shalt  }
0x72: {  	_ =	shalt  }
0x73: {  	_ =	shalt  }
0x74: {  	_ =	shalt  }
0x75: {  	_ =	shalt  }
0x76: {  	_ =	shalt  }
0x77: {  	_ =	shalt  }
0x78: {  	_ =	shalt  }
0x79: {  	_ =	shalt  }
0x7a: {  	_ =	shalt  }
0x7b: {  	_ =	shalt  }
0x7c: {  	_ =	shalt  }
0x7d: {  	_ =	shalt  }
0x7e: {  	_ =	shalt  }
0x7f: {  	_ =	shalt  }
0x80: {  	_ =	shalt  }
0x81: {  	_ =	shalt  }
0x82: {  	_ =	shalt  }
0x83: {  	_ =	shalt  }
0x84: {  	_ =	shalt  }
0x85: {  	_ =	shalt  }
0x86: {  	_ =	shalt  }
0x87: {  	_ =	shalt  }
.Lfunc_end0:
.L_simem_size_0:
called_computation_lowered:
.L_overlay_start_0:
0x88: {  	s2 =	sld [smem:$0x3FD9]  }
0x89: {  	s3 =	sld [smem:$0x3FFE];
	_ =	sdelay $0x1  }
0x8a: {  	s1 =	srdreg.scid  }
0x8b: {  	s0 =	sand.u32 $0x1, s1  }
0x8c: {  	s17 =	sshll.u32 s0, $0xA;
	s2 =	sadd.s32 s3, s2  }
0x8d: {  	s2 =	sadd.s32 s2, s17  }
0x8e: {  	[smem:$0x3FBA] =	sst s2  }
0x8f: {  	_ = 	snop  }
0x90: {  	s2 =	sld [smem:$0x3FBD]  }
0x91: {  	s18 =	sld [smem:$0x3FBC]  }
0x92: {  	s4 =	sld [smem:$0x3FD0];
	(tm) =	ssettm $0x1  }
0x93: {  	s5 =	sld [smem:$0x3FFB];
	_ =	sdelay $0x3  }
0x94: {  	_ =	strace s5  }
0x95: {  	s5 =	sld [smem:$0x3FFC];
	_ =	sdelay $0x3  }
0x96: {  	_ =	strace s5  }
0x97: {  	s5 =	sld [smem:$0x3FFD];
	_ =	sdelay $0x3  }
0x98: {  	_ =	strace s5  }
0x99: {  	_ =	strace $0x8FFFFFFF  }
0x9a: {  	s19 =	sld [smem:$0x3FDB];
	_ =	sdelay $0x1  }
0x9b: {  	s6 =	simm.s32 $_scs_section_size  }
0x9c: {  	s7 =	simm.s32 $_size__tile_overlayer_lowered;
	s8 =	simm.s32 $_tile_overlayer_lowered  }
0x9d: {  	s22 =	simm.s32 $0x1BFF;
	s21 =	sshll.u32 s8, $0x1;
	s5 =	sadd.s32 s6, s19  }
0x9e: {  	s9 =	simm.s32 $0x0;
	s20 =	sshll.u32 s7, $0x1;
	s7 =	sadd.s32 s21, s5  }
0x9f: {  	[timem:s9], [sflag:s22] =	dma.local [hbm:s7], s20  }
0xa0: {  	_ =	swait.ge [sflag:s22], s20  }
0xa1: {  	s6 =	ssub.s32 $0x0, s20;
	[sflag:s22] =	ssyncset.done $0x0  }
0xa2: {  	[sflag:s22] =	ssyncadd.s32 s6;
	_ =	sdelay $0x1  }
0xa3: {  	s23 =	simm.s32 $0x1B8B  }
0xa4: {  	_ =	swait.ge [sflag:s23], $0x1  }
0xa5: {  	[sflag:s23] =	ssyncset.done $0x0  }
0xa6: {  	s25 =	simm.s32 $0x1B8E;
	s24 =	sld [smem:$0x3FFE];
	[sflag:s23] =	ssyncadd.s32 $0xFFFFFFFF  }
0xa7: {  	s26 =	simm.s32 $execute0_lowered;
	[smem:$0x3FD2] =	sst s25  }
0xa8: {  	s7 =	sshll.u32 s26, $0x1;
	_ =	strace $0x80000046;
	[dreg:$0x1] =	wrdreg $0xFFFFFFFF  }
0xa9: {  	s28 =	simm.s32 $_size_execute0_lowered;
	s5 =	sadd.s32 s5, s7;
	[dreg:$0x0] =	wrdreg $0x0  }
0xaa: {  	s7 =	sshll.u32 s28, $0x1;
	[dreg:$0x2] =	wrdreg s5  }
0xab: {  	[dreg:$0x3] =	wrdreg s7  }
0xac: {  	[dreg:$0x4] =	wrdreg $0xC0  }
0xad: {  	_ =	task [dreg:s9], $0x5FFFF  }
0xae: {  	[dreg:$0x1] =	wrdreg $0xFFFFFFFF  }
0xaf: {  	[dreg:$0x0] =	wrdreg $0x60  }
0xb0: {  	[dreg:$0x2] =	wrdreg s24  }
0xb1: {  	[dreg:$0x3] =	wrdreg s18  }
0xb2: {  	[dreg:$0x4] =	wrdreg s2  }
0xb3: {  	[dreg:$0x5] =	wrdreg s4  }
0xb4: {  	[dreg:$0x6] =	wrdreg $0x10A000  }
0xb5: {  	[dreg:$0x7] =	wrdreg $0x15C000  }
0xb6: {  	[dreg:$0x8] =	wrdreg $0x9  }
0xb7: {  	_ =	task.clear_ibuf [dreg:s9], $0x9FFFF;
	_ =	strace $0x90000046  }
0xb8: {  	s29 =	simm.s32 $0x9;
	_ =	strace $0x80000048  }
0xb9: {  	_ =	swait.ge [sflag:s29], $0x1  }
0xba: {  	[sflag:s29] =	ssyncadd.s32 $0xFFFFFFFF  }
0xbb: {  	_ =	strace $0x90000048  }
0xbc: {  	_ =	sfence  }
0xbd: {  	s30 =	sld [smem:$0x0];
	_ =	sdelay $0x2  }
0xbe: {  	s31 =	sshll.u32 s1, $0xD;
	s1 =	sshrl.u32 s1, $0x2  }
0xbf: {  	s3 =	sand.u32 $0x4000, s31;
	s1 =	sadd.s32 s1, s30  }
0xc0: {  	s0 =	sor.u32 s3, s0;
	s1 =	sshll.u32 s1, $0x11  }
0xc1: {  	s0 =	sor.u32 s1, s0  }
0xc2: {  	s0 =	sadd.s32 $0x8F2B, s0  }
0xc3: {  	[sflag:s0] =	ssyncadd.remote.s32 $0x1  }
0xc4: {  	_ =	sfence.sel $0xFFFF  }
0xc5: {  	[dreg:$0x0] =	wrdreg $0xFFFFFFFF;
	(pc) =	sbr.abs _section_cstart, $3  }
0xc6: {  	[dreg:$0x1] =	wrdreg $0xFFFFFFFF  }
0xc7: {  	_ =	task.clear_ibuf [dreg:s9], $0x2FFFF;
	_ =	strace $0x9FFFFFFF  }
0xc8: {  	(tm) =	ssettm $0x7FFFFFFF  }
0xc9: {  	_ =	shalt  }
tec
execute0_lowered:
.L_overlay_start_1:
0x0: {  	(tag) =	ssettag $0x1  }
0x1: {  	s1 =	rddreg [dreg:$0x0]  }
0x2: {  	s4 =	rddreg [dreg:$0x1]  }
0x3: {  	s5 =	rddreg [dreg:$0x2]  }
0x4: {  	s6 =	rddreg [dreg:$0x3]  }
0x5: {  	s2 =	srdreg.scid;
	s9 =	stileid.u32  }
0x6: {  	s0 =	rddreg [dreg:$0x4];
	s3 =	simm.s32 $0x0;
	s10 =	smul.u32 $0x140, s9  }
0x7: {  	s8 =	sand.u32 $0x1, s2;
	s2 =	rddreg [dreg:$0x5];
	s31 =	smul.u32 $0x4E20, s9  }
0x8: {  	[smem:$0x7FF] =	sst s3;
	s15 =	smul.u32 $0x29000, s9  }
0x9: {  	s28 =	sshll.u32 s9, $0xB;
	s16 =	sshll.u32 s9, $0xE;
	s21 =	smul.u32 $0x28000, s9  }
0xa: {  	s14 =	sshll.u32 s9, $0x6;
	p0 =	sne.s32 s9, $0x0;
	s18 =	smul.u32 $0x1388, s8  }
0xb: {  	_ =	strace $0x80000047;
	s11 =	ssub.s32 $0x2, s8;
	s16 =	sadd.s32 s16, s2  }
0xc: {  	s23 =	smul.u32 $0x1400, s8;
	s19 =	sshrl.u32 s15, $0x2;
	s20 =	sshrl.u32 s31, $0x3  }
0xd: {  	s31 =	smul.u32 $0x9C4, s9;
	s15 =	sadd.s32 $0xA1800, s0;
	[dreg:$0x7] =	wrdreg s16  }
0xe: {  	s9 =	sadd.s32 $0x800, s16;
	s7 =	sadd.s32 s10, s18;
	[dreg:$0x17] =	wrdreg s15  }
0xf: {  	s10 =	sadd.s32 s10, s23;
	s23 =	sadd.s32 $0xA2000, s0;
	[smem:$0x7F0] =	sst s9  }
0x10: {  	s22 =	sadd.s32 $0x9C0, s20;
	s15 =	sadd.s32 $0x2000, s16;
	[dreg:$0x1a] =	wrdreg s23  }
0x11: {  	s13 =	sshrl.u32 s11, $0x1;
	s20 =	sadd.s32 s4, s22;
	[smem:$0x7F6] =	sst s15  }
0x12: {  	s11 =	ssub.s32 s11, s13;
	s13 =	sadd.s32 s5, s22;
	[dreg:$0xa] =	wrdreg s20  }
0x13: {  	s26 =	smax.u32 s11, $0x1;
	[dreg:$0xb] =	wrdreg s13  }
0x14: {  	s24 =	sshrl.u32 s21, $0x2;
	s11 =	sadd.s32 $0xA0C00, s0;
	[dreg:$0xf] =	wrdreg s26  }
0x15: {  	s7 =	sshll.u32 s7, $0x4;
	s22 =	sadd.s32 $0xA1C00, s0;
	[dreg:$0x13] =	wrdreg s11  }
0x16: {  	s10 =	sshll.u32 s10, $0x4;
	s23 =	sadd.s32 $0x2C00, s16;
	[dreg:$0x19] =	wrdreg s22  }
0x17: {  	s12 =	sadd.s32 s7, s1;
	s6 =	sadd.s32 s6, s10;
	[smem:$0x7F9] =	sst s23  }
0x18: {  	s1 =	sadd.s32 s28, s1;
	s28 =	sadd.s32 $0xA0000, s0;
	[dreg:$0xc] =	wrdreg s6  }
0x19: {  	s13 =	sadd.s32 s24, s0;
	s10 =	sadd.s32 $0xA0800, s0;
	[dreg:$0x10] =	wrdreg s28  }
0x1a: {  	s24 =	sadd.s32 s31, s5;
	s26 =	sadd.s32 $0xA2800, s0;
	[dreg:$0x12] =	wrdreg s10  }
0x1b: {  	s20 =	sadd.s32 s31, s4;
	s31 =	sadd.s32 $0xA3000, s0;
	[dreg:$0x1c] =	wrdreg s26  }
0x1c: {  	s4 =	sadd.s32 $0xA3400, s0;
	[dreg:$0x1e] =	wrdreg s31  }
0x1d: {  	s5 =	sadd.s32 $0xA3800, s0;
	[dreg:$0x1f] =	wrdreg s4  }
0x1e: {  	s11 =	sadd.s32 $0x1000, s16;
	[smem:$0x7ED] =	sst s5  }
0x1f: {  	s22 =	sadd.s32 $0x2800, s16;
	[smem:$0x7F2] =	sst s11  }
0x20: {  	s29 =	simm.s32 $0x3;
	[smem:$0x7F8] =	sst s22  }
0x21: {  	s30 =	simm.s32 $0x7;
	s17 =	sadd.s32 $0x29A00, s1;
	[dreg:$0x15] =	wrdreg s20  }
0x22: {  	s8 =	sshll.u32 s8, $0xF;
	s25 =	sadd.s32 $0x2000, s12;
	[dreg:$0x8] =	wrdreg s17  }
0x23: {  	s1 =	sadd.s32 s8, s1;
	s8 =	sadd.s32 $0xA0400, s0;
	[dreg:$0xd] =	wrdreg s25  }
0x24: {  	s9 =	simm.s32 $0x9;
	s12 =	sadd.s32 $0xA1000, s0;
	[dreg:$0x11] =	wrdreg s8  }
0x25: {  	s7 =	sadd.s32 s19, s0;
	s21 =	sshrl.u32 s13, $0x3;
	[dreg:$0x14] =	wrdreg s12  }
0x26: {  	s19 =	sadd.s32 $0x1388, s18;
	s28 =	sadd.s32 $0xA2C00, s0;
	[dreg:$0x18] =	wrdreg s21  }
0x27: {  	s23 =	simm.s32 $0xD;
	s6 =	sadd.s32 $0xA3C00, s0;
	[dreg:$0x1d] =	wrdreg s28  }
0x28: {  	v0 =	vmov s18;
	s18 =	simm.s32 $0x10;
	s10 =	sadd.s32 $0xC00, s16;
	[smem:$0x7EE] =	sst s6  }
0x29: {  	s13 =	sadd.s32 $0x1800, s16;
	s26 =	sadd.s32 $0x3400, s16;
	[smem:$0x7F1] =	sst s10  }
0x2a: {  	s31 =	sadd.s32 $0x3C00, s16;
	s5 =	simm.s32 $0x12;
	[smem:$0x7F4] =	sst s13  }
0x2b: {  	s22 =	simm.s32 $0x5;
	s4 =	simm.s32 $0xA;
	[smem:$0x7FB] =	sst s26  }
0x2c: {  	s11 =	simm.s32 $0xB;
	s1 =	sadd.s32 $0x31A00, s1;
	[smem:$0x7FD] =	sst s31  }
0x2d: {  	s17 =	sor.u32 $0x1C12, s14;
	s14 =	sadd.s32 $0xA1400, s0;
	[dreg:$0xe] =	wrdreg s1  }
0x2e: {  	s25 =	sadd.s32 $0xA2400, s0;
	s8 =	sadd.s32 $0x400, s16;
	[dreg:$0x16] =	wrdreg s14  }
0x2f: {  	s12 =	sadd.s32 $0x1400, s16;
	s21 =	sadd.s32 $0x2400, s16;
	[dreg:$0x1b] =	wrdreg s25  }
0x30: {  	s28 =	sadd.s32 $0x3800, s16;
	s10 =	simm.s32 $0x10600;
	[smem:$0x7EF] =	sst s8  }
0x31: {  	s26 =	simm.s32 $0x6;
	s6 =	simm.s32 $0xE;
	[smem:$0x7F3] =	sst s12  }
0x32: {  	s13 =	simm.s32 $0xF;
	s14 =	sadd.s32 $0x1C00, s16;
	[smem:$0x7F7] =	sst s21  }
0x33: {  	s25 =	sadd.s32 $0x3000, s16;
	[smem:$0x7FC] =	sst s28;
	s12 =	simm.s32 $0x80  }
0x34: {  	s21 =	simm.s32 $0x1;
	s1 =	simm.s32 $0x4;
	[dreg:$0x9] =	wrdreg s17  }
0x35: {  	v2 =	vlaneseq.u32;
	v3 =	vimm.f32 $0.0e+00;
	s16 =	simm.s32 $0xC;
	s8 =	simm.s32 $0x0;
	[smem:$0x7F5] =	sst s14  }
0x36: {  	v4 =	vor.u32 $0x1440, v2;
	v5 =	vor.u32 $0x1450, v2;
	v1 =	vmov s19;
	[smem:$0x7FA] =	sst s25;
	s25 =	simm.s32 $0x2;
	s14 =	simm.s32 $0x8  }
.LBB2_1:
0x37: {  	[tilespmem:$0x10600] =	vst v3  }
0x38: {  	[tilespmem:$0x10610] =	vst v3  }
0x39: {  	[tilespmem:$0x10620] =	vst v3  }
0x3a: {  	[tilespmem:$0x10630] =	vst v3  }
0x3b: {  	[tilespmem:$0x10680] =	vst v3  }
0x3c: {  	[tilespmem:$0x10690] =	vst v3  }
0x3d: {  	[tilespmem:$0x106A0] =	vst v3  }
0x3e: {  	[tilespmem:$0x106B0] =	vst v3  }
0x3f: {  	[tilespmem:$0x10700] =	vst v3  }
0x40: {  	[tilespmem:$0x10710] =	vst v3  }
0x41: {  	[tilespmem:$0x10720] =	vst v3  }
0x42: {  	[tilespmem:$0x10730] =	vst v3  }
0x43: {  	[tilespmem:$0x10780] =	vst v3  }
0x44: {  	[tilespmem:$0x10790] =	vst v3  }
0x45: {  	[tilespmem:$0x107A0] =	vst v3  }
0x46: {  	[tilespmem:$0x107B0] =	vst v3  }
0x47: {  	[tilespmem:$0x10800] =	vst v3  }
0x48: {  	[tilespmem:$0x10810] =	vst v3  }
0x49: {  	[tilespmem:$0x10820] =	vst v3  }
0x4a: {  	[tilespmem:$0x10830] =	vst v3  }
0x4b: {  	[tilespmem:$0x10880] =	vst v3  }
0x4c: {  	[tilespmem:$0x10890] =	vst v3  }
0x4d: {  	[tilespmem:$0x108A0] =	vst v3  }
0x4e: {  	[tilespmem:$0x108B0] =	vst v3  }
0x4f: {  	[tilespmem:$0x10900] =	vst v3  }
0x50: {  	[tilespmem:$0x10910] =	vst v3  }
0x51: {  	[tilespmem:$0x10920] =	vst v3  }
0x52: {  	[tilespmem:$0x10930] =	vst v3  }
0x53: {  	[smem:$0x7EB] =	sst s8;
	[tilespmem:$0x10980] =	vst v3  }
0x54: {  	[tilespmem:$0x10990] =	vst v3;
	s15 =	rddreg [dreg:$0x7]  }
0x55: {  	[tilespmem:$0x109A0] =	vst v3;
	s31 =	rddreg [dreg:$0x8];
	s28 =	sshrl.u32 s15, $0x3  }
0x56: {  	[tilespmem:$0x109B0] =	vst v3;
	[smem:$0x7EC] =	sst s28  }
0x57: {  	[spmem:s28], [sflag:s17] =	dma.local [hbm:s31], $0x800  }
0x58: {  	_ =	swait.ge [sflag:s5], $0x800  }
0x59: {  	[sflag:s5] =	ssyncset.done $0x0  }
0x5a: {  	s19 =	sadd.s32 $0x0, s7;
	[sflag:s5] =	ssyncadd.s32 $0xFFFFF800  }
0x5b: {  	[spmem:s19] =	stream.linear.scatter [tilespmem:s10], [sflag:$0x12], $0x400, $0x38;
	[tilespmem:$0x18C80] =	vst v63  }
0x5c: {  	s19 =	simm.s32 $0x1000;
	_ =	swait.ge [sflag:s5], $0x400  }
.LBB2_2:
0x5d: {  	s20 =	sshra.s32 s19, $0x2;
	[sflag:s5] =	ssyncset.done $0x0;
	p1 =	sne.s32 s19, $0x28000  }
.Ltmp0:
0x5e: {  	s20 =	sadd.s32 s20, s7;
	[sflag:s5] =	ssyncadd.s32 $0xFFFFFC00;
	(pc) =	sbr.rel @p1 .LBB2_2-.Ltmp0, $3  }
0x5f: {  	[spmem:s20] =	stream.linear.scatter [tilespmem:s10], [sflag:$0x12], $0x400, $0x38;
	[tilespmem:$0x18C80] =	vst v63  }
0x60: {  	s19 =	sadd.s32 $0x1000, s19;
	_ =	sdelay $0x1  }
0x61: {  	_ =	swait.ge [sflag:s5], $0x400  }
0x62: {  	[sflag:s5] =	ssyncset.done $0x0  }
0x63: {  	[sflag:s5] =	ssyncadd.s32 $0xFFFFFC00  }
0x64: {  	s19 =	simm.s32 $0x70;
	[bflag:$0x0] =	sbarrier.arrive $0xFFFF  }
.LBB2_4:
0x65: {  	s8 =	rddreg [dreg:$0x15]  }
0x66: {  	s20 =	sadd.s32 s19, s8  }
0x67: {  	s15 =	sadd.s32 $0xFFFFFF90, s20  }
0x68: {  	[tilespmem:s3], [sflag:$0x1] =	stream.linear.gather [hbm4b:s15+s3], $0x80, $0x38;
	[tilespmem:$0x18C80] =	vst v63  }
0x69: {  	s15 =	sadd.s32 s19, s24  }
0x6a: {  	s28 =	simm.s32 $0x200;
	s17 =	sadd.s32 $0xFFFFFF90, s15  }
0x6b: {  	[tilespmem:s28], [sflag:$0x5] =	stream.linear.gather [hbm4b:s17+s3], $0x80, $0x38;
	[tilespmem:$0x18C80] =	vst v63  }
0x6c: {  	s31 =	sadd.s32 $0xFFFFFFA0, s20  }
0x6d: {  	[tilespmem:s12], [sflag:$0x2] =	stream.linear.gather [hbm4b:s31+s3], $0x80, $0x38;
	[tilespmem:$0x18C80] =	vst v63  }
0x6e: {  	s8 =	sadd.s32 $0xFFFFFFA0, s15;
	s28 =	simm.s32 $0x280  }
0x6f: {  	[tilespmem:s28], [sflag:$0x6] =	stream.linear.gather [hbm4b:s8+s3], $0x80, $0x38;
	[tilespmem:$0x18C80] =	vst v63  }
0x70: {  	s31 =	sadd.s32 $0xFFFFFFB0, s20;
	s8 =	simm.s32 $0x100  }
0x71: {  	[tilespmem:s8], [sflag:$0x3] =	stream.linear.gather [hbm4b:s31+s3], $0x80, $0x38;
	[tilespmem:$0x18C80] =	vst v63  }
0x72: {  	s28 =	simm.s32 $0x300;
	s31 =	sadd.s32 $0xFFFFFFB0, s15  }
0x73: {  	[tilespmem:s28], [sflag:$0x7] =	stream.linear.gather [hbm4b:s31+s3], $0x80, $0x38;
	[tilespmem:$0x18C80] =	vst v63  }
0x74: {  	s20 =	sadd.s32 $0xFFFFFFC0, s20;
	s31 =	simm.s32 $0x180  }
0x75: {  	[tilespmem:s31], [sflag:$0x4] =	stream.linear.gather [hbm4b:s20+s3], $0x80, $0x38;
	[tilespmem:$0x18C80] =	vst v63  }
0x76: {  	s15 =	sadd.s32 $0xFFFFFFC0, s15;
	s20 =	simm.s32 $0x380  }
0x77: {  	[tilespmem:s20], [sflag:$0x8] =	stream.linear.gather [hbm4b:s15+s3], $0x80, $0x38;
	[tilespmem:$0x18C80] =	vst v63  }
0x78: {  	_ =	swait.ge [sflag:s21], $0x80  }
0x79: {  	[sflag:s21] =	ssyncset.done $0x0  }
0x7a: {  	[sflag:s21] =	ssyncadd.s32 $0xFFFFFF80  }
0x7b: {  	_ =	swait.ge [sflag:s22], $0x80  }
0x7c: {  	[sflag:s22] =	ssyncset.done $0x0  }
0x7d: {  	[sflag:s22] =	ssyncadd.s32 $0xFFFFFF80  }
0x7e: {  	v7 =	vld [tilespmem:$0x200]  }
0x7f: {  	s20 =	sadd.s32 $0xFFFFFF90, s19;
	s21 =	sadd.s32 $0xFFFFFFA0, s19;
	v8 =	vld [tilespmem:$0x210]  }
0x80: {  	s20 =	sand.u32 $0x40, s20;
	s21 =	sand.u32 $0x50, s21;
	v9 =	vld [tilespmem:$0x220]  }
0x81: {  	s17 =	sor.u32 $0x1400, s20;
	s15 =	sor.u32 $0x1400, s21;
	s21 =	sadd.s32 $0xFFFFFFB0, s19;
	v10 =	vld [tilespmem:$0x230]  }
0x82: {  	v6 =	vor.u32 s17, v2;
	s17 =	sand.u32 $0x60, s21;
	v14 =	vld [tilespmem:$0x240]  }
0x83: {  	v13 =	vor.u32 s15, v2;
	s15 =	sor.u32 $0x1400, s17;
	v16 =	vld [tilespmem:$0x250]  }
0x84: {  	v18 =	vld [tilespmem:$0x260];
	v12 =	vor.u32 s15, v2;
	vm0 =	vge.s32 v7, v0;
	vm1 =	vlt.s32 v7, v1  }
0x85: {  	v19 =	vld [tilespmem:$0x270];
	v7 =	vsub.s32 v7, v0;
	vm7 =	vge.s32 v8, v0;
	vm2 =	vlt.s32 v8, v1  }
0x86: {  	vm9 =	vge.s32 v9, v0;
	vm10 =	vlt.s32 v9, v1;
	v59 =	vsub.s32 v9, v0  }
0x87: {  	vm12 =	vge.s32 v10, v0;
	vm13 =	vlt.s32 v10, v1;
	v60 =	vsub.s32 v10, v0  }
0x88: {  	vm15 =	vge.s32 v14, v0;
	vm4 =	vlt.s32 v14, v1;
	v14 =	vsub.s32 v14, v0  }
0x89: {  	vm6 =	vge.s32 v16, v0;
	v61 =	vsub.s32 v16, v0;
	v21 =	vsub.s32 v18, v0  }
0x8a: {  	s21 =	sadd.s32 $0xFFFFFFC0, s19;
	v23 =	vsub.s32 v19, v0;
	vm0 =	vmand vm0, vm1;
	vm8 =	vmand vm7, vm2  }
0x8b: {  	s15 =	sand.u32 $0x70, s21;
	vm11 =	vmand vm9, vm10;
	vm14 =	vmand vm12, vm13;
	vm5 =	vmand vm15, vm4  }
0x8c: {  	s21 =	sadd.s32 $0xFFFFFFE0, s19;
	s15 =	sor.u32 $0x1400, s15;
	vm7 =	vlt.s32 v16, v1;
	v11 =	vsel vm0, v7, v6;
	v7 =	vsub.s32 v8, v0  }
0x8d: {  	s17 =	sxor.u32 $0x1440, s20;
	v17 =	vsel vm11, v59, v12;
	v15 =	vsel vm8, v7, v13;
	v7 =	vor.u32 s15, v2;
	s15 =	sand.u32 $0x50, s21;
	[tilespmem:$0x400] =	vst v11  }
0x8e: {  	vm9 =	vge.s32 v18, v0;
	vm10 =	vlt.s32 v18, v1;
	v8 =	vor.u32 s17, v2;
	s17 =	sadd.s32 $0xFFFFFFF0, s19;
	[tilespmem:$0x420] =	vst v17;
	s15 =	sor.u32 $0x1400, s15  }
0x8f: {  	vm12 =	vlt.s32 v19, v1;
	v14 =	vsel vm5, v14, v8;
	[tilespmem:$0x410] =	vst v15;
	v9 =	vor.u32 s15, v2;
	s15 =	sand.u32 $0x60, s17  }
0x90: {  	vm0 =	vmand vm9, vm10;
	vm8 =	vmand vm6, vm7;
	s21 =	sand.u32 $0x70, s19;
	v10 =	vsel vm14, v60, v7;
	[tilespmem:$0x440] =	vst v14;
	s15 =	sor.u32 $0x1400, s15  }
0x91: {  	vm11 =	vge.s32 v19, v0;
	[tilespmem:$0x430] =	vst v10;
	v62 =	vsel vm8, v61, v9;
	v63 =	vor.u32 s15, v2;
	s15 =	sor.u32 $0x1400, s21  }
0x92: {  	[tilespmem:$0x450] =	vst v62;
	v22 =	vsel vm0, v21, v63;
	vm0 =	vmand vm11, vm12;
	v10 =	vor.u32 s15, v2  }
0x93: {  	[tilespmem:$0x460] =	vst v22;
	v24 =	vsel vm0, v23, v10  }
0x94: {  	s17 =	simm.s32 $0x600;
	[tilespmem:$0x470] =	vst v24  }
0x95: {  	[tilespmem:s17], [sflag:$0x9] =	stream.indirect.gather [spmem:s2], $0x40, s3, s12, $0xb8;
	[tilespmem:$0x18C80] =	vst v63  }
0x96: {  	_ =	swait.ge [sflag:s25], $0x80  }
0x97: {  	[sflag:s25] =	ssyncset.done $0x0  }
0x98: {  	[sflag:s25] =	ssyncadd.s32 $0xFFFFFF80  }
0x99: {  	_ =	swait.ge [sflag:s26], $0x80  }
0x9a: {  	[sflag:s26] =	ssyncset.done $0x0  }
0x9b: {  	[sflag:s26] =	ssyncadd.s32 $0xFFFFFF80  }
0x9c: {  	v25 =	vld [tilespmem:$0x280]  }
0x9d: {  	v26 =	vld [tilespmem:$0x290]  }
0x9e: {  	v27 =	vld [tilespmem:$0x2A0]  }
0x9f: {  	v28 =	vld [tilespmem:$0x2B0]  }
0xa0: {  	v29 =	vld [tilespmem:$0x2C0]  }
0xa1: {  	v31 =	vld [tilespmem:$0x2D0]  }
0xa2: {  	vm13 =	vge.s32 v25, v0;
	vm14 =	vlt.s32 v25, v1;
	v14 =	vsub.s32 v25, v0  }
0xa3: {  	vm15 =	vge.s32 v26, v0;
	vm4 =	vlt.s32 v26, v1;
	v30 =	vsub.s32 v26, v0  }
0xa4: {  	v20 =	vld [tilespmem:$0x2F0];
	vm6 =	vge.s32 v27, v0;
	vm7 =	vlt.s32 v27, v1;
	vm8 =	vge.s32 v28, v0  }
0xa5: {  	vm9 =	vlt.s32 v28, v1;
	v16 =	vsub.s32 v27, v0;
	v17 =	vsub.s32 v28, v0  }
0xa6: {  	v32 =	vld [tilespmem:$0x2E0];
	vm10 =	vge.s32 v29, v0;
	vm11 =	vlt.s32 v29, v1;
	vm12 =	vge.s32 v31, v0  }
0xa7: {  	vm3 =	vlt.s32 v31, v1;
	v33 =	vsub.s32 v29, v0;
	vm0 =	vmand vm13, vm14  }
0xa8: {  	v34 =	vsub.s32 v31, v0;
	vm5 =	vmand vm15, vm4;
	v13 =	vsel vm0, v14, v13  }
0xa9: {  	v36 =	vsub.s32 v20, v0;
	vm1 =	vmand vm8, vm9;
	v14 =	vsel vm5, v30, v12;
	[tilespmem:$0x480] =	vst v13  }
0xaa: {  	vm13 =	vmand vm12, vm3;
	vm0 =	vmand vm6, vm7;
	v17 =	vsel vm1, v17, v8;
	[tilespmem:$0x490] =	vst v14  }
0xab: {  	vm14 =	vge.s32 v32, v0;
	vm8 =	vlt.s32 v20, v1;
	v16 =	vsel vm0, v16, v7;
	[tilespmem:$0x4B0] =	vst v17  }
0xac: {  	vm7 =	vge.s32 v20, v0;
	vm0 =	vmand vm10, vm11;
	v14 =	vsel vm13, v34, v63;
	[tilespmem:$0x4A0] =	vst v16  }
0xad: {  	vm15 =	vlt.s32 v32, v1;
	vm9 =	vmand vm7, vm8;
	v13 =	vsel vm0, v33, v9;
	[tilespmem:$0x4D0] =	vst v14  }
0xae: {  	v35 =	vsub.s32 v32, v0;
	vm6 =	vmand vm14, vm15;
	v37 =	vsel vm9, v36, v6;
	[tilespmem:$0x4C0] =	vst v13  }
0xaf: {  	v13 =	vsel vm6, v35, v10;
	[tilespmem:$0x4F0] =	vst v37  }
0xb0: {  	s21 =	simm.s32 $0x4600;
	[tilespmem:$0x4E0] =	vst v13  }
0xb1: {  	[tilespmem:s21], [sflag:$0xA] =	stream.indirect.gather [spmem:s2], $0x40, s12, s12, $0xb8;
	[tilespmem:$0x18C80] =	vst v63  }
0xb2: {  	_ =	swait.ge [sflag:s29], $0x80  }
0xb3: {  	[sflag:s29] =	ssyncset.done $0x0  }
0xb4: {  	[sflag:s29] =	ssyncadd.s32 $0xFFFFFF80  }
0xb5: {  	_ =	swait.ge [sflag:s30], $0x80  }
0xb6: {  	[sflag:s30] =	ssyncset.done $0x0  }
0xb7: {  	[sflag:s30] =	ssyncadd.s32 $0xFFFFFF80  }
0xb8: {  	v38 =	vld [tilespmem:$0x300]  }
0xb9: {  	v39 =	vld [tilespmem:$0x310]  }
0xba: {  	v40 =	vld [tilespmem:$0x320]  }
0xbb: {  	v41 =	vld [tilespmem:$0x330]  }
0xbc: {  	s25 =	sor.u32 $0x1410, s20;
	v43 =	vld [tilespmem:$0x340]  }
0xbd: {  	v42 =	vor.u32 s25, v2;
	v45 =	vld [tilespmem:$0x350]  }
0xbe: {  	vm10 =	vge.s32 v38, v0;
	vm11 =	vlt.s32 v38, v1;
	v13 =	vsub.s32 v38, v0  }
0xbf: {  	v47 =	vld [tilespmem:$0x370];
	vm12 =	vge.s32 v39, v0;
	vm13 =	vlt.s32 v39, v1;
	v44 =	vsub.s32 v39, v0  }
0xc0: {  	vm15 =	vge.s32 v40, v0;
	vm4 =	vlt.s32 v40, v1;
	vm5 =	vge.s32 v41, v0  }
0xc1: {  	v46 =	vld [tilespmem:$0x360];
	vm6 =	vlt.s32 v41, v1;
	v15 =	vsub.s32 v40, v0;
	v16 =	vsub.s32 v41, v0  }
0xc2: {  	vm7 =	vge.s32 v43, v0;
	vm8 =	vlt.s32 v43, v1;
	vm9 =	vge.s32 v45, v0  }
0xc3: {  	v48 =	vsub.s32 v43, v0;
	v49 =	vsub.s32 v45, v0;
	vm0 =	vmand vm10, vm11  }
0xc4: {  	v51 =	vsub.s32 v47, v0;
	vm14 =	vmand vm12, vm13;
	v12 =	vsel vm0, v13, v12  }
0xc5: {  	vm1 =	vmand vm5, vm6;
	vm10 =	vlt.s32 v45, v1;
	v13 =	vsel vm14, v44, v7;
	[tilespmem:$0x500] =	vst v12  }
0xc6: {  	vm12 =	vge.s32 v46, v0;
	vm0 =	vmand vm15, vm4;
	v16 =	vsel vm1, v16, v9;
	[tilespmem:$0x510] =	vst v13  }
0xc7: {  	vm11 =	vmand vm9, vm10;
	vm15 =	vge.s32 v47, v0;
	v15 =	vsel vm0, v15, v8;
	[tilespmem:$0x530] =	vst v16  }
0xc8: {  	vm4 =	vlt.s32 v47, v1;
	vm0 =	vmand vm7, vm8;
	v13 =	vsel vm11, v49, v10;
	[tilespmem:$0x520] =	vst v15  }
0xc9: {  	vm13 =	vlt.s32 v46, v1;
	vm5 =	vmand vm15, vm4;
	v12 =	vsel vm0, v48, v63;
	[tilespmem:$0x550] =	vst v13  }
0xca: {  	v50 =	vsub.s32 v46, v0;
	vm14 =	vmand vm12, vm13;
	v52 =	vsel vm5, v51, v42;
	[tilespmem:$0x540] =	vst v12  }
0xcb: {  	v12 =	vsel vm14, v50, v6;
	[tilespmem:$0x570] =	vst v52  }
0xcc: {  	s25 =	simm.s32 $0x8600;
	[tilespmem:$0x560] =	vst v12  }
0xcd: {  	[tilespmem:s25], [sflag:$0xB] =	stream.indirect.gather [spmem:s2], $0x40, s8, s12, $0xb8;
	[tilespmem:$0x18C80] =	vst v63  }
0xce: {  	_ =	swait.ge [sflag:s1], $0x80  }
0xcf: {  	[sflag:s1] =	ssyncset.done $0x0  }
0xd0: {  	[sflag:s1] =	ssyncadd.s32 $0xFFFFFF80  }
0xd1: {  	_ =	swait.ge [sflag:s14], $0x80  }
0xd2: {  	[sflag:s14] =	ssyncset.done $0x0  }
0xd3: {  	[sflag:s14] =	ssyncadd.s32 $0xFFFFFF80  }
0xd4: {  	v53 =	vld [tilespmem:$0x380]  }
0xd5: {  	v54 =	vld [tilespmem:$0x390]  }
0xd6: {  	v55 =	vld [tilespmem:$0x3A0]  }
0xd7: {  	v56 =	vld [tilespmem:$0x3B0]  }
0xd8: {  	s20 =	sor.u32 $0x1420, s20  }
0xd9: {  	v57 =	vor.u32 s20, v2;
	v58 =	vld [tilespmem:$0x3C0]  }
0xda: {  	v60 =	vld [tilespmem:$0x3D0];
	vm6 =	vge.s32 v53, v0;
	vm7 =	vlt.s32 v53, v1;
	v12 =	vsub.s32 v53, v0  }
0xdb: {  	v62 =	vld [tilespmem:$0x3F0];
	vm8 =	vge.s32 v54, v0;
	vm9 =	vlt.s32 v54, v1;
	v59 =	vsub.s32 v54, v0  }
0xdc: {  	vm11 =	vge.s32 v55, v0;
	vm12 =	vlt.s32 v55, v1;
	vm13 =	vge.s32 v56, v0  }
0xdd: {  	vm14 =	vlt.s32 v56, v1;
	v14 =	vsub.s32 v55, v0;
	v15 =	vsub.s32 v56, v0  }
0xde: {  	v61 =	vld [tilespmem:$0x3E0];
	vm15 =	vge.s32 v58, v0;
	vm0 =	vmand vm6, vm7;
	vm10 =	vmand vm8, vm9  }
0xdf: {  	vm1 =	vmand vm13, vm14;
	vm6 =	vlt.s32 v58, v1;
	vm7 =	vge.s32 v60, v0  }
0xe0: {  	vm8 =	vlt.s32 v60, v1;
	vm13 =	vge.s32 v62, v0;
	v7 =	vsel vm0, v12, v7  }
0xe1: {  	vm14 =	vlt.s32 v62, v1;
	v8 =	vsel vm10, v59, v8;
	vm0 =	vmand vm11, vm12;
	[tilespmem:$0x580] =	vst v7  }
0xe2: {  	v11 =	vsel vm1, v15, v63;
	vm9 =	vmand vm7, vm8;
	v63 =	vsub.s32 v60, v0;
	[tilespmem:$0x590] =	vst v8  }
0xe3: {  	vm10 =	vge.s32 v61, v0;
	vm11 =	vlt.s32 v61, v1;
	v9 =	vsel vm0, v14, v9;
	[tilespmem:$0x5B0] =	vst v11  }
0xe4: {  	vm0 =	vmand vm15, vm6;
	v7 =	vsub.s32 v58, v0;
	v6 =	vsel vm9, v63, v6;
	[tilespmem:$0x5A0] =	vst v9  }
0xe5: {  	vm15 =	vmand vm13, vm14;
	v7 =	vsel vm0, v7, v10;
	[tilespmem:$0x5D0] =	vst v6;
	v6 =	vsub.s32 v62, v0  }
0xe6: {  	vm12 =	vmand vm10, vm11;
	[tilespmem:$0x5C0] =	vst v7;
	v7 =	vsub.s32 v61, v0;
	v6 =	vsel vm15, v6, v57  }
0xe7: {  	v7 =	vsel vm12, v7, v42;
	[tilespmem:$0x5F0] =	vst v6  }
0xe8: {  	s8 =	simm.s32 $0xC600;
	[tilespmem:$0x5E0] =	vst v7  }
0xe9: {  	[tilespmem:s8], [sflag:$0xC] =	stream.indirect.gather [spmem:s2], $0x40, s31, s12, $0xb8;
	[tilespmem:$0x18C80] =	vst v63  }
0xea: {  	_ =	swait.ge [sflag:s9], $0x2000  }
0xeb: {  	[sflag:s9] =	ssyncset.done $0x0  }
0xec: {  	s31 =	simm.s32 $0x400;
	[sflag:s9] =	ssyncadd.s32 $0xFFFFE000  }
0xed: {  	[spmem:s0] =	stream.indirect.scatter.add.f32 [tilespmem:s17], [sflag:$0xD], $0x40, s31, s12, $0xb8;
	[tilespmem:$0x18C80] =	vst v63  }
0xee: {  	_ =	swait.ge [sflag:s4], $0x2000  }
0xef: {  	[sflag:s4] =	ssyncset.done $0x0  }
0xf0: {  	s17 =	simm.s32 $0x480;
	[sflag:s4] =	ssyncadd.s32 $0xFFFFE000  }
0xf1: {  	[spmem:s0] =	stream.indirect.scatter.add.f32 [tilespmem:s21], [sflag:$0xE], $0x40, s17, s12, $0xb8;
	[tilespmem:$0x18C80] =	vst v63  }
0xf2: {  	_ =	swait.ge [sflag:s11], $0x2000  }
0xf3: {  	[sflag:s11] =	ssyncset.done $0x0  }
0xf4: {  	s20 =	simm.s32 $0x500;
	[sflag:s11] =	ssyncadd.s32 $0xFFFFE000  }
0xf5: {  	[spmem:s0] =	stream.indirect.scatter.add.f32 [tilespmem:s25], [sflag:$0xF], $0x40, s20, s12, $0xb8;
	[tilespmem:$0x18C80] =	vst v63  }
0xf6: {  	_ =	swait.ge [sflag:s16], $0x2000  }
0xf7: {  	[sflag:s16] =	ssyncset.done $0x0  }
0xf8: {  	s31 =	simm.s32 $0x580;
	[sflag:s16] =	ssyncadd.s32 $0xFFFFE000  }
0xf9: {  	[spmem:s0] =	stream.indirect.scatter.add.f32 [tilespmem:s8], [sflag:$0x10], $0x40, s31, s12, $0xb8;
	[tilespmem:$0x18C80] =	vst v63  }
0xfa: {  	_ =	swait.ge [sflag:s23], $0x2000  }
0xfb: {  	[sflag:s23] =	ssyncset.done $0x0  }
0xfc: {  	[sflag:s23] =	ssyncadd.s32 $0xFFFFE000  }
0xfd: {  	_ =	swait.ge [sflag:s6], $0x2000  }
0xfe: {  	[sflag:s6] =	ssyncset.done $0x0  }
0xff: {  	[sflag:s6] =	ssyncadd.s32 $0xFFFFE000  }
0x100: {  	p1 =	sne.s32 s19, $0x9F0;
	_ =	swait.ge [sflag:s13], $0x2000  }
.Ltmp1:
0x101: {  	[sflag:s13] =	ssyncset.done $0x0;
	(pc) =	sbr.rel @p1 .LBB2_4-.Ltmp1, $4  }
0x102: {  	[sflag:s13] =	ssyncadd.s32 $0xFFFFE000  }
0x103: {  	s28 =	smov.u32 s24;
	_ =	swait.ge [sflag:s18], $0x2000  }
0x104: {  	s24 =	smov.u32 s28;
	s19 =	sadd.s32 $0x40, s19;
	[sflag:s18] =	ssyncset.done $0x0  }
0x105: {  	s21 =	simm.s32 $0x1;
	s25 =	simm.s32 $0x2;
	[sflag:s18] =	ssyncadd.s32 $0xFFFFE000  }
0x106: {  	s15 =	rddreg [dreg:$0xa];
	s8 =	simm.s32 $0x17C00  }
0x107: {  	[tilespmem:s8], [sflag:$0x12] =	stream.linear.gather [hbm4b:s15+s3], $0x20, $0x38;
	[tilespmem:$0x18C80] =	vst v63  }
0x108: {  	_ =	swait.ge [sflag:s5], $0x20  }
0x109: {  	s17 =	simm.s32 $0x20;
	[sflag:s5] =	ssyncset.done $0x0  }
0x10a: {  	s19 =	simm.s32 $0x17C80;
	s20 =	simm.s32 $0x11;
	[sflag:s5] =	ssyncadd.s32 $0xFFFFFFE0  }
0x10b: {  	[tilespmem:s19], [sflag:$0x11] =	stream.indirect.gather [spmem:s2], $0x40, s8, s17, $0xb8;
	[tilespmem:$0x18C80] =	vst v63  }
0x10c: {  	_ =	swait.ge [sflag:s20], $0x800  }
0x10d: {  	[sflag:s20] =	ssyncset.done $0x0  }
0x10e: {  	s31 =	rddreg [dreg:$0xb];
	[sflag:s20] =	ssyncadd.s32 $0xFFFFF800  }
0x10f: {  	[tilespmem:s8], [sflag:$0x12] =	stream.linear.gather [hbm4b:s31+s3], $0x20, $0x38;
	[tilespmem:$0x18C80] =	vst v63  }
0x110: {  	_ =	swait.ge [sflag:s5], $0x20  }
0x111: {  	[sflag:s5] =	ssyncset.done $0x0  }
0x112: {  	[sflag:s5] =	ssyncadd.s32 $0xFFFFFFE0  }
0x113: {  	v6 =	vld [tilespmem:$0x17C00]  }
0x114: {  	v7 =	vld [tilespmem:$0x17C10];
	_ =	sdelay $0x3  }
0x115: {  	vm0 =	vge.s32 v6, v0;
	vm1 =	vlt.s32 v6, v1;
	v6 =	vsub.s32 v6, v0  }
0x116: {  	vm14 =	vge.s32 v7, v0;
	vm2 =	vlt.s32 v7, v1;
	vm0 =	vmand vm0, vm1  }
0x117: {  	v7 =	vsub.s32 v7, v0;
	vm15 =	vmand vm14, vm2;
	v6 =	vsel vm0, v6, v4  }
0x118: {  	[tilespmem:$0x17C00] =	vst v6;
	v6 =	vsel vm15, v7, v5  }
0x119: {  	[tilespmem:$0x17C10] =	vst v6  }
0x11a: {  	[spmem:s0] =	stream.indirect.scatter.add.f32 [tilespmem:s19], [sflag:$0x12], $0x40, s8, s17, $0xb8;
	[tilespmem:$0x18C80] =	vst v63  }
0x11b: {  	_ =	swait.ge [sflag:s5], $0x800  }
0x11c: {  	[sflag:s5] =	ssyncset.done $0x0  }
0x11d: {  	[sflag:s5] =	ssyncadd.s32 $0xFFFFF800  }
0x11e: {  	[bflag:$0x0] =	sbarrier.arrive $0xFFFF  }
0x11f: {  	s8 =	rddreg [dreg:$0x9]  }
0x120: {  	s19 =	rddreg [dreg:$0xc]  }
0x121: {  	s20 =	rddreg [dreg:$0x18]  }
0x122: {  	[hbm:s19], [sflag:s8] =	dma.local [spmem:s20], $0x1400  }
0x123: {  	_ =	swait.ge [sflag:s5], $0x1400  }
0x124: {  	[sflag:s5] =	ssyncset.done $0x0  }
0x125: {  	[sflag:s5] =	ssyncadd.s32 $0xFFFFEC00  }
0x126: {  	[bflag:$0x0] =	sbarrier.arrive $0xFFFF  }
.Ltmp2:
0x127: {  	s31 =	rddreg [dreg:$0xd];
	(pc) =	sbr.rel @p0 .LBB2_7-.Ltmp2, $4  }
0x128: {  	[spmem:s20], [sflag:s8] =	dma.local [hbm:s31], $0x1400  }
0x129: {  	_ =	swait.ge [sflag:s5], $0x1400  }
0x12a: {  	[sflag:s5] =	ssyncset.done $0x0  }
0x12b: {  	[sflag:s5] =	ssyncadd.s32 $0xFFFFEC00  }
0x12c: {  	s15 =	rddreg [dreg:$0x10]  }
0x12d: {  	[spmem:s15] =	stream.linear.scatter [tilespmem:s10], [sflag:$0x12], $0x400, $0x38;
	[tilespmem:$0x18C80] =	vst v63  }
0x12e: {  	_ =	swait.ge [sflag:s5], $0x400  }
0x12f: {  	[sflag:s5] =	ssyncset.done $0x0  }
0x130: {  	s8 =	rddreg [dreg:$0x11];
	[sflag:s5] =	ssyncadd.s32 $0xFFFFFC00  }
0x131: {  	[spmem:s8] =	stream.linear.scatter [tilespmem:s10], [sflag:$0x12], $0x400, $0x38;
	[tilespmem:$0x18C80] =	vst v63  }
0x132: {  	_ =	swait.ge [sflag:s5], $0x400  }
0x133: {  	[sflag:s5] =	ssyncset.done $0x0  }
0x134: {  	s17 =	rddreg [dreg:$0x12];
	[sflag:s5] =	ssyncadd.s32 $0xFFFFFC00  }
0x135: {  	[spmem:s17] =	stream.linear.scatter [tilespmem:s10], [sflag:$0x12], $0x400, $0x38;
	[tilespmem:$0x18C80] =	vst v63  }
0x136: {  	_ =	swait.ge [sflag:s5], $0x400  }
0x137: {  	[sflag:s5] =	ssyncset.done $0x0  }
0x138: {  	s19 =	rddreg [dreg:$0x13];
	[sflag:s5] =	ssyncadd.s32 $0xFFFFFC00  }
0x139: {  	[spmem:s19] =	stream.linear.scatter [tilespmem:s10], [sflag:$0x12], $0x400, $0x38;
	[tilespmem:$0x18C80] =	vst v63  }
0x13a: {  	_ =	swait.ge [sflag:s5], $0x400  }
0x13b: {  	[sflag:s5] =	ssyncset.done $0x0  }
0x13c: {  	s20 =	rddreg [dreg:$0x14];
	[sflag:s5] =	ssyncadd.s32 $0xFFFFFC00  }
0x13d: {  	[spmem:s20] =	stream.linear.scatter [tilespmem:s10], [sflag:$0x12], $0x400, $0x38;
	[tilespmem:$0x18C80] =	vst v63  }
0x13e: {  	_ =	swait.ge [sflag:s5], $0x400  }
0x13f: {  	[sflag:s5] =	ssyncset.done $0x0  }
0x140: {  	s31 =	rddreg [dreg:$0x16];
	[sflag:s5] =	ssyncadd.s32 $0xFFFFFC00  }
0x141: {  	[spmem:s31] =	stream.linear.scatter [tilespmem:s10], [sflag:$0x12], $0x400, $0x38;
	[tilespmem:$0x18C80] =	vst v63  }
0x142: {  	_ =	swait.ge [sflag:s5], $0x400  }
0x143: {  	[sflag:s5] =	ssyncset.done $0x0  }
0x144: {  	s8 =	rddreg [dreg:$0x17];
	[sflag:s5] =	ssyncadd.s32 $0xFFFFFC00  }
0x145: {  	[spmem:s8] =	stream.linear.scatter [tilespmem:s10], [sflag:$0x12], $0x400, $0x38;
	[tilespmem:$0x18C80] =	vst v63  }
0x146: {  	_ =	swait.ge [sflag:s5], $0x400  }
0x147: {  	[sflag:s5] =	ssyncset.done $0x0  }
0x148: {  	s17 =	rddreg [dreg:$0x19];
	[sflag:s5] =	ssyncadd.s32 $0xFFFFFC00  }
0x149: {  	[spmem:s17] =	stream.linear.scatter [tilespmem:s10], [sflag:$0x12], $0x400, $0x38;
	[tilespmem:$0x18C80] =	vst v63  }
0x14a: {  	_ =	swait.ge [sflag:s5], $0x400  }
0x14b: {  	[sflag:s5] =	ssyncset.done $0x0  }
0x14c: {  	s19 =	rddreg [dreg:$0x1a];
	[sflag:s5] =	ssyncadd.s32 $0xFFFFFC00  }
0x14d: {  	[spmem:s19] =	stream.linear.scatter [tilespmem:s10], [sflag:$0x12], $0x400, $0x38;
	[tilespmem:$0x18C80] =	vst v63  }
0x14e: {  	_ =	swait.ge [sflag:s5], $0x400  }
0x14f: {  	[sflag:s5] =	ssyncset.done $0x0  }
0x150: {  	s20 =	rddreg [dreg:$0x1b];
	[sflag:s5] =	ssyncadd.s32 $0xFFFFFC00  }
0x151: {  	[spmem:s20] =	stream.linear.scatter [tilespmem:s10], [sflag:$0x12], $0x400, $0x38;
	[tilespmem:$0x18C80] =	vst v63  }
0x152: {  	_ =	swait.ge [sflag:s5], $0x400  }
0x153: {  	[sflag:s5] =	ssyncset.done $0x0  }
0x154: {  	s31 =	rddreg [dreg:$0x1c];
	[sflag:s5] =	ssyncadd.s32 $0xFFFFFC00  }
0x155: {  	[spmem:s31] =	stream.linear.scatter [tilespmem:s10], [sflag:$0x12], $0x400, $0x38;
	[tilespmem:$0x18C80] =	vst v63  }
0x156: {  	_ =	swait.ge [sflag:s5], $0x400  }
0x157: {  	[sflag:s5] =	ssyncset.done $0x0  }
0x158: {  	s8 =	rddreg [dreg:$0x1d];
	[sflag:s5] =	ssyncadd.s32 $0xFFFFFC00  }
0x159: {  	[spmem:s8] =	stream.linear.scatter [tilespmem:s10], [sflag:$0x12], $0x400, $0x38;
	[tilespmem:$0x18C80] =	vst v63  }
0x15a: {  	_ =	swait.ge [sflag:s5], $0x400  }
0x15b: {  	[sflag:s5] =	ssyncset.done $0x0  }
0x15c: {  	s17 =	rddreg [dreg:$0x1e];
	[sflag:s5] =	ssyncadd.s32 $0xFFFFFC00  }
0x15d: {  	[spmem:s17] =	stream.linear.scatter [tilespmem:s10], [sflag:$0x12], $0x400, $0x38;
	[tilespmem:$0x18C80] =	vst v63  }
0x15e: {  	_ =	swait.ge [sflag:s5], $0x400  }
0x15f: {  	[sflag:s5] =	ssyncset.done $0x0  }
0x160: {  	s19 =	rddreg [dreg:$0x1f];
	[sflag:s5] =	ssyncadd.s32 $0xFFFFFC00  }
0x161: {  	[spmem:s19] =	stream.linear.scatter [tilespmem:s10], [sflag:$0x12], $0x400, $0x38;
	[tilespmem:$0x18C80] =	vst v63  }
0x162: {  	_ =	swait.ge [sflag:s5], $0x400  }
0x163: {  	s20 =	sld [smem:$0x7ED]  }
0x164: {  	[sflag:s5] =	ssyncset.done $0x0  }
0x165: {  	[sflag:s5] =	ssyncadd.s32 $0xFFFFFC00  }
0x166: {  	[spmem:s20] =	stream.linear.scatter [tilespmem:s10], [sflag:$0x12], $0x400, $0x38;
	[tilespmem:$0x18C80] =	vst v63  }
0x167: {  	_ =	swait.ge [sflag:s5], $0x400  }
0x168: {  	s31 =	sld [smem:$0x7EE]  }
0x169: {  	[sflag:s5] =	ssyncset.done $0x0  }
0x16a: {  	[sflag:s5] =	ssyncadd.s32 $0xFFFFFC00  }
0x16b: {  	[spmem:s31] =	stream.linear.scatter [tilespmem:s10], [sflag:$0x12], $0x400, $0x38;
	[tilespmem:$0x18C80] =	vst v63  }
0x16c: {  	_ =	swait.ge [sflag:s5], $0x400  }
0x16d: {  	[sflag:s5] =	ssyncset.done $0x0  }
0x16e: {  	[sflag:s5] =	ssyncadd.s32 $0xFFFFFC00  }
.LBB2_7:
0x16f: {  	s15 =	rddreg [dreg:$0x7]  }
0x170: {  	[spmem:s15] =	stream.linear.scatter [tilespmem:s10], [sflag:$0x12], $0x400, $0x38;
	[tilespmem:$0x18C80] =	vst v63  }
0x171: {  	_ =	swait.ge [sflag:s5], $0x400  }
0x172: {  	s8 =	sld [smem:$0x7EF]  }
0x173: {  	[sflag:s5] =	ssyncset.done $0x0  }
0x174: {  	[sflag:s5] =	ssyncadd.s32 $0xFFFFFC00  }
0x175: {  	[spmem:s8] =	stream.linear.scatter [tilespmem:s10], [sflag:$0x12], $0x400, $0x38;
	[tilespmem:$0x18C80] =	vst v63  }
0x176: {  	_ =	swait.ge [sflag:s5], $0x400  }
0x177: {  	s17 =	sld [smem:$0x7F0]  }
0x178: {  	[sflag:s5] =	ssyncset.done $0x0  }
0x179: {  	[sflag:s5] =	ssyncadd.s32 $0xFFFFFC00  }
0x17a: {  	[spmem:s17] =	stream.linear.scatter [tilespmem:s10], [sflag:$0x12], $0x400, $0x38;
	[tilespmem:$0x18C80] =	vst v63  }
0x17b: {  	_ =	swait.ge [sflag:s5], $0x400  }
0x17c: {  	s19 =	sld [smem:$0x7F1]  }
0x17d: {  	[sflag:s5] =	ssyncset.done $0x0  }
0x17e: {  	[sflag:s5] =	ssyncadd.s32 $0xFFFFFC00  }
0x17f: {  	[spmem:s19] =	stream.linear.scatter [tilespmem:s10], [sflag:$0x12], $0x400, $0x38;
	[tilespmem:$0x18C80] =	vst v63  }
0x180: {  	_ =	swait.ge [sflag:s5], $0x400  }
0x181: {  	s20 =	sld [smem:$0x7F2]  }
0x182: {  	[sflag:s5] =	ssyncset.done $0x0  }
0x183: {  	[sflag:s5] =	ssyncadd.s32 $0xFFFFFC00  }
0x184: {  	[spmem:s20] =	stream.linear.scatter [tilespmem:s10], [sflag:$0x12], $0x400, $0x38;
	[tilespmem:$0x18C80] =	vst v63  }
0x185: {  	_ =	swait.ge [sflag:s5], $0x400  }
0x186: {  	s31 =	sld [smem:$0x7F3]  }
0x187: {  	[sflag:s5] =	ssyncset.done $0x0  }
0x188: {  	[sflag:s5] =	ssyncadd.s32 $0xFFFFFC00  }
0x189: {  	[spmem:s31] =	stream.linear.scatter [tilespmem:s10], [sflag:$0x12], $0x400, $0x38;
	[tilespmem:$0x18C80] =	vst v63  }
0x18a: {  	_ =	swait.ge [sflag:s5], $0x400  }
0x18b: {  	s8 =	sld [smem:$0x7F4]  }
0x18c: {  	[sflag:s5] =	ssyncset.done $0x0  }
0x18d: {  	[sflag:s5] =	ssyncadd.s32 $0xFFFFFC00  }
0x18e: {  	[spmem:s8] =	stream.linear.scatter [tilespmem:s10], [sflag:$0x12], $0x400, $0x38;
	[tilespmem:$0x18C80] =	vst v63  }
0x18f: {  	_ =	swait.ge [sflag:s5], $0x400  }
0x190: {  	s17 =	sld [smem:$0x7F5]  }
0x191: {  	[sflag:s5] =	ssyncset.done $0x0  }
0x192: {  	[sflag:s5] =	ssyncadd.s32 $0xFFFFFC00  }
0x193: {  	[spmem:s17] =	stream.linear.scatter [tilespmem:s10], [sflag:$0x12], $0x400, $0x38;
	[tilespmem:$0x18C80] =	vst v63  }
0x194: {  	_ =	swait.ge [sflag:s5], $0x400  }
0x195: {  	s19 =	sld [smem:$0x7F6]  }
0x196: {  	[sflag:s5] =	ssyncset.done $0x0  }
0x197: {  	[sflag:s5] =	ssyncadd.s32 $0xFFFFFC00  }
0x198: {  	[spmem:s19] =	stream.linear.scatter [tilespmem:s10], [sflag:$0x12], $0x400, $0x38;
	[tilespmem:$0x18C80] =	vst v63  }
0x199: {  	_ =	swait.ge [sflag:s5], $0x400  }
0x19a: {  	s20 =	sld [smem:$0x7F7]  }
0x19b: {  	[sflag:s5] =	ssyncset.done $0x0  }
0x19c: {  	[sflag:s5] =	ssyncadd.s32 $0xFFFFFC00  }
0x19d: {  	[spmem:s20] =	stream.linear.scatter [tilespmem:s10], [sflag:$0x12], $0x400, $0x38;
	[tilespmem:$0x18C80] =	vst v63  }
0x19e: {  	_ =	swait.ge [sflag:s5], $0x400  }
0x19f: {  	s31 =	sld [smem:$0x7F8]  }
0x1a0: {  	[sflag:s5] =	ssyncset.done $0x0  }
0x1a1: {  	[sflag:s5] =	ssyncadd.s32 $0xFFFFFC00  }
0x1a2: {  	[spmem:s31] =	stream.linear.scatter [tilespmem:s10], [sflag:$0x12], $0x400, $0x38;
	[tilespmem:$0x18C80] =	vst v63  }
0x1a3: {  	_ =	swait.ge [sflag:s5], $0x400  }
0x1a4: {  	s8 =	sld [smem:$0x7F9]  }
0x1a5: {  	[sflag:s5] =	ssyncset.done $0x0  }
0x1a6: {  	[sflag:s5] =	ssyncadd.s32 $0xFFFFFC00  }
0x1a7: {  	[spmem:s8] =	stream.linear.scatter [tilespmem:s10], [sflag:$0x12], $0x400, $0x38;
	[tilespmem:$0x18C80] =	vst v63  }
0x1a8: {  	_ =	swait.ge [sflag:s5], $0x400  }
0x1a9: {  	s17 =	sld [smem:$0x7FA]  }
0x1aa: {  	[sflag:s5] =	ssyncset.done $0x0  }
0x1ab: {  	[sflag:s5] =	ssyncadd.s32 $0xFFFFFC00  }
0x1ac: {  	[spmem:s17] =	stream.linear.scatter [tilespmem:s10], [sflag:$0x12], $0x400, $0x38;
	[tilespmem:$0x18C80] =	vst v63  }
0x1ad: {  	_ =	swait.ge [sflag:s5], $0x400  }
0x1ae: {  	s19 =	sld [smem:$0x7FB]  }
0x1af: {  	[sflag:s5] =	ssyncset.done $0x0  }
0x1b0: {  	[sflag:s5] =	ssyncadd.s32 $0xFFFFFC00  }
0x1b1: {  	[spmem:s19] =	stream.linear.scatter [tilespmem:s10], [sflag:$0x12], $0x400, $0x38;
	[tilespmem:$0x18C80] =	vst v63  }
0x1b2: {  	_ =	swait.ge [sflag:s5], $0x400  }
0x1b3: {  	s20 =	sld [smem:$0x7FC]  }
0x1b4: {  	[sflag:s5] =	ssyncset.done $0x0  }
0x1b5: {  	[sflag:s5] =	ssyncadd.s32 $0xFFFFFC00  }
0x1b6: {  	[spmem:s20] =	stream.linear.scatter [tilespmem:s10], [sflag:$0x12], $0x400, $0x38;
	[tilespmem:$0x18C80] =	vst v63  }
0x1b7: {  	_ =	swait.ge [sflag:s5], $0x400  }
0x1b8: {  	s31 =	sld [smem:$0x7FD]  }
0x1b9: {  	[sflag:s5] =	ssyncset.done $0x0  }
0x1ba: {  	[sflag:s5] =	ssyncadd.s32 $0xFFFFFC00  }
0x1bb: {  	[spmem:s31] =	stream.linear.scatter [tilespmem:s10], [sflag:$0x12], $0x400, $0x38;
	[tilespmem:$0x18C80] =	vst v63  }
0x1bc: {  	_ =	swait.ge [sflag:s5], $0x400  }
0x1bd: {  	[sflag:s5] =	ssyncset.done $0x0  }
0x1be: {  	[sflag:s5] =	ssyncadd.s32 $0xFFFFFC00  }
0x1bf: {  	[bflag:$0x0] =	sbarrier.arrive $0xFFFF  }
0x1c0: {  	s19 =	simm.s32 $0x70;
	s20 =	rddreg [dreg:$0x15]  }
.LBB2_8:
0x1c1: {  	s15 =	sadd.s32 s19, s20  }
0x1c2: {  	s17 =	sadd.s32 $0xFFFFFF90, s15  }
0x1c3: {  	[tilespmem:s3], [sflag:$0x1] =	stream.linear.gather [hbm4b:s17+s3], $0x80, $0x38;
	[tilespmem:$0x18C80] =	vst v63  }
0x1c4: {  	s17 =	sadd.s32 s19, s24  }
0x1c5: {  	s8 =	simm.s32 $0x200;
	s31 =	sadd.s32 $0xFFFFFF90, s17  }
0x1c6: {  	[tilespmem:s8], [sflag:$0x5] =	stream.linear.gather [hbm4b:s31+s3], $0x80, $0x38;
	[tilespmem:$0x18C80] =	vst v63  }
0x1c7: {  	s24 =	sadd.s32 $0xFFFFFFA0, s15  }
0x1c8: {  	[tilespmem:s12], [sflag:$0x2] =	stream.linear.gather [hbm4b:s24+s3], $0x80, $0x38;
	[tilespmem:$0x18C80] =	vst v63  }
0x1c9: {  	s31 =	sadd.s32 $0xFFFFFFA0, s17;
	s8 =	simm.s32 $0x280  }
0x1ca: {  	[tilespmem:s8], [sflag:$0x6] =	stream.linear.gather [hbm4b:s31+s3], $0x80, $0x38;
	[tilespmem:$0x18C80] =	vst v63  }
0x1cb: {  	s31 =	sadd.s32 $0xFFFFFFB0, s15;
	s8 =	simm.s32 $0x100  }
0x1cc: {  	[tilespmem:s8], [sflag:$0x3] =	stream.linear.gather [hbm4b:s31+s3], $0x80, $0x38;
	[tilespmem:$0x18C80] =	vst v63  }
0x1cd: {  	s24 =	sadd.s32 $0xFFFFFFB0, s17;
	s31 =	simm.s32 $0x300  }
0x1ce: {  	[tilespmem:s31], [sflag:$0x7] =	stream.linear.gather [hbm4b:s24+s3], $0x80, $0x38;
	[tilespmem:$0x18C80] =	vst v63  }
0x1cf: {  	s15 =	sadd.s32 $0xFFFFFFC0, s15;
	s31 =	simm.s32 $0x180  }
0x1d0: {  	[tilespmem:s31], [sflag:$0x4] =	stream.linear.gather [hbm4b:s15+s3], $0x80, $0x38;
	[tilespmem:$0x18C80] =	vst v63  }
0x1d1: {  	s20 =	simm.s32 $0x380;
	s17 =	sadd.s32 $0xFFFFFFC0, s17  }
0x1d2: {  	[tilespmem:s20], [sflag:$0x8] =	stream.linear.gather [hbm4b:s17+s3], $0x80, $0x38;
	[tilespmem:$0x18C80] =	vst v63  }
0x1d3: {  	_ =	swait.ge [sflag:s21], $0x80  }
0x1d4: {  	[sflag:s21] =	ssyncset.done $0x0  }
0x1d5: {  	[sflag:s21] =	ssyncadd.s32 $0xFFFFFF80  }
0x1d6: {  	_ =	swait.ge [sflag:s22], $0x80  }
0x1d7: {  	[sflag:s22] =	ssyncset.done $0x0  }
0x1d8: {  	[sflag:s22] =	ssyncadd.s32 $0xFFFFFF80  }
0x1d9: {  	v7 =	vld [tilespmem:$0x200]  }
0x1da: {  	s24 =	sadd.s32 $0xFFFFFFA0, s19;
	s22 =	sadd.s32 $0xFFFFFF90, s19;
	v8 =	vld [tilespmem:$0x210]  }
0x1db: {  	s20 =	sand.u32 $0x40, s22;
	s22 =	sand.u32 $0x50, s24;
	v9 =	vld [tilespmem:$0x220]  }
0x1dc: {  	v10 =	vld [tilespmem:$0x230];
	s15 =	sor.u32 $0x1400, s22;
	s22 =	sadd.s32 $0xFFFFFFB0, s19  }
0x1dd: {  	v14 =	vld [tilespmem:$0x240];
	s24 =	sor.u32 $0x1400, s20;
	s22 =	sand.u32 $0x60, s22  }
0x1de: {  	v16 =	vld [tilespmem:$0x250];
	v6 =	vor.u32 s24, v2;
	v13 =	vor.u32 s15, v2;
	s15 =	sor.u32 $0x1400, s22  }
0x1df: {  	v18 =	vld [tilespmem:$0x260];
	v12 =	vor.u32 s15, v2;
	vm0 =	vge.s32 v7, v0;
	vm1 =	vlt.s32 v7, v1  }
0x1e0: {  	v19 =	vld [tilespmem:$0x270];
	v7 =	vsub.s32 v7, v0;
	vm7 =	vge.s32 v8, v0;
	vm2 =	vlt.s32 v8, v1  }
0x1e1: {  	vm9 =	vge.s32 v9, v0;
	vm10 =	vlt.s32 v9, v1;
	v59 =	vsub.s32 v9, v0  }
0x1e2: {  	vm12 =	vge.s32 v10, v0;
	vm13 =	vlt.s32 v10, v1;
	v60 =	vsub.s32 v10, v0  }
0x1e3: {  	vm15 =	vge.s32 v14, v0;
	vm4 =	vlt.s32 v14, v1;
	v14 =	vsub.s32 v14, v0  }
0x1e4: {  	vm6 =	vge.s32 v16, v0;
	v61 =	vsub.s32 v16, v0;
	v21 =	vsub.s32 v18, v0  }
0x1e5: {  	s17 =	sadd.s32 $0xFFFFFFC0, s19;
	v23 =	vsub.s32 v19, v0;
	vm0 =	vmand vm0, vm1;
	vm8 =	vmand vm7, vm2  }
0x1e6: {  	s15 =	sand.u32 $0x70, s17;
	vm11 =	vmand vm9, vm10;
	vm14 =	vmand vm12, vm13;
	vm5 =	vmand vm15, vm4  }
0x1e7: {  	s17 =	sadd.s32 $0xFFFFFFE0, s19;
	s15 =	sor.u32 $0x1400, s15;
	vm7 =	vlt.s32 v16, v1;
	v11 =	vsel vm0, v7, v6;
	v7 =	vsub.s32 v8, v0  }
0x1e8: {  	s22 =	sxor.u32 $0x1440, s20;
	v17 =	vsel vm11, v59, v12;
	v15 =	vsel vm8, v7, v13;
	v7 =	vor.u32 s15, v2;
	s15 =	sand.u32 $0x50, s17;
	[tilespmem:$0x400] =	vst v11  }
0x1e9: {  	vm9 =	vge.s32 v18, v0;
	vm10 =	vlt.s32 v18, v1;
	v8 =	vor.u32 s22, v2;
	s22 =	sadd.s32 $0xFFFFFFF0, s19;
	[tilespmem:$0x420] =	vst v17;
	s15 =	sor.u32 $0x1400, s15  }
0x1ea: {  	vm12 =	vlt.s32 v19, v1;
	v14 =	vsel vm5, v14, v8;
	[tilespmem:$0x410] =	vst v15;
	v9 =	vor.u32 s15, v2;
	s15 =	sand.u32 $0x60, s22  }
0x1eb: {  	vm0 =	vmand vm9, vm10;
	vm8 =	vmand vm6, vm7;
	s17 =	sand.u32 $0x70, s19;
	v10 =	vsel vm14, v60, v7;
	[tilespmem:$0x440] =	vst v14;
	s15 =	sor.u32 $0x1400, s15  }
0x1ec: {  	vm11 =	vge.s32 v19, v0;
	[tilespmem:$0x430] =	vst v10;
	v62 =	vsel vm8, v61, v9;
	v63 =	vor.u32 s15, v2;
	s15 =	sor.u32 $0x1400, s17  }
0x1ed: {  	[tilespmem:$0x450] =	vst v62;
	v22 =	vsel vm0, v21, v63;
	vm0 =	vmand vm11, vm12;
	v10 =	vor.u32 s15, v2  }
0x1ee: {  	[tilespmem:$0x460] =	vst v22;
	v24 =	vsel vm0, v23, v10  }
0x1ef: {  	s22 =	simm.s32 $0x400;
	s17 =	simm.s32 $0x600;
	[tilespmem:$0x470] =	vst v24  }
0x1f0: {  	[tilespmem:s17], [sflag:$0x9] =	stream.indirect.gather [spmem:s0], $0x40, s22, s12, $0xb8;
	[tilespmem:$0x18C80] =	vst v63  }
0x1f1: {  	_ =	swait.ge [sflag:s25], $0x80  }
0x1f2: {  	[sflag:s25] =	ssyncset.done $0x0  }
0x1f3: {  	[sflag:s25] =	ssyncadd.s32 $0xFFFFFF80  }
0x1f4: {  	_ =	swait.ge [sflag:s26], $0x80  }
0x1f5: {  	[sflag:s26] =	ssyncset.done $0x0  }
0x1f6: {  	[sflag:s26] =	ssyncadd.s32 $0xFFFFFF80  }
0x1f7: {  	v25 =	vld [tilespmem:$0x280]  }
0x1f8: {  	v26 =	vld [tilespmem:$0x290]  }
0x1f9: {  	v27 =	vld [tilespmem:$0x2A0]  }
0x1fa: {  	v28 =	vld [tilespmem:$0x2B0]  }
0x1fb: {  	v29 =	vld [tilespmem:$0x2C0]  }
0x1fc: {  	v31 =	vld [tilespmem:$0x2D0]  }
0x1fd: {  	vm13 =	vge.s32 v25, v0;
	vm14 =	vlt.s32 v25, v1;
	v14 =	vsub.s32 v25, v0  }
0x1fe: {  	vm15 =	vge.s32 v26, v0;
	vm4 =	vlt.s32 v26, v1;
	v30 =	vsub.s32 v26, v0  }
0x1ff: {  	v20 =	vld [tilespmem:$0x2F0];
	vm6 =	vge.s32 v27, v0;
	vm7 =	vlt.s32 v27, v1;
	vm8 =	vge.s32 v28, v0  }
0x200: {  	vm9 =	vlt.s32 v28, v1;
	v16 =	vsub.s32 v27, v0;
	v17 =	vsub.s32 v28, v0  }
0x201: {  	v32 =	vld [tilespmem:$0x2E0];
	vm10 =	vge.s32 v29, v0;
	vm11 =	vlt.s32 v29, v1;
	vm12 =	vge.s32 v31, v0  }
0x202: {  	vm3 =	vlt.s32 v31, v1;
	v33 =	vsub.s32 v29, v0;
	vm0 =	vmand vm13, vm14  }
0x203: {  	v34 =	vsub.s32 v31, v0;
	vm5 =	vmand vm15, vm4;
	v13 =	vsel vm0, v14, v13  }
0x204: {  	v36 =	vsub.s32 v20, v0;
	vm1 =	vmand vm8, vm9;
	v14 =	vsel vm5, v30, v12;
	[tilespmem:$0x480] =	vst v13  }
0x205: {  	vm13 =	vmand vm12, vm3;
	vm0 =	vmand vm6, vm7;
	v17 =	vsel vm1, v17, v8;
	[tilespmem:$0x490] =	vst v14  }
0x206: {  	vm14 =	vge.s32 v32, v0;
	vm8 =	vlt.s32 v20, v1;
	v16 =	vsel vm0, v16, v7;
	[tilespmem:$0x4B0] =	vst v17  }
0x207: {  	vm7 =	vge.s32 v20, v0;
	vm0 =	vmand vm10, vm11;
	v14 =	vsel vm13, v34, v63;
	[tilespmem:$0x4A0] =	vst v16  }
0x208: {  	vm15 =	vlt.s32 v32, v1;
	vm9 =	vmand vm7, vm8;
	v13 =	vsel vm0, v33, v9;
	[tilespmem:$0x4D0] =	vst v14  }
0x209: {  	v35 =	vsub.s32 v32, v0;
	vm6 =	vmand vm14, vm15;
	v37 =	vsel vm9, v36, v6;
	[tilespmem:$0x4C0] =	vst v13  }
0x20a: {  	v13 =	vsel vm6, v35, v10;
	[tilespmem:$0x4F0] =	vst v37  }
0x20b: {  	s22 =	simm.s32 $0x4600;
	s26 =	simm.s32 $0x480;
	[tilespmem:$0x4E0] =	vst v13  }
0x20c: {  	[tilespmem:s22], [sflag:$0xA] =	stream.indirect.gather [spmem:s0], $0x40, s26, s12, $0xb8;
	[tilespmem:$0x18C80] =	vst v63  }
0x20d: {  	_ =	swait.ge [sflag:s29], $0x80  }
0x20e: {  	[sflag:s29] =	ssyncset.done $0x0  }
0x20f: {  	[sflag:s29] =	ssyncadd.s32 $0xFFFFFF80  }
0x210: {  	_ =	swait.ge [sflag:s30], $0x80  }
0x211: {  	[sflag:s30] =	ssyncset.done $0x0  }
0x212: {  	[sflag:s30] =	ssyncadd.s32 $0xFFFFFF80  }
0x213: {  	v38 =	vld [tilespmem:$0x300]  }
0x214: {  	v39 =	vld [tilespmem:$0x310]  }
0x215: {  	v40 =	vld [tilespmem:$0x320]  }
0x216: {  	v41 =	vld [tilespmem:$0x330]  }
0x217: {  	s26 =	sor.u32 $0x1410, s20;
	v43 =	vld [tilespmem:$0x340]  }
0x218: {  	v42 =	vor.u32 s26, v2;
	v45 =	vld [tilespmem:$0x350]  }
0x219: {  	vm10 =	vge.s32 v38, v0;
	vm11 =	vlt.s32 v38, v1;
	v13 =	vsub.s32 v38, v0  }
0x21a: {  	v47 =	vld [tilespmem:$0x370];
	vm12 =	vge.s32 v39, v0;
	vm13 =	vlt.s32 v39, v1;
	v44 =	vsub.s32 v39, v0  }
0x21b: {  	vm15 =	vge.s32 v40, v0;
	vm4 =	vlt.s32 v40, v1;
	vm5 =	vge.s32 v41, v0  }
0x21c: {  	v46 =	vld [tilespmem:$0x360];
	vm6 =	vlt.s32 v41, v1;
	v15 =	vsub.s32 v40, v0;
	v16 =	vsub.s32 v41, v0  }
0x21d: {  	vm7 =	vge.s32 v43, v0;
	vm8 =	vlt.s32 v43, v1;
	vm9 =	vge.s32 v45, v0  }
0x21e: {  	v48 =	vsub.s32 v43, v0;
	v49 =	vsub.s32 v45, v0;
	vm0 =	vmand vm10, vm11  }
0x21f: {  	v51 =	vsub.s32 v47, v0;
	vm14 =	vmand vm12, vm13;
	v12 =	vsel vm0, v13, v12  }
0x220: {  	vm1 =	vmand vm5, vm6;
	vm10 =	vlt.s32 v45, v1;
	v13 =	vsel vm14, v44, v7;
	[tilespmem:$0x500] =	vst v12  }
0x221: {  	vm12 =	vge.s32 v46, v0;
	vm0 =	vmand vm15, vm4;
	v16 =	vsel vm1, v16, v9;
	[tilespmem:$0x510] =	vst v13  }
0x222: {  	vm11 =	vmand vm9, vm10;
	vm15 =	vge.s32 v47, v0;
	v15 =	vsel vm0, v15, v8;
	[tilespmem:$0x530] =	vst v16  }
0x223: {  	vm4 =	vlt.s32 v47, v1;
	vm0 =	vmand vm7, vm8;
	v13 =	vsel vm11, v49, v10;
	[tilespmem:$0x520] =	vst v15  }
0x224: {  	vm13 =	vlt.s32 v46, v1;
	vm5 =	vmand vm15, vm4;
	v12 =	vsel vm0, v48, v63;
	[tilespmem:$0x550] =	vst v13  }
0x225: {  	v50 =	vsub.s32 v46, v0;
	vm14 =	vmand vm12, vm13;
	v52 =	vsel vm5, v51, v42;
	[tilespmem:$0x540] =	vst v12  }
0x226: {  	v12 =	vsel vm14, v50, v6;
	[tilespmem:$0x570] =	vst v52  }
0x227: {  	s15 =	simm.s32 $0x500;
	s26 =	simm.s32 $0x8600;
	[tilespmem:$0x560] =	vst v12  }
0x228: {  	[tilespmem:s26], [sflag:$0xB] =	stream.indirect.gather [spmem:s0], $0x40, s15, s12, $0xb8;
	[tilespmem:$0x18C80] =	vst v63  }
0x229: {  	_ =	swait.ge [sflag:s1], $0x80  }
0x22a: {  	[sflag:s1] =	ssyncset.done $0x0  }
0x22b: {  	[sflag:s1] =	ssyncadd.s32 $0xFFFFFF80  }
0x22c: {  	_ =	swait.ge [sflag:s14], $0x80  }
0x22d: {  	[sflag:s14] =	ssyncset.done $0x0  }
0x22e: {  	[sflag:s14] =	ssyncadd.s32 $0xFFFFFF80  }
0x22f: {  	v53 =	vld [tilespmem:$0x380]  }
0x230: {  	v54 =	vld [tilespmem:$0x390]  }
0x231: {  	v55 =	vld [tilespmem:$0x3A0]  }
0x232: {  	v56 =	vld [tilespmem:$0x3B0]  }
0x233: {  	s15 =	sor.u32 $0x1420, s20  }
0x234: {  	v57 =	vor.u32 s15, v2;
	v58 =	vld [tilespmem:$0x3C0]  }
0x235: {  	v60 =	vld [tilespmem:$0x3D0];
	vm6 =	vge.s32 v53, v0;
	vm7 =	vlt.s32 v53, v1;
	v12 =	vsub.s32 v53, v0  }
0x236: {  	v62 =	vld [tilespmem:$0x3F0];
	vm8 =	vge.s32 v54, v0;
	vm9 =	vlt.s32 v54, v1;
	v59 =	vsub.s32 v54, v0  }
0x237: {  	vm11 =	vge.s32 v55, v0;
	vm12 =	vlt.s32 v55, v1;
	vm13 =	vge.s32 v56, v0  }
0x238: {  	vm14 =	vlt.s32 v56, v1;
	v14 =	vsub.s32 v55, v0;
	v15 =	vsub.s32 v56, v0  }
0x239: {  	v61 =	vld [tilespmem:$0x3E0];
	vm15 =	vge.s32 v58, v0;
	vm0 =	vmand vm6, vm7;
	vm10 =	vmand vm8, vm9  }
0x23a: {  	vm1 =	vmand vm13, vm14;
	vm6 =	vlt.s32 v58, v1;
	vm7 =	vge.s32 v60, v0  }
0x23b: {  	vm8 =	vlt.s32 v60, v1;
	vm13 =	vge.s32 v62, v0;
	v7 =	vsel vm0, v12, v7  }
0x23c: {  	vm14 =	vlt.s32 v62, v1;
	v8 =	vsel vm10, v59, v8;
	vm0 =	vmand vm11, vm12;
	[tilespmem:$0x580] =	vst v7  }
0x23d: {  	v11 =	vsel vm1, v15, v63;
	vm9 =	vmand vm7, vm8;
	v63 =	vsub.s32 v60, v0;
	[tilespmem:$0x590] =	vst v8  }
0x23e: {  	vm10 =	vge.s32 v61, v0;
	vm11 =	vlt.s32 v61, v1;
	v9 =	vsel vm0, v14, v9;
	[tilespmem:$0x5B0] =	vst v11  }
0x23f: {  	vm0 =	vmand vm15, vm6;
	v7 =	vsub.s32 v58, v0;
	v6 =	vsel vm9, v63, v6;
	[tilespmem:$0x5A0] =	vst v9  }
0x240: {  	vm15 =	vmand vm13, vm14;
	v7 =	vsel vm0, v7, v10;
	[tilespmem:$0x5D0] =	vst v6;
	v6 =	vsub.s32 v62, v0  }
0x241: {  	vm12 =	vmand vm10, vm11;
	[tilespmem:$0x5C0] =	vst v7;
	v7 =	vsub.s32 v61, v0;
	v6 =	vsel vm15, v6, v57  }
0x242: {  	v7 =	vsel vm12, v7, v42;
	[tilespmem:$0x5F0] =	vst v6  }
0x243: {  	s29 =	simm.s32 $0x580;
	s15 =	simm.s32 $0xC600;
	[tilespmem:$0x5E0] =	vst v7  }
0x244: {  	[tilespmem:s15], [sflag:$0xC] =	stream.indirect.gather [spmem:s0], $0x40, s29, s12, $0xb8;
	[tilespmem:$0x18C80] =	vst v63  }
0x245: {  	s20 =	rddreg [dreg:$0x15];
	_ =	swait.ge [sflag:s9], $0x2000  }
0x246: {  	[sflag:s9] =	ssyncset.done $0x0  }
0x247: {  	[sflag:s9] =	ssyncadd.s32 $0xFFFFE000  }
0x248: {  	[spmem:s2] =	stream.indirect.scatter.add.f32 [tilespmem:s17], [sflag:$0xD], $0x40, s3, s12, $0xb8;
	[tilespmem:$0x18C80] =	vst v63  }
0x249: {  	_ =	swait.ge [sflag:s4], $0x2000  }
0x24a: {  	[sflag:s4] =	ssyncset.done $0x0  }
0x24b: {  	[sflag:s4] =	ssyncadd.s32 $0xFFFFE000  }
0x24c: {  	[spmem:s2] =	stream.indirect.scatter.add.f32 [tilespmem:s22], [sflag:$0xE], $0x40, s12, s12, $0xb8;
	[tilespmem:$0x18C80] =	vst v63  }
0x24d: {  	_ =	swait.ge [sflag:s11], $0x2000  }
0x24e: {  	[sflag:s11] =	ssyncset.done $0x0  }
0x24f: {  	[sflag:s11] =	ssyncadd.s32 $0xFFFFE000  }
0x250: {  	[spmem:s2] =	stream.indirect.scatter.add.f32 [tilespmem:s26], [sflag:$0xF], $0x40, s8, s12, $0xb8;
	[tilespmem:$0x18C80] =	vst v63  }
0x251: {  	_ =	swait.ge [sflag:s16], $0x2000  }
0x252: {  	[sflag:s16] =	ssyncset.done $0x0  }
0x253: {  	[sflag:s16] =	ssyncadd.s32 $0xFFFFE000  }
0x254: {  	[spmem:s2] =	stream.indirect.scatter.add.f32 [tilespmem:s15], [sflag:$0x10], $0x40, s31, s12, $0xb8;
	[tilespmem:$0x18C80] =	vst v63  }
0x255: {  	_ =	swait.ge [sflag:s23], $0x2000  }
0x256: {  	[sflag:s23] =	ssyncset.done $0x0  }
0x257: {  	[sflag:s23] =	ssyncadd.s32 $0xFFFFE000  }
0x258: {  	_ =	swait.ge [sflag:s6], $0x2000  }
0x259: {  	[sflag:s6] =	ssyncset.done $0x0  }
0x25a: {  	[sflag:s6] =	ssyncadd.s32 $0xFFFFE000  }
0x25b: {  	p1 =	sne.s32 s19, $0x9F0;
	_ =	swait.ge [sflag:s13], $0x2000  }
.Ltmp3:
0x25c: {  	[sflag:s13] =	ssyncset.done $0x0;
	(pc) =	sbr.rel @p1 .LBB2_8-.Ltmp3, $4  }
0x25d: {  	[sflag:s13] =	ssyncadd.s32 $0xFFFFE000  }
0x25e: {  	s24 =	smov.u32 s28;
	_ =	swait.ge [sflag:s18], $0x2000  }
0x25f: {  	s19 =	sadd.s32 $0x40, s19;
	s29 =	simm.s32 $0x3;
	[sflag:s18] =	ssyncset.done $0x0  }
0x260: {  	s22 =	simm.s32 $0x5;
	s26 =	simm.s32 $0x6;
	[sflag:s18] =	ssyncadd.s32 $0xFFFFE000  }
0x261: {  	s15 =	rddreg [dreg:$0xb];
	s8 =	simm.s32 $0x17C00  }
0x262: {  	[tilespmem:s8], [sflag:$0x12] =	stream.linear.gather [hbm4b:s15+s3], $0x20, $0x38;
	[tilespmem:$0x18C80] =	vst v63  }
0x263: {  	_ =	swait.ge [sflag:s5], $0x20  }
0x264: {  	[sflag:s5] =	ssyncset.done $0x0  }
0x265: {  	[sflag:s5] =	ssyncadd.s32 $0xFFFFFFE0  }
0x266: {  	v6 =	vld [tilespmem:$0x17C00]  }
0x267: {  	v7 =	vld [tilespmem:$0x17C10];
	_ =	sdelay $0x3  }
0x268: {  	vm0 =	vge.s32 v6, v0;
	vm1 =	vlt.s32 v6, v1;
	v6 =	vsub.s32 v6, v0  }
0x269: {  	vm14 =	vge.s32 v7, v0;
	vm2 =	vlt.s32 v7, v1;
	vm0 =	vmand vm0, vm1  }
0x26a: {  	v7 =	vsub.s32 v7, v0;
	vm15 =	vmand vm14, vm2;
	v6 =	vsel vm0, v6, v4  }
0x26b: {  	[tilespmem:$0x17C00] =	vst v6;
	v6 =	vsel vm15, v7, v5  }
0x26c: {  	s17 =	simm.s32 $0x20;
	s19 =	simm.s32 $0x17C80;
	s28 =	simm.s32 $0x11;
	[tilespmem:$0x17C10] =	vst v6  }
0x26d: {  	[tilespmem:s19], [sflag:$0x11] =	stream.indirect.gather [spmem:s0], $0x40, s8, s17, $0xb8;
	[tilespmem:$0x18C80] =	vst v63  }
0x26e: {  	_ =	swait.ge [sflag:s28], $0x800  }
0x26f: {  	[sflag:s28] =	ssyncset.done $0x0  }
0x270: {  	s31 =	rddreg [dreg:$0xa];
	[sflag:s28] =	ssyncadd.s32 $0xFFFFF800  }
0x271: {  	[tilespmem:s8], [sflag:$0x12] =	stream.linear.gather [hbm4b:s31+s3], $0x20, $0x38;
	[tilespmem:$0x18C80] =	vst v63  }
0x272: {  	_ =	swait.ge [sflag:s5], $0x20  }
0x273: {  	[sflag:s5] =	ssyncset.done $0x0  }
0x274: {  	[sflag:s5] =	ssyncadd.s32 $0xFFFFFFE0  }
0x275: {  	[spmem:s2] =	stream.indirect.scatter.add.f32 [tilespmem:s19], [sflag:$0x12], $0x40, s8, s17, $0xb8;
	[tilespmem:$0x18C80] =	vst v63  }
0x276: {  	_ =	swait.ge [sflag:s5], $0x800  }
0x277: {  	[sflag:s5] =	ssyncset.done $0x0  }
0x278: {  	[sflag:s5] =	ssyncadd.s32 $0xFFFFF800  }
0x279: {  	[bflag:$0x0] =	sbarrier.arrive $0xFFFF  }
0x27a: {  	s20 =	sld [smem:$0x7EC]  }
0x27b: {  	s17 =	rddreg [dreg:$0x9]  }
0x27c: {  	s19 =	rddreg [dreg:$0xe]  }
0x27d: {  	[hbm:s19], [sflag:s17] =	dma.local [spmem:s20], $0x800  }
0x27e: {  	_ =	swait.ge [sflag:s5], $0x800  }
0x27f: {  	s28 =	sld [smem:$0x7EB];
	_ =	sdelay $0x2  }
0x280: {  	s31 =	rddreg [dreg:$0xf];
	s8 =	sadd.s32 $0x1, s28  }
0x281: {  	p1 =	sne.s32 s8, s31  }
.Ltmp4:
0x282: {  	_ = 	snop;
	(pc) =	sbr.rel @p1 .LBB2_1-.Ltmp4, $3  }
0x283: {  	_ =	sdelay $0x1  }
0x284: {  	[sflag:s5] =	ssyncset.done $0x0  }
0x285: {  	[sflag:s5] =	ssyncadd.s32 $0xFFFFF800  }
0x286: {  	_ =	sfence.sel $0x180000  }
0x287: {  	[bflag:$0x0] =	sbarrier.arrive $0xFFFF  }
0x288: {  	_ =	strace $0x90000047  }
0x289: {  	[bflag:$0x2] =	sbarrier.arrive $0xFFFF  }
0x28a: {  	s0 =	rddreg [dreg:$0x6]  }
0x28b: {  	s0 =	sadd.s32 @!p0 $0x100000, s0  }
0x28c: {  	[sflag:s0] =	ssyncadd.tile.s32 @!p0 $0x1;
	_ =	shalt  }
.Lfunc_end2:
_tile_overlayer_lowered:
.L_overlay_start_2:
0x28d: {  	(tag) =	ssettag $0x2  }
0x28e: {  	s0 =	rddreg [dreg:$0x0];
	s2 =	stileid.u32  }
0x28f: {  	s1 =	rddreg [dreg:$0x1];
	p0 =	sne.s32 s2, $0x0  }
0x290: {  	s3 =	rddreg [dreg:$0x2];
	[bflag:$0x3] =	sbarrier.arrive $0xFFFF;
	s2 =	simm.s32 @!p0 $0x1C12  }
0x291: {  	[timem:s3], [sflag:s2] =	dma.local @!p0 [hbm:s0], s1  }
0x292: {  	s0 =	simm.s32 @!p0 $0x12  }
0x293: {  	_ =	swait.ge @!p0 [sflag:s0], s1  }
0x294: {  	s1 =	ssub.s32 @!p0 $0x0, s1;
	[sflag:s0] =	ssyncset.done @!p0 $0x0  }
0x295: {  	[sflag:s0] =	ssyncadd.s32 @!p0 s1  }
0x296: {  	[bflag:$0x3] =	sbarrier.arrive $0xFFFF  }
0x297: {  	_ =	shalt  }

</sc_bundles>
